<compile_context>
chip_gen: v7x
topology: tpu7x:2x2x1
jax: 0.10.2.dev20260603
libtpu: 0.0.44.dev20260713+nightly
codegen_flags: <defaults>
</compile_context>

<pallas_src>
import functools

import jax
import jax.numpy as jnp
from jax import lax
from jax.experimental import pallas as pl
from jax.experimental.pallas import tpu as pltpu
from jax.experimental.pallas import tpu_sc as plsc

N_NODES = 10000
N_EDGES = 160000
D_HALF = 128

NC = 2
NS = 16
CHUNK = 120
E_PER_SUBCORE = 10080
NCHUNKS = E_PER_SUBCORE // CHUNK
_UNPACK_OFFS = list(range(0, CHUNK - 15, 16))
if CHUNK % 16:
    _UNPACK_OFFS.append(CHUNK - 16)
E_PAD = E_PER_SUBCORE - N_EDGES // NS
ACC_ROWS = 10016
WB_ROWS = 80
WB_CHUNKS = N_NODES // WB_ROWS
WB_ITERS = (WB_CHUNKS + NS - 1) // NS


def _sc_gather_scatter(flo, fhi, pk):
    mesh = plsc.VectorSubcoreMesh(
        core_axis_name="c", subcore_axis_name="s",
        num_cores=NC, num_subcores=NS)

    @functools.partial(
        pl.kernel,
        out_type=jax.ShapeDtypeStruct((NC * N_NODES, D_HALF), jnp.float32),
        mesh=mesh,
        scratch_types=[
            pltpu.VMEM_SHARED((ACC_ROWS, D_HALF), jnp.float32),
            pltpu.VMEM((NCHUNKS, CHUNK), jnp.int32),
            pltpu.VMEM((CHUNK,), jnp.int32),
            pltpu.VMEM((CHUNK,), jnp.int32),
            pltpu.VMEM((CHUNK,), jnp.int32),
            pltpu.VMEM((CHUNK,), jnp.int32),
            pltpu.VMEM((CHUNK, D_HALF), jnp.float32),
            pltpu.VMEM((CHUNK, D_HALF), jnp.float32),
            pltpu.SemaphoreType.DMA,
            pltpu.SemaphoreType.DMA,
            pltpu.SemaphoreType.DMA,
            pltpu.SemaphoreType.DMA,
        ],
    )
    def k(flo_hbm, fhi_hbm, pk_hbm, out_hbm,
          acc, pk_v, sidx0, sidx1, didx0, didx1, rows0, rows1,
          gsem0, gsem1, ssem0, ssem1):
        c = lax.axis_index("c")
        s = lax.axis_index("s")

        def unpack(i, sidx_b, didx_b):
            for off in _UNPACK_OFFS:
                v = pk_v[i, pl.ds(off, 16)]
                sidx_b[pl.ds(off, 16)] = v & 0xFFFF
                didx_b[pl.ds(off, 16)] = v >> 16

        zv = jnp.zeros((16,), jnp.float32)

        def zrow(i, carry):
            for jj in range(D_HALF // 16):
                rows0[i, pl.ds(jj * 16, 16)] = zv
            return carry

        lax.fori_loop(0, WB_ROWS, zrow, 0)
        for i in range(WB_ITERS):
            idx = s + i * NS

            @pl.when(idx < WB_CHUNKS)
            def _():
                pltpu.async_copy(rows0.at[pl.ds(0, WB_ROWS)],
                                 acc.at[pl.ds(idx * WB_ROWS, WB_ROWS)], ssem0)

        pltpu.sync_copy(pk_hbm.at[s], pk_v)
        unpack(0, sidx0, didx0)
        unpack(1, sidx1, didx1)

        for i in range(WB_ITERS):
            idx = s + i * NS

            @pl.when(idx < WB_CHUNKS)
            def _():
                pltpu.make_async_copy(
                    rows0.at[pl.ds(0, WB_ROWS)],
                    acc.at[pl.ds(idx * WB_ROWS, WB_ROWS)], ssem0).wait()

        def do_edges(feat_hbm):
            pltpu.async_copy(feat_hbm.at[sidx0], rows0, gsem0)
            pltpu.async_copy(feat_hbm.at[sidx1], rows1, gsem1)

            plsc.subcore_barrier()

            def step(i, rows_b, gsem_b, sidx_b, didx_b):
                pltpu.make_async_copy(
                    feat_hbm.at[sidx_b], rows_b, gsem_b).wait()

                pltpu.sync_copy(rows_b, acc.at[didx_b], add=True)

                @pl.when(i + 2 < NCHUNKS)
                def _():
                    unpack(i + 2, sidx_b, didx_b)
                    pltpu.async_copy(feat_hbm.at[sidx_b], rows_b, gsem_b)

            def outer(t, carry):
                step(2 * t, rows0, gsem0, sidx0, didx0)
                step(2 * t + 1, rows1, gsem1, sidx1, didx1)
                return carry

            lax.fori_loop(0, NCHUNKS // 2, outer, 0)

        @pl.when(c == 0)
        def _():
            do_edges(flo_hbm)

        @pl.when(c == 1)
        def _():
            do_edges(fhi_hbm)

        plsc.subcore_barrier()

        bufs = (rows0, rows1)
        sems = (ssem0, ssem1)
        for i in range(WB_ITERS):
            idx = s + i * NS
            rb, sb = bufs[i % 2], sems[i % 2]

            if i >= 2:
                idx_prev = s + (i - 2) * NS

                @pl.when(idx_prev < WB_CHUNKS)
                def _():
                    off_p = idx_prev * WB_ROWS
                    pltpu.make_async_copy(
                        rb.at[pl.ds(0, WB_ROWS)],
                        out_hbm.at[pl.ds(c * N_NODES + off_p, WB_ROWS)],
                        sb).wait()

            @pl.when(idx < WB_CHUNKS)
            def _():
                off = idx * WB_ROWS
                pltpu.sync_copy(acc.at[pl.ds(off, WB_ROWS)],
                                rb.at[pl.ds(0, WB_ROWS)])
                pltpu.async_copy(rb.at[pl.ds(0, WB_ROWS)],
                                 out_hbm.at[pl.ds(c * N_NODES + off, WB_ROWS)],
                                 sb)

        for i in range(WB_ITERS - 2, WB_ITERS):
            idx = s + i * NS
            rb, sb = bufs[i % 2], sems[i % 2]

            @pl.when(idx < WB_CHUNKS)
            def _():
                off = idx * WB_ROWS
                pltpu.make_async_copy(
                    rb.at[pl.ds(0, WB_ROWS)],
                    out_hbm.at[pl.ds(c * N_NODES + off, WB_ROWS)], sb).wait()

    return k(flo, fhi, pk)


def _tc_body(x_ref, wt_ref, b_ref, o_ref):
    acc = jnp.dot(x_ref[0], wt_ref[:D_HALF, :],
                  preferred_element_type=jnp.float32)
    acc += jnp.dot(x_ref[1], wt_ref[D_HALF:, :],
                   preferred_element_type=jnp.float32)
    o_ref[...] = jnp.maximum(acc + b_ref[...], 0.0)


def _tc_linear_relu(agg2, wt, b2):
    blk = 2000
    grid = N_NODES // blk
    return pl.pallas_call(
        _tc_body,
        grid=(grid,),
        in_specs=[
            pl.BlockSpec((2, blk, D_HALF), lambda i: (0, i, 0)),
            pl.BlockSpec((2 * D_HALF, 2 * D_HALF), lambda i: (0, 0)),
            pl.BlockSpec((1, 2 * D_HALF), lambda i: (0, 0)),
        ],
        out_specs=pl.BlockSpec((blk, 2 * D_HALF), lambda i: (i, 0)),
        out_shape=jax.ShapeDtypeStruct((N_NODES, 2 * D_HALF), jnp.float32),
    )(agg2, wt, b2)


def kernel(feature, edge_index, W, b):
    src = edge_index[0].astype(jnp.int32)
    dst = edge_index[1].astype(jnp.int32)
    pk = (src | (dst << 16)).reshape(NS, N_EDGES // NS)
    pk = jnp.concatenate(
        [pk, jnp.full((NS, E_PAD), N_NODES << 16, jnp.int32)], axis=1)
    pk = pk.reshape(NS, NCHUNKS, CHUNK)
    flo = feature[:, :D_HALF]
    fhi = feature[:, D_HALF:]
    agg2 = _sc_gather_scatter(flo, fhi, pk)
    return _tc_linear_relu(agg2.reshape(NC, N_NODES, D_HALF), W.T,
                           b.reshape(1, 2 * D_HALF))

# --- scband reference (transcript-rebuilt; emitter-appended) ---
"""Pipeline reference for scband-graph-conv-layer-19774029431050 (READ-ONLY COPY).

The authoritative reference and input builder live on the scoring server;
editing this copy changes nothing except your own understanding.
"""

import jax, jax.numpy as jnp
import numpy as np

N_NODES = 10000
N_EDGES = 160000
D_IN = 256
D_OUT = 256


def setup_inputs(seed: int = 0) -> dict:
    key = jax.random.key(seed)
    k1, k2, k3, k4 = jax.random.split(key, 4)
    feature = jax.random.normal(k1, (N_NODES, D_IN), dtype=jnp.float32)
    edge_index = jax.random.randint(k2, (2, N_EDGES), 0, N_NODES, dtype=jnp.int64)
    # Linear layer params (PyTorch nn.Linear: out = x @ W.T + b)
    bound = 1.0 / np.sqrt(D_IN)
    W = jax.random.uniform(k3, (D_OUT, D_IN), minval=-bound, maxval=bound, dtype=jnp.float32)
    b = jax.random.uniform(k4, (D_OUT,), minval=-bound, maxval=bound, dtype=jnp.float32)
    return {"feature": feature, "edge_index": edge_index, "W": W, "b": b}


def reference(feature, edge_index, W, b):
    # gcn_msg = copy_src('h') ; gcn_reduce = sum -> scatter-add of source features into dst nodes
    src = edge_index[0]
    dst = edge_index[1]
    msg = jnp.take(feature, src, axis=0)          # gather: [E, D_IN]
    agg = jax.ops.segment_sum(msg, dst, num_segments=N_NODES)  # scatter-add: [N, D_IN]
    # NodeApplyModule: linear + activation
    h = agg @ W.T + b
    h = jax.nn.relu(h)
    return h

if __name__ == "__main__":
    import jax
    _d = setup_inputs()
    print(jax.jit(kernel)(*tuple(_d.values())))

</pallas_src>

<mosaic_0001>
#map = affine_map<(d0, d1) -> (0, 0)>
#map1 = affine_map<(d0, d1) -> (0, 0, 0)>
module attributes {stable_mosaic.version = 14 : i64} {
  func.func @k(%arg0: i32, %arg1: i32, %arg2: memref<10000x128xf32, #tpu.memory_space<hbm>>, %arg3: memref<10000x128xf32, #tpu.memory_space<hbm>>, %arg4: memref<16x84x120xi32, #tpu.memory_space<hbm>>, %arg5: memref<20000x128xf32, #tpu.memory_space<hbm>>, %arg6: memref<10016x128xf32, #tpu.memory_space<vmem_shared>>, %arg7: memref<84x120xi32, #tpu.memory_space<vmem>>, %arg8: memref<120xi32, #tpu.memory_space<vmem>>, %arg9: memref<120xi32, #tpu.memory_space<vmem>>, %arg10: memref<120xi32, #tpu.memory_space<vmem>>, %arg11: memref<120xi32, #tpu.memory_space<vmem>>, %arg12: memref<120x128xf32, #tpu.memory_space<vmem>>, %arg13: memref<120x128xf32, #tpu.memory_space<vmem>>, %arg14: memref<!tpu.dma_semaphore, #tpu.memory_space<semaphore_mem>>, %arg15: memref<!tpu.dma_semaphore, #tpu.memory_space<semaphore_mem>>, %arg16: memref<!tpu.dma_semaphore, #tpu.memory_space<semaphore_mem>>, %arg17: memref<!tpu.dma_semaphore, #tpu.memory_space<semaphore_mem>>) attributes {dimension_semantics = [#tpu.dimension_semantics<core_parallel>, #tpu.dimension_semantics<subcore_parallel>], iteration_bounds = array<i64: 2, 16>, scalar_prefetch = 0 : i64, scratch_operands = 12 : i64, tpu.core_type = #tpu.core_type<sc_vector_subcore>, window_params = [{transform_indices = #map}, {transform_indices = #map}, {transform_indices = #map1}, {transform_indices = #map}]} {
    %broadcast_in_dim3A = arith.constant 0.000000e+00 : f32
    %broadcast_in_dim3A_0 = vector.broadcast %broadcast_in_dim3A : f32 to vector<16xf32>
    %scan3A = arith.constant 0 : i32
    %scan3A_1 = arith.constant 0 : i32
    %scan3A_2 = arith.constant 80 : i32
    %scan3A_3 = arith.addi %scan3A_1, %scan3A_2 : i32
    %scan3A_4 = arith.constant 1 : i32
    scf.for %scan3A_535 = %scan3A_1 to %scan3A_3 step %scan3A_4  : i32 {
      %swap3A_536 = arith.index_cast %scan3A_535 : i32 to index
      %swap3A_537 = arith.constant 0 : index
      %swap3A_538 = tpu.vector_load %arg12[%swap3A_536, %swap3A_537] {strides = array<i32>} : memref<120x128xf32, #tpu.memory_space<vmem>>, vector<1x16xf32>,
      %swap3A_539 = vector.shape_cast %swap3A_538 : vector<1x16xf32> to vector<16xf32>
      %swap3A_540 = vector.shape_cast %broadcast_in_dim3A_0 : vector<16xf32> to vector<1x16xf32>
      tpu.vector_store %arg12[%swap3A_536, %swap3A_537], %swap3A_540 {strides = array<i32>} : memref<120x128xf32, #tpu.memory_space<vmem>>, vector<1x16xf32>,
      %swap3A_541 = arith.index_cast %scan3A_535 : i32 to index
      %swap3A_542 = arith.constant 16 : index
      %swap3A_543 = tpu.vector_load %arg12[%swap3A_541, %swap3A_542] {strides = array<i32>} : memref<120x128xf32, #tpu.memory_space<vmem>>, vector<1x16xf32>,
      %swap3A_544 = vector.shape_cast %swap3A_543 : vector<1x16xf32> to vector<16xf32>
      %swap3A_545 = vector.shape_cast %broadcast_in_dim3A_0 : vector<16xf32> to vector<1x16xf32>
      tpu.vector_store %arg12[%swap3A_541, %swap3A_542], %swap3A_545 {strides = array<i32>} : memref<120x128xf32, #tpu.memory_space<vmem>>, vector<1x16xf32>,
      %swap3A_546 = arith.index_cast %scan3A_535 : i32 to index
      %swap3A_547 = arith.constant 32 : index
      %swap3A_548 = tpu.vector_load %arg12[%swap3A_546, %swap3A_547] {strides = array<i32>} : memref<120x128xf32, #tpu.memory_space<vmem>>, vector<1x16xf32>,
      %swap3A_549 = vector.shape_cast %swap3A_548 : vector<1x16xf32> to vector<16xf32>
      %swap3A_550 = vector.shape_cast %broadcast_in_dim3A_0 : vector<16xf32> to vector<1x16xf32>
      tpu.vector_store %arg12[%swap3A_546, %swap3A_547], %swap3A_550 {strides = array<i32>} : memref<120x128xf32, #tpu.memory_space<vmem>>, vector<1x16xf32>,
      %swap3A_551 = arith.index_cast %scan3A_535 : i32 to index
      %swap3A_552 = arith.constant 48 : index
      %swap3A_553 = tpu.vector_load %arg12[%swap3A_551, %swap3A_552] {strides = array<i32>} : memref<120x128xf32, #tpu.memory_space<vmem>>, vector<1x16xf32>,
      %swap3A_554 = vector.shape_cast %swap3A_553 : vector<1x16xf32> to vector<16xf32>
      %swap3A_555 = vector.shape_cast %broadcast_in_dim3A_0 : vector<16xf32> to vector<1x16xf32>
      tpu.vector_store %arg12[%swap3A_551, %swap3A_552], %swap3A_555 {strides = array<i32>} : memref<120x128xf32, #tpu.memory_space<vmem>>, vector<1x16xf32>,
      %swap3A_556 = arith.index_cast %scan3A_535 : i32 to index
      %swap3A_557 = arith.constant 64 : index
      %swap3A_558 = tpu.vector_load %arg12[%swap3A_556, %swap3A_557] {strides = array<i32>} : memref<120x128xf32, #tpu.memory_space<vmem>>, vector<1x16xf32>,
      %swap3A_559 = vector.shape_cast %swap3A_558 : vector<1x16xf32> to vector<16xf32>
      %swap3A_560 = vector.shape_cast %broadcast_in_dim3A_0 : vector<16xf32> to vector<1x16xf32>
      tpu.vector_store %arg12[%swap3A_556, %swap3A_557], %swap3A_560 {strides = array<i32>} : memref<120x128xf32, #tpu.memory_space<vmem>>, vector<1x16xf32>,
      %swap3A_561 = arith.index_cast %scan3A_535 : i32 to index
      %swap3A_562 = arith.constant 80 : index
      %swap3A_563 = tpu.vector_load %arg12[%swap3A_561, %swap3A_562] {strides = array<i32>} : memref<120x128xf32, #tpu.memory_space<vmem>>, vector<1x16xf32>,
      %swap3A_564 = vector.shape_cast %swap3A_563 : vector<1x16xf32> to vector<16xf32>
      %swap3A_565 = vector.shape_cast %broadcast_in_dim3A_0 : vector<16xf32> to vector<1x16xf32>
      tpu.vector_store %arg12[%swap3A_561, %swap3A_562], %swap3A_565 {strides = array<i32>} : memref<120x128xf32, #tpu.memory_space<vmem>>, vector<1x16xf32>,
      %swap3A_566 = arith.index_cast %scan3A_535 : i32 to index
      %swap3A_567 = arith.constant 96 : index
      %swap3A_568 = tpu.vector_load %arg12[%swap3A_566, %swap3A_567] {strides = array<i32>} : memref<120x128xf32, #tpu.memory_space<vmem>>, vector<1x16xf32>,
      %swap3A_569 = vector.shape_cast %swap3A_568 : vector<1x16xf32> to vector<16xf32>
      %swap3A_570 = vector.shape_cast %broadcast_in_dim3A_0 : vector<16xf32> to vector<1x16xf32>
      tpu.vector_store %arg12[%swap3A_566, %swap3A_567], %swap3A_570 {strides = array<i32>} : memref<120x128xf32, #tpu.memory_space<vmem>>, vector<1x16xf32>,
      %swap3A_571 = arith.index_cast %scan3A_535 : i32 to index
      %swap3A_572 = arith.constant 112 : index
      %swap3A_573 = tpu.vector_load %arg12[%swap3A_571, %swap3A_572] {strides = array<i32>} : memref<120x128xf32, #tpu.memory_space<vmem>>, vector<1x16xf32>,
      %swap3A_574 = vector.shape_cast %swap3A_573 : vector<1x16xf32> to vector<16xf32>
      %swap3A_575 = vector.shape_cast %broadcast_in_dim3A_0 : vector<16xf32> to vector<1x16xf32>
      tpu.vector_store %arg12[%swap3A_571, %swap3A_572], %swap3A_575 {strides = array<i32>} : memref<120x128xf32, #tpu.memory_space<vmem>>, vector<1x16xf32>,
    }
    %scan3A_5 = arith.constant 80 : i32
    %add3A = arith.constant 0 : i32
    %add3A_6 = arith.addi %arg1, %add3A : i32
    %lt3A = arith.constant 125 : i32
    %lt3A_7 = arith.cmpi slt, %add3A_6, %lt3A : i32
    %convert_element_type3A = arith.extui %lt3A_7 : i1 to i32
    %cond3A = arith.constant 0 : i32
    %cond3A_8 = arith.cmpi ne, %convert_element_type3A, %cond3A : i32
    scf.if %cond3A_8 {
      %mul3A = arith.constant 80 : i32
      %mul3A_535 = arith.muli %add3A_6, %mul3A : i32
      %dma_start3A = arith.constant 0 : i32
      %dma_start3A_536 = arith.constant 0 : i32
      %dma_start3A_537 = tpu.memref_slice %arg12[%dma_start3A, %dma_start3A_536] : memref<120x128xf32, #tpu.memory_space<vmem>> -> memref<80x128xf32, #tpu.memory_space<vmem>>
      %dma_start3A_538 = arith.constant 0 : i32
      %dma_start3A_539 = tpu.memref_slice %arg6[%mul3A_535, %dma_start3A_538] : memref<10016x128xf32, #tpu.memory_space<vmem_shared>> -> memref<80x128xf32, #tpu.memory_space<vmem_shared>>
      %dma_start3A_540 = arith.constant 0 : i32
      %dma_start3A_541 = tpu.memref_slice %arg6[%mul3A_535, %dma_start3A_540] : memref<10016x128xf32, #tpu.memory_space<vmem_shared>> -> memref<80x128xf32, #tpu.memory_space<vmem_shared>>
      %dma_start3A_542 = arith.constant 0 : i32
      %dma_start3A_543 = arith.constant 0 : i32
      %dma_start3A_544 = tpu.memref_slice %arg12[%dma_start3A_542, %dma_start3A_543] : memref<120x128xf32, #tpu.memory_space<vmem>> -> memref<80x128xf32, #tpu.memory_space<vmem>>
      tpu.enqueue_dma source(%dma_start3A_544 : memref<80x128xf32, #tpu.memory_space<vmem>>) target(%dma_start3A_541 : memref<80x128xf32, #tpu.memory_space<vmem_shared>>) target_semaphore(%arg16 : memref<!tpu.dma_semaphore, #tpu.memory_space<semaphore_mem>>)
    } else {
    }
    %add3A_9 = arith.constant 16 : i32
    %add3A_10 = arith.addi %arg1, %add3A_9 : i32
    %lt3A_11 = arith.constant 125 : i32
    %lt3A_12 = arith.cmpi slt, %add3A_10, %lt3A_11 : i32
    %convert_element_type3A_13 = arith.extui %lt3A_12 : i1 to i32
    %cond3A_14 = arith.constant 0 : i32
    %cond3A_15 = arith.cmpi ne, %convert_element_type3A_13, %cond3A_14 : i32
    scf.if %cond3A_15 {
      %mul3A = arith.constant 80 : i32
      %mul3A_535 = arith.muli %add3A_10, %mul3A : i32
      %dma_start3A = arith.constant 0 : i32
      %dma_start3A_536 = arith.constant 0 : i32
      %dma_start3A_537 = tpu.memref_slice %arg12[%dma_start3A, %dma_start3A_536] : memref<120x128xf32, #tpu.memory_space<vmem>> -> memref<80x128xf32, #tpu.memory_space<vmem>>
      %dma_start3A_538 = arith.constant 0 : i32
      %dma_start3A_539 = tpu.memref_slice %arg6[%mul3A_535, %dma_start3A_538] : memref<10016x128xf32, #tpu.memory_space<vmem_shared>> -> memref<80x128xf32, #tpu.memory_space<vmem_shared>>
      %dma_start3A_540 = arith.constant 0 : i32
      %dma_start3A_541 = tpu.memref_slice %arg6[%mul3A_535, %dma_start3A_540] : memref<10016x128xf32, #tpu.memory_space<vmem_shared>> -> memref<80x128xf32, #tpu.memory_space<vmem_shared>>
      %dma_start3A_542 = arith.constant 0 : i32
      %dma_start3A_543 = arith.constant 0 : i32
      %dma_start3A_544 = tpu.memref_slice %arg12[%dma_start3A_542, %dma_start3A_543] : memref<120x128xf32, #tpu.memory_space<vmem>> -> memref<80x128xf32, #tpu.memory_space<vmem>>
      tpu.enqueue_dma source(%dma_start3A_544 : memref<80x128xf32, #tpu.memory_space<vmem>>) target(%dma_start3A_541 : memref<80x128xf32, #tpu.memory_space<vmem_shared>>) target_semaphore(%arg16 : memref<!tpu.dma_semaphore, #tpu.memory_space<semaphore_mem>>)
    } else {
    }
    %add3A_16 = arith.constant 32 : i32
    %add3A_17 = arith.addi %arg1, %add3A_16 : i32
    %lt3A_18 = arith.constant 125 : i32
    %lt3A_19 = arith.cmpi slt, %add3A_17, %lt3A_18 : i32
    %convert_element_type3A_20 = arith.extui %lt3A_19 : i1 to i32
    %cond3A_21 = arith.constant 0 : i32
    %cond3A_22 = arith.cmpi ne, %convert_element_type3A_20, %cond3A_21 : i32
    scf.if %cond3A_22 {
      %mul3A = arith.constant 80 : i32
      %mul3A_535 = arith.muli %add3A_17, %mul3A : i32
      %dma_start3A = arith.constant 0 : i32
      %dma_start3A_536 = arith.constant 0 : i32
      %dma_start3A_537 = tpu.memref_slice %arg12[%dma_start3A, %dma_start3A_536] : memref<120x128xf32, #tpu.memory_space<vmem>> -> memref<80x128xf32, #tpu.memory_space<vmem>>
      %dma_start3A_538 = arith.constant 0 : i32
      %dma_start3A_539 = tpu.memref_slice %arg6[%mul3A_535, %dma_start3A_538] : memref<10016x128xf32, #tpu.memory_space<vmem_shared>> -> memref<80x128xf32, #tpu.memory_space<vmem_shared>>
      %dma_start3A_540 = arith.constant 0 : i32
      %dma_start3A_541 = tpu.memref_slice %arg6[%mul3A_535, %dma_start3A_540] : memref<10016x128xf32, #tpu.memory_space<vmem_shared>> -> memref<80x128xf32, #tpu.memory_space<vmem_shared>>
      %dma_start3A_542 = arith.constant 0 : i32
      %dma_start3A_543 = arith.constant 0 : i32
      %dma_start3A_544 = tpu.memref_slice %arg12[%dma_start3A_542, %dma_start3A_543] : memref<120x128xf32, #tpu.memory_space<vmem>> -> memref<80x128xf32, #tpu.memory_space<vmem>>
      tpu.enqueue_dma source(%dma_start3A_544 : memref<80x128xf32, #tpu.memory_space<vmem>>) target(%dma_start3A_541 : memref<80x128xf32, #tpu.memory_space<vmem_shared>>) target_semaphore(%arg16 : memref<!tpu.dma_semaphore, #tpu.memory_space<semaphore_mem>>)
    } else {
    }
    %add3A_23 = arith.constant 48 : i32
    %add3A_24 = arith.addi %arg1, %add3A_23 : i32
    %lt3A_25 = arith.constant 125 : i32
    %lt3A_26 = arith.cmpi slt, %add3A_24, %lt3A_25 : i32
    %convert_element_type3A_27 = arith.extui %lt3A_26 : i1 to i32
    %cond3A_28 = arith.constant 0 : i32
    %cond3A_29 = arith.cmpi ne, %convert_element_type3A_27, %cond3A_28 : i32
    scf.if %cond3A_29 {
      %mul3A = arith.constant 80 : i32
      %mul3A_535 = arith.muli %add3A_24, %mul3A : i32
      %dma_start3A = arith.constant 0 : i32
      %dma_start3A_536 = arith.constant 0 : i32
      %dma_start3A_537 = tpu.memref_slice %arg12[%dma_start3A, %dma_start3A_536] : memref<120x128xf32, #tpu.memory_space<vmem>> -> memref<80x128xf32, #tpu.memory_space<vmem>>
      %dma_start3A_538 = arith.constant 0 : i32
      %dma_start3A_539 = tpu.memref_slice %arg6[%mul3A_535, %dma_start3A_538] : memref<10016x128xf32, #tpu.memory_space<vmem_shared>> -> memref<80x128xf32, #tpu.memory_space<vmem_shared>>
      %dma_start3A_540 = arith.constant 0 : i32
      %dma_start3A_541 = tpu.memref_slice %arg6[%mul3A_535, %dma_start3A_540] : memref<10016x128xf32, #tpu.memory_space<vmem_shared>> -> memref<80x128xf32, #tpu.memory_space<vmem_shared>>
      %dma_start3A_542 = arith.constant 0 : i32
      %dma_start3A_543 = arith.constant 0 : i32
      %dma_start3A_544 = tpu.memref_slice %arg12[%dma_start3A_542, %dma_start3A_543] : memref<120x128xf32, #tpu.memory_space<vmem>> -> memref<80x128xf32, #tpu.memory_space<vmem>>
      tpu.enqueue_dma source(%dma_start3A_544 : memref<80x128xf32, #tpu.memory_space<vmem>>) target(%dma_start3A_541 : memref<80x128xf32, #tpu.memory_space<vmem_shared>>) target_semaphore(%arg16 : memref<!tpu.dma_semaphore, #tpu.memory_space<semaphore_mem>>)
    } else {
    }
    %add3A_30 = arith.constant 64 : i32
    %add3A_31 = arith.addi %arg1, %add3A_30 : i32
    %lt3A_32 = arith.constant 125 : i32
    %lt3A_33 = arith.cmpi slt, %add3A_31, %lt3A_32 : i32
    %convert_element_type3A_34 = arith.extui %lt3A_33 : i1 to i32
    %cond3A_35 = arith.constant 0 : i32
    %cond3A_36 = arith.cmpi ne, %convert_element_type3A_34, %cond3A_35 : i32
    scf.if %cond3A_36 {
      %mul3A = arith.constant 80 : i32
      %mul3A_535 = arith.muli %add3A_31, %mul3A : i32
      %dma_start3A = arith.constant 0 : i32
      %dma_start3A_536 = arith.constant 0 : i32
      %dma_start3A_537 = tpu.memref_slice %arg12[%dma_start3A, %dma_start3A_536] : memref<120x128xf32, #tpu.memory_space<vmem>> -> memref<80x128xf32, #tpu.memory_space<vmem>>
      %dma_start3A_538 = arith.constant 0 : i32
      %dma_start3A_539 = tpu.memref_slice %arg6[%mul3A_535, %dma_start3A_538] : memref<10016x128xf32, #tpu.memory_space<vmem_shared>> -> memref<80x128xf32, #tpu.memory_space<vmem_shared>>
      %dma_start3A_540 = arith.constant 0 : i32
      %dma_start3A_541 = tpu.memref_slice %arg6[%mul3A_535, %dma_start3A_540] : memref<10016x128xf32, #tpu.memory_space<vmem_shared>> -> memref<80x128xf32, #tpu.memory_space<vmem_shared>>
      %dma_start3A_542 = arith.constant 0 : i32
      %dma_start3A_543 = arith.constant 0 : i32
      %dma_start3A_544 = tpu.memref_slice %arg12[%dma_start3A_542, %dma_start3A_543] : memref<120x128xf32, #tpu.memory_space<vmem>> -> memref<80x128xf32, #tpu.memory_space<vmem>>
      tpu.enqueue_dma source(%dma_start3A_544 : memref<80x128xf32, #tpu.memory_space<vmem>>) target(%dma_start3A_541 : memref<80x128xf32, #tpu.memory_space<vmem_shared>>) target_semaphore(%arg16 : memref<!tpu.dma_semaphore, #tpu.memory_space<semaphore_mem>>)
    } else {
    }
    %add3A_37 = arith.constant 80 : i32
    %add3A_38 = arith.addi %arg1, %add3A_37 : i32
    %lt3A_39 = arith.constant 125 : i32
    %lt3A_40 = arith.cmpi slt, %add3A_38, %lt3A_39 : i32
    %convert_element_type3A_41 = arith.extui %lt3A_40 : i1 to i32
    %cond3A_42 = arith.constant 0 : i32
    %cond3A_43 = arith.cmpi ne, %convert_element_type3A_41, %cond3A_42 : i32
    scf.if %cond3A_43 {
      %mul3A = arith.constant 80 : i32
      %mul3A_535 = arith.muli %add3A_38, %mul3A : i32
      %dma_start3A = arith.constant 0 : i32
      %dma_start3A_536 = arith.constant 0 : i32
      %dma_start3A_537 = tpu.memref_slice %arg12[%dma_start3A, %dma_start3A_536] : memref<120x128xf32, #tpu.memory_space<vmem>> -> memref<80x128xf32, #tpu.memory_space<vmem>>
      %dma_start3A_538 = arith.constant 0 : i32
      %dma_start3A_539 = tpu.memref_slice %arg6[%mul3A_535, %dma_start3A_538] : memref<10016x128xf32, #tpu.memory_space<vmem_shared>> -> memref<80x128xf32, #tpu.memory_space<vmem_shared>>
      %dma_start3A_540 = arith.constant 0 : i32
      %dma_start3A_541 = tpu.memref_slice %arg6[%mul3A_535, %dma_start3A_540] : memref<10016x128xf32, #tpu.memory_space<vmem_shared>> -> memref<80x128xf32, #tpu.memory_space<vmem_shared>>
      %dma_start3A_542 = arith.constant 0 : i32
      %dma_start3A_543 = arith.constant 0 : i32
      %dma_start3A_544 = tpu.memref_slice %arg12[%dma_start3A_542, %dma_start3A_543] : memref<120x128xf32, #tpu.memory_space<vmem>> -> memref<80x128xf32, #tpu.memory_space<vmem>>
      tpu.enqueue_dma source(%dma_start3A_544 : memref<80x128xf32, #tpu.memory_space<vmem>>) target(%dma_start3A_541 : memref<80x128xf32, #tpu.memory_space<vmem_shared>>) target_semaphore(%arg16 : memref<!tpu.dma_semaphore, #tpu.memory_space<semaphore_mem>>)
    } else {
    }
    %add3A_44 = arith.constant 96 : i32
    %add3A_45 = arith.addi %arg1, %add3A_44 : i32
    %lt3A_46 = arith.constant 125 : i32
    %lt3A_47 = arith.cmpi slt, %add3A_45, %lt3A_46 : i32
    %convert_element_type3A_48 = arith.extui %lt3A_47 : i1 to i32
    %cond3A_49 = arith.constant 0 : i32
    %cond3A_50 = arith.cmpi ne, %convert_element_type3A_48, %cond3A_49 : i32
    scf.if %cond3A_50 {
      %mul3A = arith.constant 80 : i32
      %mul3A_535 = arith.muli %add3A_45, %mul3A : i32
      %dma_start3A = arith.constant 0 : i32
      %dma_start3A_536 = arith.constant 0 : i32
      %dma_start3A_537 = tpu.memref_slice %arg12[%dma_start3A, %dma_start3A_536] : memref<120x128xf32, #tpu.memory_space<vmem>> -> memref<80x128xf32, #tpu.memory_space<vmem>>
      %dma_start3A_538 = arith.constant 0 : i32
      %dma_start3A_539 = tpu.memref_slice %arg6[%mul3A_535, %dma_start3A_538] : memref<10016x128xf32, #tpu.memory_space<vmem_shared>> -> memref<80x128xf32, #tpu.memory_space<vmem_shared>>
      %dma_start3A_540 = arith.constant 0 : i32
      %dma_start3A_541 = tpu.memref_slice %arg6[%mul3A_535, %dma_start3A_540] : memref<10016x128xf32, #tpu.memory_space<vmem_shared>> -> memref<80x128xf32, #tpu.memory_space<vmem_shared>>
      %dma_start3A_542 = arith.constant 0 : i32
      %dma_start3A_543 = arith.constant 0 : i32
      %dma_start3A_544 = tpu.memref_slice %arg12[%dma_start3A_542, %dma_start3A_543] : memref<120x128xf32, #tpu.memory_space<vmem>> -> memref<80x128xf32, #tpu.memory_space<vmem>>
      tpu.enqueue_dma source(%dma_start3A_544 : memref<80x128xf32, #tpu.memory_space<vmem>>) target(%dma_start3A_541 : memref<80x128xf32, #tpu.memory_space<vmem_shared>>) target_semaphore(%arg16 : memref<!tpu.dma_semaphore, #tpu.memory_space<semaphore_mem>>)
    } else {
    }
    %add3A_51 = arith.constant 112 : i32
    %add3A_52 = arith.addi %arg1, %add3A_51 : i32
    %lt3A_53 = arith.constant 125 : i32
    %lt3A_54 = arith.cmpi slt, %add3A_52, %lt3A_53 : i32
    %convert_element_type3A_55 = arith.extui %lt3A_54 : i1 to i32
    %cond3A_56 = arith.constant 0 : i32
    %cond3A_57 = arith.cmpi ne, %convert_element_type3A_55, %cond3A_56 : i32
    scf.if %cond3A_57 {
      %mul3A = arith.constant 80 : i32
      %mul3A_535 = arith.muli %add3A_52, %mul3A : i32
      %dma_start3A = arith.constant 0 : i32
      %dma_start3A_536 = arith.constant 0 : i32
      %dma_start3A_537 = tpu.memref_slice %arg12[%dma_start3A, %dma_start3A_536] : memref<120x128xf32, #tpu.memory_space<vmem>> -> memref<80x128xf32, #tpu.memory_space<vmem>>
      %dma_start3A_538 = arith.constant 0 : i32
      %dma_start3A_539 = tpu.memref_slice %arg6[%mul3A_535, %dma_start3A_538] : memref<10016x128xf32, #tpu.memory_space<vmem_shared>> -> memref<80x128xf32, #tpu.memory_space<vmem_shared>>
      %dma_start3A_540 = arith.constant 0 : i32
      %dma_start3A_541 = tpu.memref_slice %arg6[%mul3A_535, %dma_start3A_540] : memref<10016x128xf32, #tpu.memory_space<vmem_shared>> -> memref<80x128xf32, #tpu.memory_space<vmem_shared>>
      %dma_start3A_542 = arith.constant 0 : i32
      %dma_start3A_543 = arith.constant 0 : i32
      %dma_start3A_544 = tpu.memref_slice %arg12[%dma_start3A_542, %dma_start3A_543] : memref<120x128xf32, #tpu.memory_space<vmem>> -> memref<80x128xf32, #tpu.memory_space<vmem>>
      tpu.enqueue_dma source(%dma_start3A_544 : memref<80x128xf32, #tpu.memory_space<vmem>>) target(%dma_start3A_541 : memref<80x128xf32, #tpu.memory_space<vmem_shared>>) target_semaphore(%arg16 : memref<!tpu.dma_semaphore, #tpu.memory_space<semaphore_mem>>)
    } else {
    }
    "tpu.region"() ({
      %run_scoped3A = tpu.sem_alloc : memref<!tpu.dma_semaphore, #tpu.memory_space<semaphore_mem>>
      %dma_start3A = arith.constant 0 : i32
      %dma_start3A_535 = arith.constant 0 : i32
      %dma_start3A_536 = tpu.memref_slice %arg4[%arg1, %dma_start3A, %dma_start3A_535] : memref<16x84x120xi32, #tpu.memory_space<hbm>> -> memref<1x84x120xi32, #tpu.memory_space<hbm>>
      %dma_start3A_537 = tpu.memref_squeeze %dma_start3A_536 : memref<1x84x120xi32, #tpu.memory_space<hbm>> -> memref<84x120xi32, #tpu.memory_space<hbm>>
      %dma_start3A_538 = arith.constant 0 : i32
      %dma_start3A_539 = arith.constant 0 : i32
      %dma_start3A_540 = tpu.memref_slice %arg4[%arg1, %dma_start3A_538, %dma_start3A_539] : memref<16x84x120xi32, #tpu.memory_space<hbm>> -> memref<1x84x120xi32, #tpu.memory_space<hbm>>
      %dma_start3A_541 = tpu.memref_squeeze %dma_start3A_540 : memref<1x84x120xi32, #tpu.memory_space<hbm>> -> memref<84x120xi32, #tpu.memory_space<hbm>>
      tpu.enqueue_dma source(%dma_start3A_541 : memref<84x120xi32, #tpu.memory_space<hbm>>) target(%arg7 : memref<84x120xi32, #tpu.memory_space<vmem>>) target_semaphore(%run_scoped3A : memref<!tpu.dma_semaphore, #tpu.memory_space<semaphore_mem>>)
      %dma_wait3A = arith.constant 0 : i32
      %dma_wait3A_542 = arith.constant 0 : i32
      %dma_wait3A_543 = tpu.memref_slice %arg4[%arg1, %dma_wait3A, %dma_wait3A_542] : memref<16x84x120xi32, #tpu.memory_space<hbm>> -> memref<1x84x120xi32, #tpu.memory_space<hbm>>
      %dma_wait3A_544 = tpu.memref_squeeze %dma_wait3A_543 : memref<1x84x120xi32, #tpu.memory_space<hbm>> -> memref<84x120xi32, #tpu.memory_space<hbm>>
      %dma_wait3A_545 = arith.constant 0 : i32
      %dma_wait3A_546 = arith.constant 0 : i32
      %dma_wait3A_547 = tpu.memref_slice %arg4[%arg1, %dma_wait3A_545, %dma_wait3A_546] : memref<16x84x120xi32, #tpu.memory_space<hbm>> -> memref<1x84x120xi32, #tpu.memory_space<hbm>>
      %dma_wait3A_548 = tpu.memref_squeeze %dma_wait3A_547 : memref<1x84x120xi32, #tpu.memory_space<hbm>> -> memref<84x120xi32, #tpu.memory_space<hbm>>
      tpu.wait_dma2 semaphore(%run_scoped3A : memref<!tpu.dma_semaphore, #tpu.memory_space<semaphore_mem>>) src(%dma_wait3A_548 : memref<84x120xi32, #tpu.memory_space<hbm>>) dst(%arg7 : memref<84x120xi32, #tpu.memory_space<vmem>>)
      tpu.yield
    }) : () -> ()
    %get3A = arith.constant 0 : i32
    %get3A_58 = arith.index_cast %get3A : i32 to index
    %get3A_59 = arith.constant 0 : index
    %get3A_60 = tpu.vector_load %arg7[%get3A_58, %get3A_59] {strides = array<i32>} : memref<84x120xi32, #tpu.memory_space<vmem>>, vector<1x16xi32>,
    %get3A_61 = vector.shape_cast %get3A_60 : vector<1x16xi32> to vector<16xi32>
    %and3A = arith.constant 65535 : i32
    %and3A_62 = vector.broadcast %and3A : i32 to vector<16xi32>
    %and3A_63 = arith.andi %get3A_61, %and3A_62 : vector<16xi32>
    %swap3A = arith.constant 0 : index
    %swap3A_64 = tpu.vector_load %arg8[%swap3A] {strides = array<i32>} : memref<120xi32, #tpu.memory_space<vmem>>, vector<16xi32>,
    %swap3A_65 = vector.shape_cast %swap3A_64 : vector<16xi32> to vector<16xi32>
    %swap3A_66 = vector.shape_cast %and3A_63 : vector<16xi32> to vector<16xi32>
    tpu.vector_store %arg8[%swap3A], %swap3A_66 {strides = array<i32>} : memref<120xi32, #tpu.memory_space<vmem>>, vector<16xi32>,
    %shift_right_arithmetic3A = arith.constant 16 : i32
    %shift_right_arithmetic3A_67 = vector.broadcast %shift_right_arithmetic3A : i32 to vector<16xi32>
    %shift_right_arithmetic3A_68 = arith.shrsi %get3A_61, %shift_right_arithmetic3A_67 : vector<16xi32>
    %swap3A_69 = arith.constant 0 : index
    %swap3A_70 = tpu.vector_load %arg10[%swap3A_69] {strides = array<i32>} : memref<120xi32, #tpu.memory_space<vmem>>, vector<16xi32>,
    %swap3A_71 = vector.shape_cast %swap3A_70 : vector<16xi32> to vector<16xi32>
    %swap3A_72 = vector.shape_cast %shift_right_arithmetic3A_68 : vector<16xi32> to vector<16xi32>
    tpu.vector_store %arg10[%swap3A_69], %swap3A_72 {strides = array<i32>} : memref<120xi32, #tpu.memory_space<vmem>>, vector<16xi32>,
    %get3A_73 = arith.constant 0 : i32
    %get3A_74 = arith.index_cast %get3A_73 : i32 to index
    %get3A_75 = arith.constant 16 : index
    %get3A_76 = tpu.vector_load %arg7[%get3A_74, %get3A_75] {strides = array<i32>} : memref<84x120xi32, #tpu.memory_space<vmem>>, vector<1x16xi32>,
    %get3A_77 = vector.shape_cast %get3A_76 : vector<1x16xi32> to vector<16xi32>
    %and3A_78 = arith.constant 65535 : i32
    %and3A_79 = vector.broadcast %and3A_78 : i32 to vector<16xi32>
    %and3A_80 = arith.andi %get3A_77, %and3A_79 : vector<16xi32>
    %swap3A_81 = arith.constant 16 : index
    %swap3A_82 = tpu.vector_load %arg8[%swap3A_81] {strides = array<i32>} : memref<120xi32, #tpu.memory_space<vmem>>, vector<16xi32>,
    %swap3A_83 = vector.shape_cast %swap3A_82 : vector<16xi32> to vector<16xi32>
    %swap3A_84 = vector.shape_cast %and3A_80 : vector<16xi32> to vector<16xi32>
    tpu.vector_store %arg8[%swap3A_81], %swap3A_84 {strides = array<i32>} : memref<120xi32, #tpu.memory_space<vmem>>, vector<16xi32>,
    %shift_right_arithmetic3A_85 = arith.constant 16 : i32
    %shift_right_arithmetic3A_86 = vector.broadcast %shift_right_arithmetic3A_85 : i32 to vector<16xi32>
    %shift_right_arithmetic3A_87 = arith.shrsi %get3A_77, %shift_right_arithmetic3A_86 : vector<16xi32>
    %swap3A_88 = arith.constant 16 : index
    %swap3A_89 = tpu.vector_load %arg10[%swap3A_88] {strides = array<i32>} : memref<120xi32, #tpu.memory_space<vmem>>, vector<16xi32>,
    %swap3A_90 = vector.shape_cast %swap3A_89 : vector<16xi32> to vector<16xi32>
    %swap3A_91 = vector.shape_cast %shift_right_arithmetic3A_87 : vector<16xi32> to vector<16xi32>
    tpu.vector_store %arg10[%swap3A_88], %swap3A_91 {strides = array<i32>} : memref<120xi32, #tpu.memory_space<vmem>>, vector<16xi32>,
    %get3A_92 = arith.constant 0 : i32
    %get3A_93 = arith.index_cast %get3A_92 : i32 to index
    %get3A_94 = arith.constant 32 : index
    %get3A_95 = tpu.vector_load %arg7[%get3A_93, %get3A_94] {strides = array<i32>} : memref<84x120xi32, #tpu.memory_space<vmem>>, vector<1x16xi32>,
    %get3A_96 = vector.shape_cast %get3A_95 : vector<1x16xi32> to vector<16xi32>
    %and3A_97 = arith.constant 65535 : i32
    %and3A_98 = vector.broadcast %and3A_97 : i32 to vector<16xi32>
    %and3A_99 = arith.andi %get3A_96, %and3A_98 : vector<16xi32>
    %swap3A_100 = arith.constant 32 : index
    %swap3A_101 = tpu.vector_load %arg8[%swap3A_100] {strides = array<i32>} : memref<120xi32, #tpu.memory_space<vmem>>, vector<16xi32>,
    %swap3A_102 = vector.shape_cast %swap3A_101 : vector<16xi32> to vector<16xi32>
    %swap3A_103 = vector.shape_cast %and3A_99 : vector<16xi32> to vector<16xi32>
    tpu.vector_store %arg8[%swap3A_100], %swap3A_103 {strides = array<i32>} : memref<120xi32, #tpu.memory_space<vmem>>, vector<16xi32>,
    %shift_right_arithmetic3A_104 = arith.constant 16 : i32
    %shift_right_arithmetic3A_105 = vector.broadcast %shift_right_arithmetic3A_104 : i32 to vector<16xi32>
    %shift_right_arithmetic3A_106 = arith.shrsi %get3A_96, %shift_right_arithmetic3A_105 : vector<16xi32>
    %swap3A_107 = arith.constant 32 : index
    %swap3A_108 = tpu.vector_load %arg10[%swap3A_107] {strides = array<i32>} : memref<120xi32, #tpu.memory_space<vmem>>, vector<16xi32>,
    %swap3A_109 = vector.shape_cast %swap3A_108 : vector<16xi32> to vector<16xi32>
    %swap3A_110 = vector.shape_cast %shift_right_arithmetic3A_106 : vector<16xi32> to vector<16xi32>
    tpu.vector_store %arg10[%swap3A_107], %swap3A_110 {strides = array<i32>} : memref<120xi32, #tpu.memory_space<vmem>>, vector<16xi32>,
    %get3A_111 = arith.constant 0 : i32
    %get3A_112 = arith.index_cast %get3A_111 : i32 to index
    %get3A_113 = arith.constant 48 : index
    %get3A_114 = tpu.vector_load %arg7[%get3A_112, %get3A_113] {strides = array<i32>} : memref<84x120xi32, #tpu.memory_space<vmem>>, vector<1x16xi32>,
    %get3A_115 = vector.shape_cast %get3A_114 : vector<1x16xi32> to vector<16xi32>
    %and3A_116 = arith.constant 65535 : i32
    %and3A_117 = vector.broadcast %and3A_116 : i32 to vector<16xi32>
    %and3A_118 = arith.andi %get3A_115, %and3A_117 : vector<16xi32>
    %swap3A_119 = arith.constant 48 : index
    %swap3A_120 = tpu.vector_load %arg8[%swap3A_119] {strides = array<i32>} : memref<120xi32, #tpu.memory_space<vmem>>, vector<16xi32>,
    %swap3A_121 = vector.shape_cast %swap3A_120 : vector<16xi32> to vector<16xi32>
    %swap3A_122 = vector.shape_cast %and3A_118 : vector<16xi32> to vector<16xi32>
    tpu.vector_store %arg8[%swap3A_119], %swap3A_122 {strides = array<i32>} : memref<120xi32, #tpu.memory_space<vmem>>, vector<16xi32>,
    %shift_right_arithmetic3A_123 = arith.constant 16 : i32
    %shift_right_arithmetic3A_124 = vector.broadcast %shift_right_arithmetic3A_123 : i32 to vector<16xi32>
    %shift_right_arithmetic3A_125 = arith.shrsi %get3A_115, %shift_right_arithmetic3A_124 : vector<16xi32>
    %swap3A_126 = arith.constant 48 : index
    %swap3A_127 = tpu.vector_load %arg10[%swap3A_126] {strides = array<i32>} : memref<120xi32, #tpu.memory_space<vmem>>, vector<16xi32>,
    %swap3A_128 = vector.shape_cast %swap3A_127 : vector<16xi32> to vector<16xi32>
    %swap3A_129 = vector.shape_cast %shift_right_arithmetic3A_125 : vector<16xi32> to vector<16xi32>
    tpu.vector_store %arg10[%swap3A_126], %swap3A_129 {strides = array<i32>} : memref<120xi32, #tpu.memory_space<vmem>>, vector<16xi32>,
    %get3A_130 = arith.constant 0 : i32
    %get3A_131 = arith.index_cast %get3A_130 : i32 to index
    %get3A_132 = arith.constant 64 : index
    %get3A_133 = tpu.vector_load %arg7[%get3A_131, %get3A_132] {strides = array<i32>} : memref<84x120xi32, #tpu.memory_space<vmem>>, vector<1x16xi32>,
    %get3A_134 = vector.shape_cast %get3A_133 : vector<1x16xi32> to vector<16xi32>
    %and3A_135 = arith.constant 65535 : i32
    %and3A_136 = vector.broadcast %and3A_135 : i32 to vector<16xi32>
    %and3A_137 = arith.andi %get3A_134, %and3A_136 : vector<16xi32>
    %swap3A_138 = arith.constant 64 : index
    %swap3A_139 = tpu.vector_load %arg8[%swap3A_138] {strides = array<i32>} : memref<120xi32, #tpu.memory_space<vmem>>, vector<16xi32>,
    %swap3A_140 = vector.shape_cast %swap3A_139 : vector<16xi32> to vector<16xi32>
    %swap3A_141 = vector.shape_cast %and3A_137 : vector<16xi32> to vector<16xi32>
    tpu.vector_store %arg8[%swap3A_138], %swap3A_141 {strides = array<i32>} : memref<120xi32, #tpu.memory_space<vmem>>, vector<16xi32>,
    %shift_right_arithmetic3A_142 = arith.constant 16 : i32
    %shift_right_arithmetic3A_143 = vector.broadcast %shift_right_arithmetic3A_142 : i32 to vector<16xi32>
    %shift_right_arithmetic3A_144 = arith.shrsi %get3A_134, %shift_right_arithmetic3A_143 : vector<16xi32>
    %swap3A_145 = arith.constant 64 : index
    %swap3A_146 = tpu.vector_load %arg10[%swap3A_145] {strides = array<i32>} : memref<120xi32, #tpu.memory_space<vmem>>, vector<16xi32>,
    %swap3A_147 = vector.shape_cast %swap3A_146 : vector<16xi32> to vector<16xi32>
    %swap3A_148 = vector.shape_cast %shift_right_arithmetic3A_144 : vector<16xi32> to vector<16xi32>
    tpu.vector_store %arg10[%swap3A_145], %swap3A_148 {strides = array<i32>} : memref<120xi32, #tpu.memory_space<vmem>>, vector<16xi32>,
    %get3A_149 = arith.constant 0 : i32
    %get3A_150 = arith.index_cast %get3A_149 : i32 to index
    %get3A_151 = arith.constant 80 : index
    %get3A_152 = tpu.vector_load %arg7[%get3A_150, %get3A_151] {strides = array<i32>} : memref<84x120xi32, #tpu.memory_space<vmem>>, vector<1x16xi32>,
    %get3A_153 = vector.shape_cast %get3A_152 : vector<1x16xi32> to vector<16xi32>
    %and3A_154 = arith.constant 65535 : i32
    %and3A_155 = vector.broadcast %and3A_154 : i32 to vector<16xi32>
    %and3A_156 = arith.andi %get3A_153, %and3A_155 : vector<16xi32>
    %swap3A_157 = arith.constant 80 : index
    %swap3A_158 = tpu.vector_load %arg8[%swap3A_157] {strides = array<i32>} : memref<120xi32, #tpu.memory_space<vmem>>, vector<16xi32>,
    %swap3A_159 = vector.shape_cast %swap3A_158 : vector<16xi32> to vector<16xi32>
    %swap3A_160 = vector.shape_cast %and3A_156 : vector<16xi32> to vector<16xi32>
    tpu.vector_store %arg8[%swap3A_157], %swap3A_160 {strides = array<i32>} : memref<120xi32, #tpu.memory_space<vmem>>, vector<16xi32>,
    %shift_right_arithmetic3A_161 = arith.constant 16 : i32
    %shift_right_arithmetic3A_162 = vector.broadcast %shift_right_arithmetic3A_161 : i32 to vector<16xi32>
    %shift_right_arithmetic3A_163 = arith.shrsi %get3A_153, %shift_right_arithmetic3A_162 : vector<16xi32>
    %swap3A_164 = arith.constant 80 : index
    %swap3A_165 = tpu.vector_load %arg10[%swap3A_164] {strides = array<i32>} : memref<120xi32, #tpu.memory_space<vmem>>, vector<16xi32>,
    %swap3A_166 = vector.shape_cast %swap3A_165 : vector<16xi32> to vector<16xi32>
    %swap3A_167 = vector.shape_cast %shift_right_arithmetic3A_163 : vector<16xi32> to vector<16xi32>
    tpu.vector_store %arg10[%swap3A_164], %swap3A_167 {strides = array<i32>} : memref<120xi32, #tpu.memory_space<vmem>>, vector<16xi32>,
    %get3A_168 = arith.constant 0 : i32
    %get3A_169 = arith.index_cast %get3A_168 : i32 to index
    %get3A_170 = arith.constant 96 : index
    %get3A_171 = tpu.vector_load %arg7[%get3A_169, %get3A_170] {strides = array<i32>} : memref<84x120xi32, #tpu.memory_space<vmem>>, vector<1x16xi32>,
    %get3A_172 = vector.shape_cast %get3A_171 : vector<1x16xi32> to vector<16xi32>
    %and3A_173 = arith.constant 65535 : i32
    %and3A_174 = vector.broadcast %and3A_173 : i32 to vector<16xi32>
    %and3A_175 = arith.andi %get3A_172, %and3A_174 : vector<16xi32>
    %swap3A_176 = arith.constant 96 : index
    %swap3A_177 = tpu.vector_load %arg8[%swap3A_176] {strides = array<i32>} : memref<120xi32, #tpu.memory_space<vmem>>, vector<16xi32>,
    %swap3A_178 = vector.shape_cast %swap3A_177 : vector<16xi32> to vector<16xi32>
    %swap3A_179 = vector.shape_cast %and3A_175 : vector<16xi32> to vector<16xi32>
    tpu.vector_store %arg8[%swap3A_176], %swap3A_179 {strides = array<i32>} : memref<120xi32, #tpu.memory_space<vmem>>, vector<16xi32>,
    %shift_right_arithmetic3A_180 = arith.constant 16 : i32
    %shift_right_arithmetic3A_181 = vector.broadcast %shift_right_arithmetic3A_180 : i32 to vector<16xi32>
    %shift_right_arithmetic3A_182 = arith.shrsi %get3A_172, %shift_right_arithmetic3A_181 : vector<16xi32>
    %swap3A_183 = arith.constant 96 : index
    %swap3A_184 = tpu.vector_load %arg10[%swap3A_183] {strides = array<i32>} : memref<120xi32, #tpu.memory_space<vmem>>, vector<16xi32>,
    %swap3A_185 = vector.shape_cast %swap3A_184 : vector<16xi32> to vector<16xi32>
    %swap3A_186 = vector.shape_cast %shift_right_arithmetic3A_182 : vector<16xi32> to vector<16xi32>
    tpu.vector_store %arg10[%swap3A_183], %swap3A_186 {strides = array<i32>} : memref<120xi32, #tpu.memory_space<vmem>>, vector<16xi32>,
    %get3A_187 = arith.constant 0 : i32
    %get3A_188 = arith.index_cast %get3A_187 : i32 to index
    %get3A_189 = arith.constant 104 : index
    %get3A_190 = tpu.vector_load %arg7[%get3A_188, %get3A_189] {strides = array<i32>} : memref<84x120xi32, #tpu.memory_space<vmem>>, vector<1x16xi32>,
    %get3A_191 = vector.shape_cast %get3A_190 : vector<1x16xi32> to vector<16xi32>
    %and3A_192 = arith.constant 65535 : i32
    %and3A_193 = vector.broadcast %and3A_192 : i32 to vector<16xi32>
    %and3A_194 = arith.andi %get3A_191, %and3A_193 : vector<16xi32>
    %swap3A_195 = arith.constant 104 : index
    %swap3A_196 = tpu.vector_load %arg8[%swap3A_195] {strides = array<i32>} : memref<120xi32, #tpu.memory_space<vmem>>, vector<16xi32>,
    %swap3A_197 = vector.shape_cast %swap3A_196 : vector<16xi32> to vector<16xi32>
    %swap3A_198 = vector.shape_cast %and3A_194 : vector<16xi32> to vector<16xi32>
    tpu.vector_store %arg8[%swap3A_195], %swap3A_198 {strides = array<i32>} : memref<120xi32, #tpu.memory_space<vmem>>, vector<16xi32>,
    %shift_right_arithmetic3A_199 = arith.constant 16 : i32
    %shift_right_arithmetic3A_200 = vector.broadcast %shift_right_arithmetic3A_199 : i32 to vector<16xi32>
    %shift_right_arithmetic3A_201 = arith.shrsi %get3A_191, %shift_right_arithmetic3A_200 : vector<16xi32>
    %swap3A_202 = arith.constant 104 : index
    %swap3A_203 = tpu.vector_load %arg10[%swap3A_202] {strides = array<i32>} : memref<120xi32, #tpu.memory_space<vmem>>, vector<16xi32>,
    %swap3A_204 = vector.shape_cast %swap3A_203 : vector<16xi32> to vector<16xi32>
    %swap3A_205 = vector.shape_cast %shift_right_arithmetic3A_201 : vector<16xi32> to vector<16xi32>
    tpu.vector_store %arg10[%swap3A_202], %swap3A_205 {strides = array<i32>} : memref<120xi32, #tpu.memory_space<vmem>>, vector<16xi32>,
    %get3A_206 = arith.constant 1 : i32
    %get3A_207 = arith.index_cast %get3A_206 : i32 to index
    %get3A_208 = arith.constant 0 : index
    %get3A_209 = tpu.vector_load %arg7[%get3A_207, %get3A_208] {strides = array<i32>} : memref<84x120xi32, #tpu.memory_space<vmem>>, vector<1x16xi32>,
    %get3A_210 = vector.shape_cast %get3A_209 : vector<1x16xi32> to vector<16xi32>
    %and3A_211 = arith.constant 65535 : i32
    %and3A_212 = vector.broadcast %and3A_211 : i32 to vector<16xi32>
    %and3A_213 = arith.andi %get3A_210, %and3A_212 : vector<16xi32>
    %swap3A_214 = arith.constant 0 : index
    %swap3A_215 = tpu.vector_load %arg9[%swap3A_214] {strides = array<i32>} : memref<120xi32, #tpu.memory_space<vmem>>, vector<16xi32>,
    %swap3A_216 = vector.shape_cast %swap3A_215 : vector<16xi32> to vector<16xi32>
    %swap3A_217 = vector.shape_cast %and3A_213 : vector<16xi32> to vector<16xi32>
    tpu.vector_store %arg9[%swap3A_214], %swap3A_217 {strides = array<i32>} : memref<120xi32, #tpu.memory_space<vmem>>, vector<16xi32>,
    %shift_right_arithmetic3A_218 = arith.constant 16 : i32
    %shift_right_arithmetic3A_219 = vector.broadcast %shift_right_arithmetic3A_218 : i32 to vector<16xi32>
    %shift_right_arithmetic3A_220 = arith.shrsi %get3A_210, %shift_right_arithmetic3A_219 : vector<16xi32>
    %swap3A_221 = arith.constant 0 : index
    %swap3A_222 = tpu.vector_load %arg11[%swap3A_221] {strides = array<i32>} : memref<120xi32, #tpu.memory_space<vmem>>, vector<16xi32>,
    %swap3A_223 = vector.shape_cast %swap3A_222 : vector<16xi32> to vector<16xi32>
    %swap3A_224 = vector.shape_cast %shift_right_arithmetic3A_220 : vector<16xi32> to vector<16xi32>
    tpu.vector_store %arg11[%swap3A_221], %swap3A_224 {strides = array<i32>} : memref<120xi32, #tpu.memory_space<vmem>>, vector<16xi32>,
    %get3A_225 = arith.constant 1 : i32
    %get3A_226 = arith.index_cast %get3A_225 : i32 to index
    %get3A_227 = arith.constant 16 : index
    %get3A_228 = tpu.vector_load %arg7[%get3A_226, %get3A_227] {strides = array<i32>} : memref<84x120xi32, #tpu.memory_space<vmem>>, vector<1x16xi32>,
    %get3A_229 = vector.shape_cast %get3A_228 : vector<1x16xi32> to vector<16xi32>
    %and3A_230 = arith.constant 65535 : i32
    %and3A_231 = vector.broadcast %and3A_230 : i32 to vector<16xi32>
    %and3A_232 = arith.andi %get3A_229, %and3A_231 : vector<16xi32>
    %swap3A_233 = arith.constant 16 : index
    %swap3A_234 = tpu.vector_load %arg9[%swap3A_233] {strides = array<i32>} : memref<120xi32, #tpu.memory_space<vmem>>, vector<16xi32>,
    %swap3A_235 = vector.shape_cast %swap3A_234 : vector<16xi32> to vector<16xi32>
    %swap3A_236 = vector.shape_cast %and3A_232 : vector<16xi32> to vector<16xi32>
    tpu.vector_store %arg9[%swap3A_233], %swap3A_236 {strides = array<i32>} : memref<120xi32, #tpu.memory_space<vmem>>, vector<16xi32>,
    %shift_right_arithmetic3A_237 = arith.constant 16 : i32
    %shift_right_arithmetic3A_238 = vector.broadcast %shift_right_arithmetic3A_237 : i32 to vector<16xi32>
    %shift_right_arithmetic3A_239 = arith.shrsi %get3A_229, %shift_right_arithmetic3A_238 : vector<16xi32>
    %swap3A_240 = arith.constant 16 : index
    %swap3A_241 = tpu.vector_load %arg11[%swap3A_240] {strides = array<i32>} : memref<120xi32, #tpu.memory_space<vmem>>, vector<16xi32>,
    %swap3A_242 = vector.shape_cast %swap3A_241 : vector<16xi32> to vector<16xi32>
    %swap3A_243 = vector.shape_cast %shift_right_arithmetic3A_239 : vector<16xi32> to vector<16xi32>
    tpu.vector_store %arg11[%swap3A_240], %swap3A_243 {strides = array<i32>} : memref<120xi32, #tpu.memory_space<vmem>>, vector<16xi32>,
    %get3A_244 = arith.constant 1 : i32
    %get3A_245 = arith.index_cast %get3A_244 : i32 to index
    %get3A_246 = arith.constant 32 : index
    %get3A_247 = tpu.vector_load %arg7[%get3A_245, %get3A_246] {strides = array<i32>} : memref<84x120xi32, #tpu.memory_space<vmem>>, vector<1x16xi32>,
    %get3A_248 = vector.shape_cast %get3A_247 : vector<1x16xi32> to vector<16xi32>
    %and3A_249 = arith.constant 65535 : i32
    %and3A_250 = vector.broadcast %and3A_249 : i32 to vector<16xi32>
    %and3A_251 = arith.andi %get3A_248, %and3A_250 : vector<16xi32>
    %swap3A_252 = arith.constant 32 : index
    %swap3A_253 = tpu.vector_load %arg9[%swap3A_252] {strides = array<i32>} : memref<120xi32, #tpu.memory_space<vmem>>, vector<16xi32>,
    %swap3A_254 = vector.shape_cast %swap3A_253 : vector<16xi32> to vector<16xi32>
    %swap3A_255 = vector.shape_cast %and3A_251 : vector<16xi32> to vector<16xi32>
    tpu.vector_store %arg9[%swap3A_252], %swap3A_255 {strides = array<i32>} : memref<120xi32, #tpu.memory_space<vmem>>, vector<16xi32>,
    %shift_right_arithmetic3A_256 = arith.constant 16 : i32
    %shift_right_arithmetic3A_257 = vector.broadcast %shift_right_arithmetic3A_256 : i32 to vector<16xi32>
    %shift_right_arithmetic3A_258 = arith.shrsi %get3A_248, %shift_right_arithmetic3A_257 : vector<16xi32>
    %swap3A_259 = arith.constant 32 : index
    %swap3A_260 = tpu.vector_load %arg11[%swap3A_259] {strides = array<i32>} : memref<120xi32, #tpu.memory_space<vmem>>, vector<16xi32>,
    %swap3A_261 = vector.shape_cast %swap3A_260 : vector<16xi32> to vector<16xi32>
    %swap3A_262 = vector.shape_cast %shift_right_arithmetic3A_258 : vector<16xi32> to vector<16xi32>
    tpu.vector_store %arg11[%swap3A_259], %swap3A_262 {strides = array<i32>} : memref<120xi32, #tpu.memory_space<vmem>>, vector<16xi32>,
    %get3A_263 = arith.constant 1 : i32
    %get3A_264 = arith.index_cast %get3A_263 : i32 to index
    %get3A_265 = arith.constant 48 : index
    %get3A_266 = tpu.vector_load %arg7[%get3A_264, %get3A_265] {strides = array<i32>} : memref<84x120xi32, #tpu.memory_space<vmem>>, vector<1x16xi32>,
    %get3A_267 = vector.shape_cast %get3A_266 : vector<1x16xi32> to vector<16xi32>
    %and3A_268 = arith.constant 65535 : i32
    %and3A_269 = vector.broadcast %and3A_268 : i32 to vector<16xi32>
    %and3A_270 = arith.andi %get3A_267, %and3A_269 : vector<16xi32>
    %swap3A_271 = arith.constant 48 : index
    %swap3A_272 = tpu.vector_load %arg9[%swap3A_271] {strides = array<i32>} : memref<120xi32, #tpu.memory_space<vmem>>, vector<16xi32>,
    %swap3A_273 = vector.shape_cast %swap3A_272 : vector<16xi32> to vector<16xi32>
    %swap3A_274 = vector.shape_cast %and3A_270 : vector<16xi32> to vector<16xi32>
    tpu.vector_store %arg9[%swap3A_271], %swap3A_274 {strides = array<i32>} : memref<120xi32, #tpu.memory_space<vmem>>, vector<16xi32>,
    %shift_right_arithmetic3A_275 = arith.constant 16 : i32
    %shift_right_arithmetic3A_276 = vector.broadcast %shift_right_arithmetic3A_275 : i32 to vector<16xi32>
    %shift_right_arithmetic3A_277 = arith.shrsi %get3A_267, %shift_right_arithmetic3A_276 : vector<16xi32>
    %swap3A_278 = arith.constant 48 : index
    %swap3A_279 = tpu.vector_load %arg11[%swap3A_278] {strides = array<i32>} : memref<120xi32, #tpu.memory_space<vmem>>, vector<16xi32>,
    %swap3A_280 = vector.shape_cast %swap3A_279 : vector<16xi32> to vector<16xi32>
    %swap3A_281 = vector.shape_cast %shift_right_arithmetic3A_277 : vector<16xi32> to vector<16xi32>
    tpu.vector_store %arg11[%swap3A_278], %swap3A_281 {strides = array<i32>} : memref<120xi32, #tpu.memory_space<vmem>>, vector<16xi32>,
    %get3A_282 = arith.constant 1 : i32
    %get3A_283 = arith.index_cast %get3A_282 : i32 to index
    %get3A_284 = arith.constant 64 : index
    %get3A_285 = tpu.vector_load %arg7[%get3A_283, %get3A_284] {strides = array<i32>} : memref<84x120xi32, #tpu.memory_space<vmem>>, vector<1x16xi32>,
    %get3A_286 = vector.shape_cast %get3A_285 : vector<1x16xi32> to vector<16xi32>
    %and3A_287 = arith.constant 65535 : i32
    %and3A_288 = vector.broadcast %and3A_287 : i32 to vector<16xi32>
    %and3A_289 = arith.andi %get3A_286, %and3A_288 : vector<16xi32>
    %swap3A_290 = arith.constant 64 : index
    %swap3A_291 = tpu.vector_load %arg9[%swap3A_290] {strides = array<i32>} : memref<120xi32, #tpu.memory_space<vmem>>, vector<16xi32>,
    %swap3A_292 = vector.shape_cast %swap3A_291 : vector<16xi32> to vector<16xi32>
    %swap3A_293 = vector.shape_cast %and3A_289 : vector<16xi32> to vector<16xi32>
    tpu.vector_store %arg9[%swap3A_290], %swap3A_293 {strides = array<i32>} : memref<120xi32, #tpu.memory_space<vmem>>, vector<16xi32>,
    %shift_right_arithmetic3A_294 = arith.constant 16 : i32
    %shift_right_arithmetic3A_295 = vector.broadcast %shift_right_arithmetic3A_294 : i32 to vector<16xi32>
    %shift_right_arithmetic3A_296 = arith.shrsi %get3A_286, %shift_right_arithmetic3A_295 : vector<16xi32>
    %swap3A_297 = arith.constant 64 : index
    %swap3A_298 = tpu.vector_load %arg11[%swap3A_297] {strides = array<i32>} : memref<120xi32, #tpu.memory_space<vmem>>, vector<16xi32>,
    %swap3A_299 = vector.shape_cast %swap3A_298 : vector<16xi32> to vector<16xi32>
    %swap3A_300 = vector.shape_cast %shift_right_arithmetic3A_296 : vector<16xi32> to vector<16xi32>
    tpu.vector_store %arg11[%swap3A_297], %swap3A_300 {strides = array<i32>} : memref<120xi32, #tpu.memory_space<vmem>>, vector<16xi32>,
    %get3A_301 = arith.constant 1 : i32
    %get3A_302 = arith.index_cast %get3A_301 : i32 to index
    %get3A_303 = arith.constant 80 : index
    %get3A_304 = tpu.vector_load %arg7[%get3A_302, %get3A_303] {strides = array<i32>} : memref<84x120xi32, #tpu.memory_space<vmem>>, vector<1x16xi32>,
    %get3A_305 = vector.shape_cast %get3A_304 : vector<1x16xi32> to vector<16xi32>
    %and3A_306 = arith.constant 65535 : i32
    %and3A_307 = vector.broadcast %and3A_306 : i32 to vector<16xi32>
    %and3A_308 = arith.andi %get3A_305, %and3A_307 : vector<16xi32>
    %swap3A_309 = arith.constant 80 : index
    %swap3A_310 = tpu.vector_load %arg9[%swap3A_309] {strides = array<i32>} : memref<120xi32, #tpu.memory_space<vmem>>, vector<16xi32>,
    %swap3A_311 = vector.shape_cast %swap3A_310 : vector<16xi32> to vector<16xi32>
    %swap3A_312 = vector.shape_cast %and3A_308 : vector<16xi32> to vector<16xi32>
    tpu.vector_store %arg9[%swap3A_309], %swap3A_312 {strides = array<i32>} : memref<120xi32, #tpu.memory_space<vmem>>, vector<16xi32>,
    %shift_right_arithmetic3A_313 = arith.constant 16 : i32
    %shift_right_arithmetic3A_314 = vector.broadcast %shift_right_arithmetic3A_313 : i32 to vector<16xi32>
    %shift_right_arithmetic3A_315 = arith.shrsi %get3A_305, %shift_right_arithmetic3A_314 : vector<16xi32>
    %swap3A_316 = arith.constant 80 : index
    %swap3A_317 = tpu.vector_load %arg11[%swap3A_316] {strides = array<i32>} : memref<120xi32, #tpu.memory_space<vmem>>, vector<16xi32>,
    %swap3A_318 = vector.shape_cast %swap3A_317 : vector<16xi32> to vector<16xi32>
    %swap3A_319 = vector.shape_cast %shift_right_arithmetic3A_315 : vector<16xi32> to vector<16xi32>
    tpu.vector_store %arg11[%swap3A_316], %swap3A_319 {strides = array<i32>} : memref<120xi32, #tpu.memory_space<vmem>>, vector<16xi32>,
    %get3A_320 = arith.constant 1 : i32
    %get3A_321 = arith.index_cast %get3A_320 : i32 to index
    %get3A_322 = arith.constant 96 : index
    %get3A_323 = tpu.vector_load %arg7[%get3A_321, %get3A_322] {strides = array<i32>} : memref<84x120xi32, #tpu.memory_space<vmem>>, vector<1x16xi32>,
    %get3A_324 = vector.shape_cast %get3A_323 : vector<1x16xi32> to vector<16xi32>
    %and3A_325 = arith.constant 65535 : i32
    %and3A_326 = vector.broadcast %and3A_325 : i32 to vector<16xi32>
    %and3A_327 = arith.andi %get3A_324, %and3A_326 : vector<16xi32>
    %swap3A_328 = arith.constant 96 : index
    %swap3A_329 = tpu.vector_load %arg9[%swap3A_328] {strides = array<i32>} : memref<120xi32, #tpu.memory_space<vmem>>, vector<16xi32>,
    %swap3A_330 = vector.shape_cast %swap3A_329 : vector<16xi32> to vector<16xi32>
    %swap3A_331 = vector.shape_cast %and3A_327 : vector<16xi32> to vector<16xi32>
    tpu.vector_store %arg9[%swap3A_328], %swap3A_331 {strides = array<i32>} : memref<120xi32, #tpu.memory_space<vmem>>, vector<16xi32>,
    %shift_right_arithmetic3A_332 = arith.constant 16 : i32
    %shift_right_arithmetic3A_333 = vector.broadcast %shift_right_arithmetic3A_332 : i32 to vector<16xi32>
    %shift_right_arithmetic3A_334 = arith.shrsi %get3A_324, %shift_right_arithmetic3A_333 : vector<16xi32>
    %swap3A_335 = arith.constant 96 : index
    %swap3A_336 = tpu.vector_load %arg11[%swap3A_335] {strides = array<i32>} : memref<120xi32, #tpu.memory_space<vmem>>, vector<16xi32>,
    %swap3A_337 = vector.shape_cast %swap3A_336 : vector<16xi32> to vector<16xi32>
    %swap3A_338 = vector.shape_cast %shift_right_arithmetic3A_334 : vector<16xi32> to vector<16xi32>
    tpu.vector_store %arg11[%swap3A_335], %swap3A_338 {strides = array<i32>} : memref<120xi32, #tpu.memory_space<vmem>>, vector<16xi32>,
    %get3A_339 = arith.constant 1 : i32
    %get3A_340 = arith.index_cast %get3A_339 : i32 to index
    %get3A_341 = arith.constant 104 : index
    %get3A_342 = tpu.vector_load %arg7[%get3A_340, %get3A_341] {strides = array<i32>} : memref<84x120xi32, #tpu.memory_space<vmem>>, vector<1x16xi32>,
    %get3A_343 = vector.shape_cast %get3A_342 : vector<1x16xi32> to vector<16xi32>
    %and3A_344 = arith.constant 65535 : i32
    %and3A_345 = vector.broadcast %and3A_344 : i32 to vector<16xi32>
    %and3A_346 = arith.andi %get3A_343, %and3A_345 : vector<16xi32>
    %swap3A_347 = arith.constant 104 : index
    %swap3A_348 = tpu.vector_load %arg9[%swap3A_347] {strides = array<i32>} : memref<120xi32, #tpu.memory_space<vmem>>, vector<16xi32>,
    %swap3A_349 = vector.shape_cast %swap3A_348 : vector<16xi32> to vector<16xi32>
    %swap3A_350 = vector.shape_cast %and3A_346 : vector<16xi32> to vector<16xi32>
    tpu.vector_store %arg9[%swap3A_347], %swap3A_350 {strides = array<i32>} : memref<120xi32, #tpu.memory_space<vmem>>, vector<16xi32>,
    %shift_right_arithmetic3A_351 = arith.constant 16 : i32
    %shift_right_arithmetic3A_352 = vector.broadcast %shift_right_arithmetic3A_351 : i32 to vector<16xi32>
    %shift_right_arithmetic3A_353 = arith.shrsi %get3A_343, %shift_right_arithmetic3A_352 : vector<16xi32>
    %swap3A_354 = arith.constant 104 : index
    %swap3A_355 = tpu.vector_load %arg11[%swap3A_354] {strides = array<i32>} : memref<120xi32, #tpu.memory_space<vmem>>, vector<16xi32>,
    %swap3A_356 = vector.shape_cast %swap3A_355 : vector<16xi32> to vector<16xi32>
    %swap3A_357 = vector.shape_cast %shift_right_arithmetic3A_353 : vector<16xi32> to vector<16xi32>
    tpu.vector_store %arg11[%swap3A_354], %swap3A_357 {strides = array<i32>} : memref<120xi32, #tpu.memory_space<vmem>>, vector<16xi32>,
    %add3A_358 = arith.constant 0 : i32
    %add3A_359 = arith.addi %arg1, %add3A_358 : i32
    %lt3A_360 = arith.constant 125 : i32
    %lt3A_361 = arith.cmpi slt, %add3A_359, %lt3A_360 : i32
    %convert_element_type3A_362 = arith.extui %lt3A_361 : i1 to i32
    %cond3A_363 = arith.constant 0 : i32
    %cond3A_364 = arith.cmpi ne, %convert_element_type3A_362, %cond3A_363 : i32
    scf.if %cond3A_364 {
      %mul3A = arith.constant 80 : i32
      %mul3A_535 = arith.muli %add3A_359, %mul3A : i32
      %dma_wait3A = arith.constant 0 : i32
      %dma_wait3A_536 = arith.constant 0 : i32
      %dma_wait3A_537 = tpu.memref_slice %arg12[%dma_wait3A, %dma_wait3A_536] : memref<120x128xf32, #tpu.memory_space<vmem>> -> memref<80x128xf32, #tpu.memory_space<vmem>>
      %dma_wait3A_538 = arith.constant 0 : i32
      %dma_wait3A_539 = tpu.memref_slice %arg6[%mul3A_535, %dma_wait3A_538] : memref<10016x128xf32, #tpu.memory_space<vmem_shared>> -> memref<80x128xf32, #tpu.memory_space<vmem_shared>>
      %dma_wait3A_540 = arith.constant 0 : i32
      %dma_wait3A_541 = tpu.memref_slice %arg6[%mul3A_535, %dma_wait3A_540] : memref<10016x128xf32, #tpu.memory_space<vmem_shared>> -> memref<80x128xf32, #tpu.memory_space<vmem_shared>>
      %dma_wait3A_542 = arith.constant 0 : i32
      %dma_wait3A_543 = arith.constant 0 : i32
      %dma_wait3A_544 = tpu.memref_slice %arg12[%dma_wait3A_542, %dma_wait3A_543] : memref<120x128xf32, #tpu.memory_space<vmem>> -> memref<80x128xf32, #tpu.memory_space<vmem>>
      tpu.wait_dma2 semaphore(%arg16 : memref<!tpu.dma_semaphore, #tpu.memory_space<semaphore_mem>>) src(%dma_wait3A_544 : memref<80x128xf32, #tpu.memory_space<vmem>>) dst(%dma_wait3A_541 : memref<80x128xf32, #tpu.memory_space<vmem_shared>>)
    } else {
    }
    %add3A_365 = arith.constant 16 : i32
    %add3A_366 = arith.addi %arg1, %add3A_365 : i32
    %lt3A_367 = arith.constant 125 : i32
    %lt3A_368 = arith.cmpi slt, %add3A_366, %lt3A_367 : i32
    %convert_element_type3A_369 = arith.extui %lt3A_368 : i1 to i32
    %cond3A_370 = arith.constant 0 : i32
    %cond3A_371 = arith.cmpi ne, %convert_element_type3A_369, %cond3A_370 : i32
    scf.if %cond3A_371 {
      %mul3A = arith.constant 80 : i32
      %mul3A_535 = arith.muli %add3A_366, %mul3A : i32
      %dma_wait3A = arith.constant 0 : i32
      %dma_wait3A_536 = arith.constant 0 : i32
      %dma_wait3A_537 = tpu.memref_slice %arg12[%dma_wait3A, %dma_wait3A_536] : memref<120x128xf32, #tpu.memory_space<vmem>> -> memref<80x128xf32, #tpu.memory_space<vmem>>
      %dma_wait3A_538 = arith.constant 0 : i32
      %dma_wait3A_539 = tpu.memref_slice %arg6[%mul3A_535, %dma_wait3A_538] : memref<10016x128xf32, #tpu.memory_space<vmem_shared>> -> memref<80x128xf32, #tpu.memory_space<vmem_shared>>
      %dma_wait3A_540 = arith.constant 0 : i32
      %dma_wait3A_541 = tpu.memref_slice %arg6[%mul3A_535, %dma_wait3A_540] : memref<10016x128xf32, #tpu.memory_space<vmem_shared>> -> memref<80x128xf32, #tpu.memory_space<vmem_shared>>
      %dma_wait3A_542 = arith.constant 0 : i32
      %dma_wait3A_543 = arith.constant 0 : i32
      %dma_wait3A_544 = tpu.memref_slice %arg12[%dma_wait3A_542, %dma_wait3A_543] : memref<120x128xf32, #tpu.memory_space<vmem>> -> memref<80x128xf32, #tpu.memory_space<vmem>>
      tpu.wait_dma2 semaphore(%arg16 : memref<!tpu.dma_semaphore, #tpu.memory_space<semaphore_mem>>) src(%dma_wait3A_544 : memref<80x128xf32, #tpu.memory_space<vmem>>) dst(%dma_wait3A_541 : memref<80x128xf32, #tpu.memory_space<vmem_shared>>)
    } else {
    }
    %add3A_372 = arith.constant 32 : i32
    %add3A_373 = arith.addi %arg1, %add3A_372 : i32
    %lt3A_374 = arith.constant 125 : i32
    %lt3A_375 = arith.cmpi slt, %add3A_373, %lt3A_374 : i32
    %convert_element_type3A_376 = arith.extui %lt3A_375 : i1 to i32
    %cond3A_377 = arith.constant 0 : i32
    %cond3A_378 = arith.cmpi ne, %convert_element_type3A_376, %cond3A_377 : i32
    scf.if %cond3A_378 {
      %mul3A = arith.constant 80 : i32
      %mul3A_535 = arith.muli %add3A_373, %mul3A : i32
      %dma_wait3A = arith.constant 0 : i32
      %dma_wait3A_536 = arith.constant 0 : i32
      %dma_wait3A_537 = tpu.memref_slice %arg12[%dma_wait3A, %dma_wait3A_536] : memref<120x128xf32, #tpu.memory_space<vmem>> -> memref<80x128xf32, #tpu.memory_space<vmem>>
      %dma_wait3A_538 = arith.constant 0 : i32
      %dma_wait3A_539 = tpu.memref_slice %arg6[%mul3A_535, %dma_wait3A_538] : memref<10016x128xf32, #tpu.memory_space<vmem_shared>> -> memref<80x128xf32, #tpu.memory_space<vmem_shared>>
      %dma_wait3A_540 = arith.constant 0 : i32
      %dma_wait3A_541 = tpu.memref_slice %arg6[%mul3A_535, %dma_wait3A_540] : memref<10016x128xf32, #tpu.memory_space<vmem_shared>> -> memref<80x128xf32, #tpu.memory_space<vmem_shared>>
      %dma_wait3A_542 = arith.constant 0 : i32
      %dma_wait3A_543 = arith.constant 0 : i32
      %dma_wait3A_544 = tpu.memref_slice %arg12[%dma_wait3A_542, %dma_wait3A_543] : memref<120x128xf32, #tpu.memory_space<vmem>> -> memref<80x128xf32, #tpu.memory_space<vmem>>
      tpu.wait_dma2 semaphore(%arg16 : memref<!tpu.dma_semaphore, #tpu.memory_space<semaphore_mem>>) src(%dma_wait3A_544 : memref<80x128xf32, #tpu.memory_space<vmem>>) dst(%dma_wait3A_541 : memref<80x128xf32, #tpu.memory_space<vmem_shared>>)
    } else {
    }
    %add3A_379 = arith.constant 48 : i32
    %add3A_380 = arith.addi %arg1, %add3A_379 : i32
    %lt3A_381 = arith.constant 125 : i32
    %lt3A_382 = arith.cmpi slt, %add3A_380, %lt3A_381 : i32
    %convert_element_type3A_383 = arith.extui %lt3A_382 : i1 to i32
    %cond3A_384 = arith.constant 0 : i32
    %cond3A_385 = arith.cmpi ne, %convert_element_type3A_383, %cond3A_384 : i32
    scf.if %cond3A_385 {
      %mul3A = arith.constant 80 : i32
      %mul3A_535 = arith.muli %add3A_380, %mul3A : i32
      %dma_wait3A = arith.constant 0 : i32
      %dma_wait3A_536 = arith.constant 0 : i32
      %dma_wait3A_537 = tpu.memref_slice %arg12[%dma_wait3A, %dma_wait3A_536] : memref<120x128xf32, #tpu.memory_space<vmem>> -> memref<80x128xf32, #tpu.memory_space<vmem>>
      %dma_wait3A_538 = arith.constant 0 : i32
      %dma_wait3A_539 = tpu.memref_slice %arg6[%mul3A_535, %dma_wait3A_538] : memref<10016x128xf32, #tpu.memory_space<vmem_shared>> -> memref<80x128xf32, #tpu.memory_space<vmem_shared>>
      %dma_wait3A_540 = arith.constant 0 : i32
      %dma_wait3A_541 = tpu.memref_slice %arg6[%mul3A_535, %dma_wait3A_540] : memref<10016x128xf32, #tpu.memory_space<vmem_shared>> -> memref<80x128xf32, #tpu.memory_space<vmem_shared>>
      %dma_wait3A_542 = arith.constant 0 : i32
      %dma_wait3A_543 = arith.constant 0 : i32
      %dma_wait3A_544 = tpu.memref_slice %arg12[%dma_wait3A_542, %dma_wait3A_543] : memref<120x128xf32, #tpu.memory_space<vmem>> -> memref<80x128xf32, #tpu.memory_space<vmem>>
      tpu.wait_dma2 semaphore(%arg16 : memref<!tpu.dma_semaphore, #tpu.memory_space<semaphore_mem>>) src(%dma_wait3A_544 : memref<80x128xf32, #tpu.memory_space<vmem>>) dst(%dma_wait3A_541 : memref<80x128xf32, #tpu.memory_space<vmem_shared>>)
    } else {
    }
    %add3A_386 = arith.constant 64 : i32
    %add3A_387 = arith.addi %arg1, %add3A_386 : i32
    %lt3A_388 = arith.constant 125 : i32
    %lt3A_389 = arith.cmpi slt, %add3A_387, %lt3A_388 : i32
    %convert_element_type3A_390 = arith.extui %lt3A_389 : i1 to i32
    %cond3A_391 = arith.constant 0 : i32
    %cond3A_392 = arith.cmpi ne, %convert_element_type3A_390, %cond3A_391 : i32
    scf.if %cond3A_392 {
      %mul3A = arith.constant 80 : i32
      %mul3A_535 = arith.muli %add3A_387, %mul3A : i32
      %dma_wait3A = arith.constant 0 : i32
      %dma_wait3A_536 = arith.constant 0 : i32
      %dma_wait3A_537 = tpu.memref_slice %arg12[%dma_wait3A, %dma_wait3A_536] : memref<120x128xf32, #tpu.memory_space<vmem>> -> memref<80x128xf32, #tpu.memory_space<vmem>>
      %dma_wait3A_538 = arith.constant 0 : i32
      %dma_wait3A_539 = tpu.memref_slice %arg6[%mul3A_535, %dma_wait3A_538] : memref<10016x128xf32, #tpu.memory_space<vmem_shared>> -> memref<80x128xf32, #tpu.memory_space<vmem_shared>>
      %dma_wait3A_540 = arith.constant 0 : i32
      %dma_wait3A_541 = tpu.memref_slice %arg6[%mul3A_535, %dma_wait3A_540] : memref<10016x128xf32, #tpu.memory_space<vmem_shared>> -> memref<80x128xf32, #tpu.memory_space<vmem_shared>>
      %dma_wait3A_542 = arith.constant 0 : i32
      %dma_wait3A_543 = arith.constant 0 : i32
      %dma_wait3A_544 = tpu.memref_slice %arg12[%dma_wait3A_542, %dma_wait3A_543] : memref<120x128xf32, #tpu.memory_space<vmem>> -> memref<80x128xf32, #tpu.memory_space<vmem>>
      tpu.wait_dma2 semaphore(%arg16 : memref<!tpu.dma_semaphore, #tpu.memory_space<semaphore_mem>>) src(%dma_wait3A_544 : memref<80x128xf32, #tpu.memory_space<vmem>>) dst(%dma_wait3A_541 : memref<80x128xf32, #tpu.memory_space<vmem_shared>>)
    } else {
    }
    %add3A_393 = arith.constant 80 : i32
    %add3A_394 = arith.addi %arg1, %add3A_393 : i32
    %lt3A_395 = arith.constant 125 : i32
    %lt3A_396 = arith.cmpi slt, %add3A_394, %lt3A_395 : i32
    %convert_element_type3A_397 = arith.extui %lt3A_396 : i1 to i32
    %cond3A_398 = arith.constant 0 : i32
    %cond3A_399 = arith.cmpi ne, %convert_element_type3A_397, %cond3A_398 : i32
    scf.if %cond3A_399 {
      %mul3A = arith.constant 80 : i32
      %mul3A_535 = arith.muli %add3A_394, %mul3A : i32
      %dma_wait3A = arith.constant 0 : i32
      %dma_wait3A_536 = arith.constant 0 : i32
      %dma_wait3A_537 = tpu.memref_slice %arg12[%dma_wait3A, %dma_wait3A_536] : memref<120x128xf32, #tpu.memory_space<vmem>> -> memref<80x128xf32, #tpu.memory_space<vmem>>
      %dma_wait3A_538 = arith.constant 0 : i32
      %dma_wait3A_539 = tpu.memref_slice %arg6[%mul3A_535, %dma_wait3A_538] : memref<10016x128xf32, #tpu.memory_space<vmem_shared>> -> memref<80x128xf32, #tpu.memory_space<vmem_shared>>
      %dma_wait3A_540 = arith.constant 0 : i32
      %dma_wait3A_541 = tpu.memref_slice %arg6[%mul3A_535, %dma_wait3A_540] : memref<10016x128xf32, #tpu.memory_space<vmem_shared>> -> memref<80x128xf32, #tpu.memory_space<vmem_shared>>
      %dma_wait3A_542 = arith.constant 0 : i32
      %dma_wait3A_543 = arith.constant 0 : i32
      %dma_wait3A_544 = tpu.memref_slice %arg12[%dma_wait3A_542, %dma_wait3A_543] : memref<120x128xf32, #tpu.memory_space<vmem>> -> memref<80x128xf32, #tpu.memory_space<vmem>>
      tpu.wait_dma2 semaphore(%arg16 : memref<!tpu.dma_semaphore, #tpu.memory_space<semaphore_mem>>) src(%dma_wait3A_544 : memref<80x128xf32, #tpu.memory_space<vmem>>) dst(%dma_wait3A_541 : memref<80x128xf32, #tpu.memory_space<vmem_shared>>)
    } else {
    }
    %add3A_400 = arith.constant 96 : i32
    %add3A_401 = arith.addi %arg1, %add3A_400 : i32
    %lt3A_402 = arith.constant 125 : i32
    %lt3A_403 = arith.cmpi slt, %add3A_401, %lt3A_402 : i32
    %convert_element_type3A_404 = arith.extui %lt3A_403 : i1 to i32
    %cond3A_405 = arith.constant 0 : i32
    %cond3A_406 = arith.cmpi ne, %convert_element_type3A_404, %cond3A_405 : i32
    scf.if %cond3A_406 {
      %mul3A = arith.constant 80 : i32
      %mul3A_535 = arith.muli %add3A_401, %mul3A : i32
      %dma_wait3A = arith.constant 0 : i32
      %dma_wait3A_536 = arith.constant 0 : i32
      %dma_wait3A_537 = tpu.memref_slice %arg12[%dma_wait3A, %dma_wait3A_536] : memref<120x128xf32, #tpu.memory_space<vmem>> -> memref<80x128xf32, #tpu.memory_space<vmem>>
      %dma_wait3A_538 = arith.constant 0 : i32
      %dma_wait3A_539 = tpu.memref_slice %arg6[%mul3A_535, %dma_wait3A_538] : memref<10016x128xf32, #tpu.memory_space<vmem_shared>> -> memref<80x128xf32, #tpu.memory_space<vmem_shared>>
      %dma_wait3A_540 = arith.constant 0 : i32
      %dma_wait3A_541 = tpu.memref_slice %arg6[%mul3A_535, %dma_wait3A_540] : memref<10016x128xf32, #tpu.memory_space<vmem_shared>> -> memref<80x128xf32, #tpu.memory_space<vmem_shared>>
      %dma_wait3A_542 = arith.constant 0 : i32
      %dma_wait3A_543 = arith.constant 0 : i32
      %dma_wait3A_544 = tpu.memref_slice %arg12[%dma_wait3A_542, %dma_wait3A_543] : memref<120x128xf32, #tpu.memory_space<vmem>> -> memref<80x128xf32, #tpu.memory_space<vmem>>
      tpu.wait_dma2 semaphore(%arg16 : memref<!tpu.dma_semaphore, #tpu.memory_space<semaphore_mem>>) src(%dma_wait3A_544 : memref<80x128xf32, #tpu.memory_space<vmem>>) dst(%dma_wait3A_541 : memref<80x128xf32, #tpu.memory_space<vmem_shared>>)
    } else {
    }
    %add3A_407 = arith.constant 112 : i32
    %add3A_408 = arith.addi %arg1, %add3A_407 : i32
    %lt3A_409 = arith.constant 125 : i32
    %lt3A_410 = arith.cmpi slt, %add3A_408, %lt3A_409 : i32
    %convert_element_type3A_411 = arith.extui %lt3A_410 : i1 to i32
    %cond3A_412 = arith.constant 0 : i32
    %cond3A_413 = arith.cmpi ne, %convert_element_type3A_411, %cond3A_412 : i32
    scf.if %cond3A_413 {
      %mul3A = arith.constant 80 : i32
      %mul3A_535 = arith.muli %add3A_408, %mul3A : i32
      %dma_wait3A = arith.constant 0 : i32
      %dma_wait3A_536 = arith.constant 0 : i32
      %dma_wait3A_537 = tpu.memref_slice %arg12[%dma_wait3A, %dma_wait3A_536] : memref<120x128xf32, #tpu.memory_space<vmem>> -> memref<80x128xf32, #tpu.memory_space<vmem>>
      %dma_wait3A_538 = arith.constant 0 : i32
      %dma_wait3A_539 = tpu.memref_slice %arg6[%mul3A_535, %dma_wait3A_538] : memref<10016x128xf32, #tpu.memory_space<vmem_shared>> -> memref<80x128xf32, #tpu.memory_space<vmem_shared>>
      %dma_wait3A_540 = arith.constant 0 : i32
      %dma_wait3A_541 = tpu.memref_slice %arg6[%mul3A_535, %dma_wait3A_540] : memref<10016x128xf32, #tpu.memory_space<vmem_shared>> -> memref<80x128xf32, #tpu.memory_space<vmem_shared>>
      %dma_wait3A_542 = arith.constant 0 : i32
      %dma_wait3A_543 = arith.constant 0 : i32
      %dma_wait3A_544 = tpu.memref_slice %arg12[%dma_wait3A_542, %dma_wait3A_543] : memref<120x128xf32, #tpu.memory_space<vmem>> -> memref<80x128xf32, #tpu.memory_space<vmem>>
      tpu.wait_dma2 semaphore(%arg16 : memref<!tpu.dma_semaphore, #tpu.memory_space<semaphore_mem>>) src(%dma_wait3A_544 : memref<80x128xf32, #tpu.memory_space<vmem>>) dst(%dma_wait3A_541 : memref<80x128xf32, #tpu.memory_space<vmem_shared>>)
    } else {
    }
    %eq3A = arith.constant 0 : i32
    %eq3A_414 = arith.cmpi eq, %arg0, %eq3A : i32
    %convert_element_type3A_415 = arith.extui %eq3A_414 : i1 to i32
    %cond3A_416 = arith.constant 0 : i32
    %cond3A_417 = arith.cmpi ne, %convert_element_type3A_415, %cond3A_416 : i32
    scf.if %cond3A_417 {
      %dma_start3A = arith.constant 0 : i32
      %dma_start3A_535 = arith.constant 0 : i32
      %dma_start3A_536 = tpu.memref_slice %arg2[%dma_start3A, %dma_start3A_535] : memref<10000x128xf32, #tpu.memory_space<hbm>> -> memref<10000x128xf32, #tpu.memory_space<hbm>>
      tpu.enqueue_indirect_dma source(%dma_start3A_536 : memref<10000x128xf32, #tpu.memory_space<hbm>>) target(%arg12 : memref<120x128xf32, #tpu.memory_space<vmem>>) offsets(%arg8 : memref<120xi32, #tpu.memory_space<vmem>>) semaphore(%arg14 : memref<!tpu.dma_semaphore, #tpu.memory_space<semaphore_mem>>)
      %dma_start3A_537 = arith.constant 0 : i32
      %dma_start3A_538 = arith.constant 0 : i32
      %dma_start3A_539 = tpu.memref_slice %arg2[%dma_start3A_537, %dma_start3A_538] : memref<10000x128xf32, #tpu.memory_space<hbm>> -> memref<10000x128xf32, #tpu.memory_space<hbm>>
      tpu.enqueue_indirect_dma source(%dma_start3A_539 : memref<10000x128xf32, #tpu.memory_space<hbm>>) target(%arg13 : memref<120x128xf32, #tpu.memory_space<vmem>>) offsets(%arg9 : memref<120xi32, #tpu.memory_space<vmem>>) semaphore(%arg15 : memref<!tpu.dma_semaphore, #tpu.memory_space<semaphore_mem>>)
      %barrier3A_540 = arith.constant 0 : index
      tpu.barrier barrier_id(%barrier3A_540)
      %scan3A_541 = arith.constant 0 : i32
      %scan3A_542 = arith.constant 0 : i32
      %scan3A_543 = arith.constant 42 : i32
      %scan3A_544 = arith.addi %scan3A_542, %scan3A_543 : i32
      %scan3A_545 = arith.constant 1 : i32
      scf.for %scan3A_547 = %scan3A_542 to %scan3A_544 step %scan3A_545  : i32 {
        %mul3A = arith.constant 2 : i32
        %mul3A_548 = arith.muli %mul3A, %scan3A_547 : i32
        %dma_wait3A = arith.constant 0 : i32
        %dma_wait3A_549 = arith.constant 0 : i32
        %dma_wait3A_550 = tpu.memref_slice %arg2[%dma_wait3A, %dma_wait3A_549] : memref<10000x128xf32, #tpu.memory_space<hbm>> -> memref<10000x128xf32, #tpu.memory_space<hbm>>
        tpu.wait_indirect_dma semaphore(%arg14 : memref<!tpu.dma_semaphore, #tpu.memory_space<semaphore_mem>>) src(%dma_wait3A_550 : memref<10000x128xf32, #tpu.memory_space<hbm>>) dst(%arg12 : memref<120x128xf32, #tpu.memory_space<vmem>>)
        "tpu.region"() ({
          %run_scoped3A = tpu.sem_alloc : memref<!tpu.dma_semaphore, #tpu.memory_space<semaphore_mem>>
          %dma_start3A_572 = arith.constant 0 : i32
          %dma_start3A_573 = arith.constant 0 : i32
          %dma_start3A_574 = tpu.memref_slice %arg6[%dma_start3A_572, %dma_start3A_573] : memref<10016x128xf32, #tpu.memory_space<vmem_shared>> -> memref<10016x128xf32, #tpu.memory_space<vmem_shared>>
          tpu.enqueue_indirect_dma source(%arg12 : memref<120x128xf32, #tpu.memory_space<vmem>>) target(%dma_start3A_574 : memref<10016x128xf32, #tpu.memory_space<vmem_shared>>) offsets(%arg10 : memref<120xi32, #tpu.memory_space<vmem>>) semaphore(%run_scoped3A : memref<!tpu.dma_semaphore, #tpu.memory_space<semaphore_mem>>) {add = true}
          %dma_wait3A_575 = arith.constant 0 : i32
          %dma_wait3A_576 = arith.constant 0 : i32
          %dma_wait3A_577 = tpu.memref_slice %arg6[%dma_wait3A_575, %dma_wait3A_576] : memref<10016x128xf32, #tpu.memory_space<vmem_shared>> -> memref<10016x128xf32, #tpu.memory_space<vmem_shared>>
          tpu.wait_indirect_dma semaphore(%run_scoped3A : memref<!tpu.dma_semaphore, #tpu.memory_space<semaphore_mem>>) src(%arg12 : memref<120x128xf32, #tpu.memory_space<vmem>>) dst(%dma_wait3A_577 : memref<10016x128xf32, #tpu.memory_space<vmem_shared>>)
          tpu.yield
        }) : () -> ()
        %add3A_551 = arith.constant 2 : i32
        %add3A_552 = arith.addi %mul3A_548, %add3A_551 : i32
        %lt3A_553 = arith.constant 84 : i32
        %lt3A_554 = arith.cmpi slt, %add3A_552, %lt3A_553 : i32
        %convert_element_type3A_555 = arith.extui %lt3A_554 : i1 to i32
        %cond3A_556 = arith.constant 0 : i32
        %cond3A_557 = arith.cmpi ne, %convert_element_type3A_555, %cond3A_556 : i32
        scf.if %cond3A_557 {
          %add3A_572 = arith.constant 2 : i32
          %add3A_573 = arith.addi %mul3A_548, %add3A_572 : i32
          %get3A_574 = arith.index_cast %add3A_573 : i32 to index
          %get3A_575 = arith.constant 0 : index
          %get3A_576 = tpu.vector_load %arg7[%get3A_574, %get3A_575] {strides = array<i32>} : memref<84x120xi32, #tpu.memory_space<vmem>>, vector<1x16xi32>,
          %get3A_577 = vector.shape_cast %get3A_576 : vector<1x16xi32> to vector<16xi32>
          %and3A_578 = arith.constant 65535 : i32
          %and3A_579 = vector.broadcast %and3A_578 : i32 to vector<16xi32>
          %and3A_580 = arith.andi %get3A_577, %and3A_579 : vector<16xi32>
          %swap3A_581 = arith.constant 0 : index
          %swap3A_582 = tpu.vector_load %arg8[%swap3A_581] {strides = array<i32>} : memref<120xi32, #tpu.memory_space<vmem>>, vector<16xi32>,
          %swap3A_583 = vector.shape_cast %swap3A_582 : vector<16xi32> to vector<16xi32>
          %swap3A_584 = vector.shape_cast %and3A_580 : vector<16xi32> to vector<16xi32>
          tpu.vector_store %arg8[%swap3A_581], %swap3A_584 {strides = array<i32>} : memref<120xi32, #tpu.memory_space<vmem>>, vector<16xi32>,
          %shift_right_arithmetic3A_585 = arith.constant 16 : i32
          %shift_right_arithmetic3A_586 = vector.broadcast %shift_right_arithmetic3A_585 : i32 to vector<16xi32>
          %shift_right_arithmetic3A_587 = arith.shrsi %get3A_577, %shift_right_arithmetic3A_586 : vector<16xi32>
          %swap3A_588 = arith.constant 0 : index
          %swap3A_589 = tpu.vector_load %arg10[%swap3A_588] {strides = array<i32>} : memref<120xi32, #tpu.memory_space<vmem>>, vector<16xi32>,
          %swap3A_590 = vector.shape_cast %swap3A_589 : vector<16xi32> to vector<16xi32>
          %swap3A_591 = vector.shape_cast %shift_right_arithmetic3A_587 : vector<16xi32> to vector<16xi32>
          tpu.vector_store %arg10[%swap3A_588], %swap3A_591 {strides = array<i32>} : memref<120xi32, #tpu.memory_space<vmem>>, vector<16xi32>,
          %get3A_592 = arith.index_cast %add3A_573 : i32 to index
          %get3A_593 = arith.constant 16 : index
          %get3A_594 = tpu.vector_load %arg7[%get3A_592, %get3A_593] {strides = array<i32>} : memref<84x120xi32, #tpu.memory_space<vmem>>, vector<1x16xi32>,
          %get3A_595 = vector.shape_cast %get3A_594 : vector<1x16xi32> to vector<16xi32>
          %and3A_596 = arith.constant 65535 : i32
          %and3A_597 = vector.broadcast %and3A_596 : i32 to vector<16xi32>
          %and3A_598 = arith.andi %get3A_595, %and3A_597 : vector<16xi32>
          %swap3A_599 = arith.constant 16 : index
          %swap3A_600 = tpu.vector_load %arg8[%swap3A_599] {strides = array<i32>} : memref<120xi32, #tpu.memory_space<vmem>>, vector<16xi32>,
          %swap3A_601 = vector.shape_cast %swap3A_600 : vector<16xi32> to vector<16xi32>
          %swap3A_602 = vector.shape_cast %and3A_598 : vector<16xi32> to vector<16xi32>
          tpu.vector_store %arg8[%swap3A_599], %swap3A_602 {strides = array<i32>} : memref<120xi32, #tpu.memory_space<vmem>>, vector<16xi32>,
          %shift_right_arithmetic3A_603 = arith.constant 16 : i32
          %shift_right_arithmetic3A_604 = vector.broadcast %shift_right_arithmetic3A_603 : i32 to vector<16xi32>
          %shift_right_arithmetic3A_605 = arith.shrsi %get3A_595, %shift_right_arithmetic3A_604 : vector<16xi32>
          %swap3A_606 = arith.constant 16 : index
          %swap3A_607 = tpu.vector_load %arg10[%swap3A_606] {strides = array<i32>} : memref<120xi32, #tpu.memory_space<vmem>>, vector<16xi32>,
          %swap3A_608 = vector.shape_cast %swap3A_607 : vector<16xi32> to vector<16xi32>
          %swap3A_609 = vector.shape_cast %shift_right_arithmetic3A_605 : vector<16xi32> to vector<16xi32>
          tpu.vector_store %arg10[%swap3A_606], %swap3A_609 {strides = array<i32>} : memref<120xi32, #tpu.memory_space<vmem>>, vector<16xi32>,
          %get3A_610 = arith.index_cast %add3A_573 : i32 to index
          %get3A_611 = arith.constant 32 : index
          %get3A_612 = tpu.vector_load %arg7[%get3A_610, %get3A_611] {strides = array<i32>} : memref<84x120xi32, #tpu.memory_space<vmem>>, vector<1x16xi32>,
          %get3A_613 = vector.shape_cast %get3A_612 : vector<1x16xi32> to vector<16xi32>
          %and3A_614 = arith.constant 65535 : i32
          %and3A_615 = vector.broadcast %and3A_614 : i32 to vector<16xi32>
          %and3A_616 = arith.andi %get3A_613, %and3A_615 : vector<16xi32>
          %swap3A_617 = arith.constant 32 : index
          %swap3A_618 = tpu.vector_load %arg8[%swap3A_617] {strides = array<i32>} : memref<120xi32, #tpu.memory_space<vmem>>, vector<16xi32>,
          %swap3A_619 = vector.shape_cast %swap3A_618 : vector<16xi32> to vector<16xi32>
          %swap3A_620 = vector.shape_cast %and3A_616 : vector<16xi32> to vector<16xi32>
          tpu.vector_store %arg8[%swap3A_617], %swap3A_620 {strides = array<i32>} : memref<120xi32, #tpu.memory_space<vmem>>, vector<16xi32>,
          %shift_right_arithmetic3A_621 = arith.constant 16 : i32
          %shift_right_arithmetic3A_622 = vector.broadcast %shift_right_arithmetic3A_621 : i32 to vector<16xi32>
          %shift_right_arithmetic3A_623 = arith.shrsi %get3A_613, %shift_right_arithmetic3A_622 : vector<16xi32>
          %swap3A_624 = arith.constant 32 : index
          %swap3A_625 = tpu.vector_load %arg10[%swap3A_624] {strides = array<i32>} : memref<120xi32, #tpu.memory_space<vmem>>, vector<16xi32>,
          %swap3A_626 = vector.shape_cast %swap3A_625 : vector<16xi32> to vector<16xi32>
          %swap3A_627 = vector.shape_cast %shift_right_arithmetic3A_623 : vector<16xi32> to vector<16xi32>
          tpu.vector_store %arg10[%swap3A_624], %swap3A_627 {strides = array<i32>} : memref<120xi32, #tpu.memory_space<vmem>>, vector<16xi32>,
          %get3A_628 = arith.index_cast %add3A_573 : i32 to index
          %get3A_629 = arith.constant 48 : index
          %get3A_630 = tpu.vector_load %arg7[%get3A_628, %get3A_629] {strides = array<i32>} : memref<84x120xi32, #tpu.memory_space<vmem>>, vector<1x16xi32>,
          %get3A_631 = vector.shape_cast %get3A_630 : vector<1x16xi32> to vector<16xi32>
          %and3A_632 = arith.constant 65535 : i32
          %and3A_633 = vector.broadcast %and3A_632 : i32 to vector<16xi32>
          %and3A_634 = arith.andi %get3A_631, %and3A_633 : vector<16xi32>
          %swap3A_635 = arith.constant 48 : index
          %swap3A_636 = tpu.vector_load %arg8[%swap3A_635] {strides = array<i32>} : memref<120xi32, #tpu.memory_space<vmem>>, vector<16xi32>,
          %swap3A_637 = vector.shape_cast %swap3A_636 : vector<16xi32> to vector<16xi32>
          %swap3A_638 = vector.shape_cast %and3A_634 : vector<16xi32> to vector<16xi32>
          tpu.vector_store %arg8[%swap3A_635], %swap3A_638 {strides = array<i32>} : memref<120xi32, #tpu.memory_space<vmem>>, vector<16xi32>,
          %shift_right_arithmetic3A_639 = arith.constant 16 : i32
          %shift_right_arithmetic3A_640 = vector.broadcast %shift_right_arithmetic3A_639 : i32 to vector<16xi32>
          %shift_right_arithmetic3A_641 = arith.shrsi %get3A_631, %shift_right_arithmetic3A_640 : vector<16xi32>
          %swap3A_642 = arith.constant 48 : index
          %swap3A_643 = tpu.vector_load %arg10[%swap3A_642] {strides = array<i32>} : memref<120xi32, #tpu.memory_space<vmem>>, vector<16xi32>,
          %swap3A_644 = vector.shape_cast %swap3A_643 : vector<16xi32> to vector<16xi32>
          %swap3A_645 = vector.shape_cast %shift_right_arithmetic3A_641 : vector<16xi32> to vector<16xi32>
          tpu.vector_store %arg10[%swap3A_642], %swap3A_645 {strides = array<i32>} : memref<120xi32, #tpu.memory_space<vmem>>, vector<16xi32>,
          %get3A_646 = arith.index_cast %add3A_573 : i32 to index
          %get3A_647 = arith.constant 64 : index
          %get3A_648 = tpu.vector_load %arg7[%get3A_646, %get3A_647] {strides = array<i32>} : memref<84x120xi32, #tpu.memory_space<vmem>>, vector<1x16xi32>,
          %get3A_649 = vector.shape_cast %get3A_648 : vector<1x16xi32> to vector<16xi32>
          %and3A_650 = arith.constant 65535 : i32
          %and3A_651 = vector.broadcast %and3A_650 : i32 to vector<16xi32>
          %and3A_652 = arith.andi %get3A_649, %and3A_651 : vector<16xi32>
          %swap3A_653 = arith.constant 64 : index
          %swap3A_654 = tpu.vector_load %arg8[%swap3A_653] {strides = array<i32>} : memref<120xi32, #tpu.memory_space<vmem>>, vector<16xi32>,
          %swap3A_655 = vector.shape_cast %swap3A_654 : vector<16xi32> to vector<16xi32>
          %swap3A_656 = vector.shape_cast %and3A_652 : vector<16xi32> to vector<16xi32>
          tpu.vector_store %arg8[%swap3A_653], %swap3A_656 {strides = array<i32>} : memref<120xi32, #tpu.memory_space<vmem>>, vector<16xi32>,
          %shift_right_arithmetic3A_657 = arith.constant 16 : i32
          %shift_right_arithmetic3A_658 = vector.broadcast %shift_right_arithmetic3A_657 : i32 to vector<16xi32>
          %shift_right_arithmetic3A_659 = arith.shrsi %get3A_649, %shift_right_arithmetic3A_658 : vector<16xi32>
          %swap3A_660 = arith.constant 64 : index
          %swap3A_661 = tpu.vector_load %arg10[%swap3A_660] {strides = array<i32>} : memref<120xi32, #tpu.memory_space<vmem>>, vector<16xi32>,
          %swap3A_662 = vector.shape_cast %swap3A_661 : vector<16xi32> to vector<16xi32>
          %swap3A_663 = vector.shape_cast %shift_right_arithmetic3A_659 : vector<16xi32> to vector<16xi32>
          tpu.vector_store %arg10[%swap3A_660], %swap3A_663 {strides = array<i32>} : memref<120xi32, #tpu.memory_space<vmem>>, vector<16xi32>,
          %get3A_664 = arith.index_cast %add3A_573 : i32 to index
          %get3A_665 = arith.constant 80 : index
          %get3A_666 = tpu.vector_load %arg7[%get3A_664, %get3A_665] {strides = array<i32>} : memref<84x120xi32, #tpu.memory_space<vmem>>, vector<1x16xi32>,
          %get3A_667 = vector.shape_cast %get3A_666 : vector<1x16xi32> to vector<16xi32>
          %and3A_668 = arith.constant 65535 : i32
          %and3A_669 = vector.broadcast %and3A_668 : i32 to vector<16xi32>
          %and3A_670 = arith.andi %get3A_667, %and3A_669 : vector<16xi32>
          %swap3A_671 = arith.constant 80 : index
          %swap3A_672 = tpu.vector_load %arg8[%swap3A_671] {strides = array<i32>} : memref<120xi32, #tpu.memory_space<vmem>>, vector<16xi32>,
          %swap3A_673 = vector.shape_cast %swap3A_672 : vector<16xi32> to vector<16xi32>
          %swap3A_674 = vector.shape_cast %and3A_670 : vector<16xi32> to vector<16xi32>
          tpu.vector_store %arg8[%swap3A_671], %swap3A_674 {strides = array<i32>} : memref<120xi32, #tpu.memory_space<vmem>>, vector<16xi32>,
          %shift_right_arithmetic3A_675 = arith.constant 16 : i32
          %shift_right_arithmetic3A_676 = vector.broadcast %shift_right_arithmetic3A_675 : i32 to vector<16xi32>
          %shift_right_arithmetic3A_677 = arith.shrsi %get3A_667, %shift_right_arithmetic3A_676 : vector<16xi32>
          %swap3A_678 = arith.constant 80 : index
          %swap3A_679 = tpu.vector_load %arg10[%swap3A_678] {strides = array<i32>} : memref<120xi32, #tpu.memory_space<vmem>>, vector<16xi32>,
          %swap3A_680 = vector.shape_cast %swap3A_679 : vector<16xi32> to vector<16xi32>
          %swap3A_681 = vector.shape_cast %shift_right_arithmetic3A_677 : vector<16xi32> to vector<16xi32>
          tpu.vector_store %arg10[%swap3A_678], %swap3A_681 {strides = array<i32>} : memref<120xi32, #tpu.memory_space<vmem>>, vector<16xi32>,
          %get3A_682 = arith.index_cast %add3A_573 : i32 to index
          %get3A_683 = arith.constant 96 : index
          %get3A_684 = tpu.vector_load %arg7[%get3A_682, %get3A_683] {strides = array<i32>} : memref<84x120xi32, #tpu.memory_space<vmem>>, vector<1x16xi32>,
          %get3A_685 = vector.shape_cast %get3A_684 : vector<1x16xi32> to vector<16xi32>
          %and3A_686 = arith.constant 65535 : i32
          %and3A_687 = vector.broadcast %and3A_686 : i32 to vector<16xi32>
          %and3A_688 = arith.andi %get3A_685, %and3A_687 : vector<16xi32>
          %swap3A_689 = arith.constant 96 : index
          %swap3A_690 = tpu.vector_load %arg8[%swap3A_689] {strides = array<i32>} : memref<120xi32, #tpu.memory_space<vmem>>, vector<16xi32>,
          %swap3A_691 = vector.shape_cast %swap3A_690 : vector<16xi32> to vector<16xi32>
          %swap3A_692 = vector.shape_cast %and3A_688 : vector<16xi32> to vector<16xi32>
          tpu.vector_store %arg8[%swap3A_689], %swap3A_692 {strides = array<i32>} : memref<120xi32, #tpu.memory_space<vmem>>, vector<16xi32>,
          %shift_right_arithmetic3A_693 = arith.constant 16 : i32
          %shift_right_arithmetic3A_694 = vector.broadcast %shift_right_arithmetic3A_693 : i32 to vector<16xi32>
          %shift_right_arithmetic3A_695 = arith.shrsi %get3A_685, %shift_right_arithmetic3A_694 : vector<16xi32>
          %swap3A_696 = arith.constant 96 : index
          %swap3A_697 = tpu.vector_load %arg10[%swap3A_696] {strides = array<i32>} : memref<120xi32, #tpu.memory_space<vmem>>, vector<16xi32>,
          %swap3A_698 = vector.shape_cast %swap3A_697 : vector<16xi32> to vector<16xi32>
          %swap3A_699 = vector.shape_cast %shift_right_arithmetic3A_695 : vector<16xi32> to vector<16xi32>
          tpu.vector_store %arg10[%swap3A_696], %swap3A_699 {strides = array<i32>} : memref<120xi32, #tpu.memory_space<vmem>>, vector<16xi32>,
          %get3A_700 = arith.index_cast %add3A_573 : i32 to index
          %get3A_701 = arith.constant 104 : index
          %get3A_702 = tpu.vector_load %arg7[%get3A_700, %get3A_701] {strides = array<i32>} : memref<84x120xi32, #tpu.memory_space<vmem>>, vector<1x16xi32>,
          %get3A_703 = vector.shape_cast %get3A_702 : vector<1x16xi32> to vector<16xi32>
          %and3A_704 = arith.constant 65535 : i32
          %and3A_705 = vector.broadcast %and3A_704 : i32 to vector<16xi32>
          %and3A_706 = arith.andi %get3A_703, %and3A_705 : vector<16xi32>
          %swap3A_707 = arith.constant 104 : index
          %swap3A_708 = tpu.vector_load %arg8[%swap3A_707] {strides = array<i32>} : memref<120xi32, #tpu.memory_space<vmem>>, vector<16xi32>,
          %swap3A_709 = vector.shape_cast %swap3A_708 : vector<16xi32> to vector<16xi32>
          %swap3A_710 = vector.shape_cast %and3A_706 : vector<16xi32> to vector<16xi32>
          tpu.vector_store %arg8[%swap3A_707], %swap3A_710 {strides = array<i32>} : memref<120xi32, #tpu.memory_space<vmem>>, vector<16xi32>,
          %shift_right_arithmetic3A_711 = arith.constant 16 : i32
          %shift_right_arithmetic3A_712 = vector.broadcast %shift_right_arithmetic3A_711 : i32 to vector<16xi32>
          %shift_right_arithmetic3A_713 = arith.shrsi %get3A_703, %shift_right_arithmetic3A_712 : vector<16xi32>
          %swap3A_714 = arith.constant 104 : index
          %swap3A_715 = tpu.vector_load %arg10[%swap3A_714] {strides = array<i32>} : memref<120xi32, #tpu.memory_space<vmem>>, vector<16xi32>,
          %swap3A_716 = vector.shape_cast %swap3A_715 : vector<16xi32> to vector<16xi32>
          %swap3A_717 = vector.shape_cast %shift_right_arithmetic3A_713 : vector<16xi32> to vector<16xi32>
          tpu.vector_store %arg10[%swap3A_714], %swap3A_717 {strides = array<i32>} : memref<120xi32, #tpu.memory_space<vmem>>, vector<16xi32>,
          %dma_start3A_718 = arith.constant 0 : i32
          %dma_start3A_719 = arith.constant 0 : i32
          %dma_start3A_720 = tpu.memref_slice %arg2[%dma_start3A_718, %dma_start3A_719] : memref<10000x128xf32, #tpu.memory_space<hbm>> -> memref<10000x128xf32, #tpu.memory_space<hbm>>
          tpu.enqueue_indirect_dma source(%dma_start3A_720 : memref<10000x128xf32, #tpu.memory_space<hbm>>) target(%arg12 : memref<120x128xf32, #tpu.memory_space<vmem>>) offsets(%arg8 : memref<120xi32, #tpu.memory_space<vmem>>) semaphore(%arg14 : memref<!tpu.dma_semaphore, #tpu.memory_space<semaphore_mem>>)
        } else {
        }
        %mul3A_558 = arith.constant 2 : i32
        %mul3A_559 = arith.muli %mul3A_558, %scan3A_547 : i32
        %add3A_560 = arith.constant 1 : i32
        %add3A_561 = arith.addi %mul3A_559, %add3A_560 : i32
        %dma_wait3A_562 = arith.constant 0 : i32
        %dma_wait3A_563 = arith.constant 0 : i32
        %dma_wait3A_564 = tpu.memref_slice %arg2[%dma_wait3A_562, %dma_wait3A_563] : memref<10000x128xf32, #tpu.memory_space<hbm>> -> memref<10000x128xf32, #tpu.memory_space<hbm>>
        tpu.wait_indirect_dma semaphore(%arg15 : memref<!tpu.dma_semaphore, #tpu.memory_space<semaphore_mem>>) src(%dma_wait3A_564 : memref<10000x128xf32, #tpu.memory_space<hbm>>) dst(%arg13 : memref<120x128xf32, #tpu.memory_space<vmem>>)
        "tpu.region"() ({
          %run_scoped3A = tpu.sem_alloc : memref<!tpu.dma_semaphore, #tpu.memory_space<semaphore_mem>>
          %dma_start3A_572 = arith.constant 0 : i32
          %dma_start3A_573 = arith.constant 0 : i32
          %dma_start3A_574 = tpu.memref_slice %arg6[%dma_start3A_572, %dma_start3A_573] : memref<10016x128xf32, #tpu.memory_space<vmem_shared>> -> memref<10016x128xf32, #tpu.memory_space<vmem_shared>>
          tpu.enqueue_indirect_dma source(%arg13 : memref<120x128xf32, #tpu.memory_space<vmem>>) target(%dma_start3A_574 : memref<10016x128xf32, #tpu.memory_space<vmem_shared>>) offsets(%arg11 : memref<120xi32, #tpu.memory_space<vmem>>) semaphore(%run_scoped3A : memref<!tpu.dma_semaphore, #tpu.memory_space<semaphore_mem>>) {add = true}
          %dma_wait3A_575 = arith.constant 0 : i32
          %dma_wait3A_576 = arith.constant 0 : i32
          %dma_wait3A_577 = tpu.memref_slice %arg6[%dma_wait3A_575, %dma_wait3A_576] : memref<10016x128xf32, #tpu.memory_space<vmem_shared>> -> memref<10016x128xf32, #tpu.memory_space<vmem_shared>>
          tpu.wait_indirect_dma semaphore(%run_scoped3A : memref<!tpu.dma_semaphore, #tpu.memory_space<semaphore_mem>>) src(%arg13 : memref<120x128xf32, #tpu.memory_space<vmem>>) dst(%dma_wait3A_577 : memref<10016x128xf32, #tpu.memory_space<vmem_shared>>)
          tpu.yield
        }) : () -> ()
        %add3A_565 = arith.constant 2 : i32
        %add3A_566 = arith.addi %add3A_561, %add3A_565 : i32
        %lt3A_567 = arith.constant 84 : i32
        %lt3A_568 = arith.cmpi slt, %add3A_566, %lt3A_567 : i32
        %convert_element_type3A_569 = arith.extui %lt3A_568 : i1 to i32
        %cond3A_570 = arith.constant 0 : i32
        %cond3A_571 = arith.cmpi ne, %convert_element_type3A_569, %cond3A_570 : i32
        scf.if %cond3A_571 {
          %add3A_572 = arith.constant 2 : i32
          %add3A_573 = arith.addi %add3A_561, %add3A_572 : i32
          %get3A_574 = arith.index_cast %add3A_573 : i32 to index
          %get3A_575 = arith.constant 0 : index
          %get3A_576 = tpu.vector_load %arg7[%get3A_574, %get3A_575] {strides = array<i32>} : memref<84x120xi32, #tpu.memory_space<vmem>>, vector<1x16xi32>,
          %get3A_577 = vector.shape_cast %get3A_576 : vector<1x16xi32> to vector<16xi32>
          %and3A_578 = arith.constant 65535 : i32
          %and3A_579 = vector.broadcast %and3A_578 : i32 to vector<16xi32>
          %and3A_580 = arith.andi %get3A_577, %and3A_579 : vector<16xi32>
          %swap3A_581 = arith.constant 0 : index
          %swap3A_582 = tpu.vector_load %arg9[%swap3A_581] {strides = array<i32>} : memref<120xi32, #tpu.memory_space<vmem>>, vector<16xi32>,
          %swap3A_583 = vector.shape_cast %swap3A_582 : vector<16xi32> to vector<16xi32>
          %swap3A_584 = vector.shape_cast %and3A_580 : vector<16xi32> to vector<16xi32>
          tpu.vector_store %arg9[%swap3A_581], %swap3A_584 {strides = array<i32>} : memref<120xi32, #tpu.memory_space<vmem>>, vector<16xi32>,
          %shift_right_arithmetic3A_585 = arith.constant 16 : i32
          %shift_right_arithmetic3A_586 = vector.broadcast %shift_right_arithmetic3A_585 : i32 to vector<16xi32>
          %shift_right_arithmetic3A_587 = arith.shrsi %get3A_577, %shift_right_arithmetic3A_586 : vector<16xi32>
          %swap3A_588 = arith.constant 0 : index
          %swap3A_589 = tpu.vector_load %arg11[%swap3A_588] {strides = array<i32>} : memref<120xi32, #tpu.memory_space<vmem>>, vector<16xi32>,
          %swap3A_590 = vector.shape_cast %swap3A_589 : vector<16xi32> to vector<16xi32>
          %swap3A_591 = vector.shape_cast %shift_right_arithmetic3A_587 : vector<16xi32> to vector<16xi32>
          tpu.vector_store %arg11[%swap3A_588], %swap3A_591 {strides = array<i32>} : memref<120xi32, #tpu.memory_space<vmem>>, vector<16xi32>,
          %get3A_592 = arith.index_cast %add3A_573 : i32 to index
          %get3A_593 = arith.constant 16 : index
          %get3A_594 = tpu.vector_load %arg7[%get3A_592, %get3A_593] {strides = array<i32>} : memref<84x120xi32, #tpu.memory_space<vmem>>, vector<1x16xi32>,
          %get3A_595 = vector.shape_cast %get3A_594 : vector<1x16xi32> to vector<16xi32>
          %and3A_596 = arith.constant 65535 : i32
          %and3A_597 = vector.broadcast %and3A_596 : i32 to vector<16xi32>
          %and3A_598 = arith.andi %get3A_595, %and3A_597 : vector<16xi32>
          %swap3A_599 = arith.constant 16 : index
          %swap3A_600 = tpu.vector_load %arg9[%swap3A_599] {strides = array<i32>} : memref<120xi32, #tpu.memory_space<vmem>>, vector<16xi32>,
          %swap3A_601 = vector.shape_cast %swap3A_600 : vector<16xi32> to vector<16xi32>
          %swap3A_602 = vector.shape_cast %and3A_598 : vector<16xi32> to vector<16xi32>
          tpu.vector_store %arg9[%swap3A_599], %swap3A_602 {strides = array<i32>} : memref<120xi32, #tpu.memory_space<vmem>>, vector<16xi32>,
          %shift_right_arithmetic3A_603 = arith.constant 16 : i32
          %shift_right_arithmetic3A_604 = vector.broadcast %shift_right_arithmetic3A_603 : i32 to vector<16xi32>
          %shift_right_arithmetic3A_605 = arith.shrsi %get3A_595, %shift_right_arithmetic3A_604 : vector<16xi32>
          %swap3A_606 = arith.constant 16 : index
          %swap3A_607 = tpu.vector_load %arg11[%swap3A_606] {strides = array<i32>} : memref<120xi32, #tpu.memory_space<vmem>>, vector<16xi32>,
          %swap3A_608 = vector.shape_cast %swap3A_607 : vector<16xi32> to vector<16xi32>
          %swap3A_609 = vector.shape_cast %shift_right_arithmetic3A_605 : vector<16xi32> to vector<16xi32>
          tpu.vector_store %arg11[%swap3A_606], %swap3A_609 {strides = array<i32>} : memref<120xi32, #tpu.memory_space<vmem>>, vector<16xi32>,
          %get3A_610 = arith.index_cast %add3A_573 : i32 to index
          %get3A_611 = arith.constant 32 : index
          %get3A_612 = tpu.vector_load %arg7[%get3A_610, %get3A_611] {strides = array<i32>} : memref<84x120xi32, #tpu.memory_space<vmem>>, vector<1x16xi32>,
          %get3A_613 = vector.shape_cast %get3A_612 : vector<1x16xi32> to vector<16xi32>
          %and3A_614 = arith.constant 65535 : i32
          %and3A_615 = vector.broadcast %and3A_614 : i32 to vector<16xi32>
          %and3A_616 = arith.andi %get3A_613, %and3A_615 : vector<16xi32>
          %swap3A_617 = arith.constant 32 : index
          %swap3A_618 = tpu.vector_load %arg9[%swap3A_617] {strides = array<i32>} : memref<120xi32, #tpu.memory_space<vmem>>, vector<16xi32>,
          %swap3A_619 = vector.shape_cast %swap3A_618 : vector<16xi32> to vector<16xi32>
          %swap3A_620 = vector.shape_cast %and3A_616 : vector<16xi32> to vector<16xi32>
          tpu.vector_store %arg9[%swap3A_617], %swap3A_620 {strides = array<i32>} : memref<120xi32, #tpu.memory_space<vmem>>, vector<16xi32>,
          %shift_right_arithmetic3A_621 = arith.constant 16 : i32
          %shift_right_arithmetic3A_622 = vector.broadcast %shift_right_arithmetic3A_621 : i32 to vector<16xi32>
          %shift_right_arithmetic3A_623 = arith.shrsi %get3A_613, %shift_right_arithmetic3A_622 : vector<16xi32>
          %swap3A_624 = arith.constant 32 : index
          %swap3A_625 = tpu.vector_load %arg11[%swap3A_624] {strides = array<i32>} : memref<120xi32, #tpu.memory_space<vmem>>, vector<16xi32>,
          %swap3A_626 = vector.shape_cast %swap3A_625 : vector<16xi32> to vector<16xi32>
          %swap3A_627 = vector.shape_cast %shift_right_arithmetic3A_623 : vector<16xi32> to vector<16xi32>
          tpu.vector_store %arg11[%swap3A_624], %swap3A_627 {strides = array<i32>} : memref<120xi32, #tpu.memory_space<vmem>>, vector<16xi32>,
          %get3A_628 = arith.index_cast %add3A_573 : i32 to index
          %get3A_629 = arith.constant 48 : index
          %get3A_630 = tpu.vector_load %arg7[%get3A_628, %get3A_629] {strides = array<i32>} : memref<84x120xi32, #tpu.memory_space<vmem>>, vector<1x16xi32>,
          %get3A_631 = vector.shape_cast %get3A_630 : vector<1x16xi32> to vector<16xi32>
          %and3A_632 = arith.constant 65535 : i32
          %and3A_633 = vector.broadcast %and3A_632 : i32 to vector<16xi32>
          %and3A_634 = arith.andi %get3A_631, %and3A_633 : vector<16xi32>
          %swap3A_635 = arith.constant 48 : index
          %swap3A_636 = tpu.vector_load %arg9[%swap3A_635] {strides = array<i32>} : memref<120xi32, #tpu.memory_space<vmem>>, vector<16xi32>,
          %swap3A_637 = vector.shape_cast %swap3A_636 : vector<16xi32> to vector<16xi32>
          %swap3A_638 = vector.shape_cast %and3A_634 : vector<16xi32> to vector<16xi32>
          tpu.vector_store %arg9[%swap3A_635], %swap3A_638 {strides = array<i32>} : memref<120xi32, #tpu.memory_space<vmem>>, vector<16xi32>,
          %shift_right_arithmetic3A_639 = arith.constant 16 : i32
          %shift_right_arithmetic3A_640 = vector.broadcast %shift_right_arithmetic3A_639 : i32 to vector<16xi32>
          %shift_right_arithmetic3A_641 = arith.shrsi %get3A_631, %shift_right_arithmetic3A_640 : vector<16xi32>
          %swap3A_642 = arith.constant 48 : index
          %swap3A_643 = tpu.vector_load %arg11[%swap3A_642] {strides = array<i32>} : memref<120xi32, #tpu.memory_space<vmem>>, vector<16xi32>,
          %swap3A_644 = vector.shape_cast %swap3A_643 : vector<16xi32> to vector<16xi32>
          %swap3A_645 = vector.shape_cast %shift_right_arithmetic3A_641 : vector<16xi32> to vector<16xi32>
          tpu.vector_store %arg11[%swap3A_642], %swap3A_645 {strides = array<i32>} : memref<120xi32, #tpu.memory_space<vmem>>, vector<16xi32>,
          %get3A_646 = arith.index_cast %add3A_573 : i32 to index
          %get3A_647 = arith.constant 64 : index
          %get3A_648 = tpu.vector_load %arg7[%get3A_646, %get3A_647] {strides = array<i32>} : memref<84x120xi32, #tpu.memory_space<vmem>>, vector<1x16xi32>,
          %get3A_649 = vector.shape_cast %get3A_648 : vector<1x16xi32> to vector<16xi32>
          %and3A_650 = arith.constant 65535 : i32
          %and3A_651 = vector.broadcast %and3A_650 : i32 to vector<16xi32>
          %and3A_652 = arith.andi %get3A_649, %and3A_651 : vector<16xi32>
          %swap3A_653 = arith.constant 64 : index
          %swap3A_654 = tpu.vector_load %arg9[%swap3A_653] {strides = array<i32>} : memref<120xi32, #tpu.memory_space<vmem>>, vector<16xi32>,
          %swap3A_655 = vector.shape_cast %swap3A_654 : vector<16xi32> to vector<16xi32>
          %swap3A_656 = vector.shape_cast %and3A_652 : vector<16xi32> to vector<16xi32>
          tpu.vector_store %arg9[%swap3A_653], %swap3A_656 {strides = array<i32>} : memref<120xi32, #tpu.memory_space<vmem>>, vector<16xi32>,
          %shift_right_arithmetic3A_657 = arith.constant 16 : i32
          %shift_right_arithmetic3A_658 = vector.broadcast %shift_right_arithmetic3A_657 : i32 to vector<16xi32>
          %shift_right_arithmetic3A_659 = arith.shrsi %get3A_649, %shift_right_arithmetic3A_658 : vector<16xi32>
          %swap3A_660 = arith.constant 64 : index
          %swap3A_661 = tpu.vector_load %arg11[%swap3A_660] {strides = array<i32>} : memref<120xi32, #tpu.memory_space<vmem>>, vector<16xi32>,
          %swap3A_662 = vector.shape_cast %swap3A_661 : vector<16xi32> to vector<16xi32>
          %swap3A_663 = vector.shape_cast %shift_right_arithmetic3A_659 : vector<16xi32> to vector<16xi32>
          tpu.vector_store %arg11[%swap3A_660], %swap3A_663 {strides = array<i32>} : memref<120xi32, #tpu.memory_space<vmem>>, vector<16xi32>,
          %get3A_664 = arith.index_cast %add3A_573 : i32 to index
          %get3A_665 = arith.constant 80 : index
          %get3A_666 = tpu.vector_load %arg7[%get3A_664, %get3A_665] {strides = array<i32>} : memref<84x120xi32, #tpu.memory_space<vmem>>, vector<1x16xi32>,
          %get3A_667 = vector.shape_cast %get3A_666 : vector<1x16xi32> to vector<16xi32>
          %and3A_668 = arith.constant 65535 : i32
          %and3A_669 = vector.broadcast %and3A_668 : i32 to vector<16xi32>
          %and3A_670 = arith.andi %get3A_667, %and3A_669 : vector<16xi32>
          %swap3A_671 = arith.constant 80 : index
          %swap3A_672 = tpu.vector_load %arg9[%swap3A_671] {strides = array<i32>} : memref<120xi32, #tpu.memory_space<vmem>>, vector<16xi32>,
          %swap3A_673 = vector.shape_cast %swap3A_672 : vector<16xi32> to vector<16xi32>
          %swap3A_674 = vector.shape_cast %and3A_670 : vector<16xi32> to vector<16xi32>
          tpu.vector_store %arg9[%swap3A_671], %swap3A_674 {strides = array<i32>} : memref<120xi32, #tpu.memory_space<vmem>>, vector<16xi32>,
          %shift_right_arithmetic3A_675 = arith.constant 16 : i32
          %shift_right_arithmetic3A_676 = vector.broadcast %shift_right_arithmetic3A_675 : i32 to vector<16xi32>
          %shift_right_arithmetic3A_677 = arith.shrsi %get3A_667, %shift_right_arithmetic3A_676 : vector<16xi32>
          %swap3A_678 = arith.constant 80 : index
          %swap3A_679 = tpu.vector_load %arg11[%swap3A_678] {strides = array<i32>} : memref<120xi32, #tpu.memory_space<vmem>>, vector<16xi32>,
          %swap3A_680 = vector.shape_cast %swap3A_679 : vector<16xi32> to vector<16xi32>
          %swap3A_681 = vector.shape_cast %shift_right_arithmetic3A_677 : vector<16xi32> to vector<16xi32>
          tpu.vector_store %arg11[%swap3A_678], %swap3A_681 {strides = array<i32>} : memref<120xi32, #tpu.memory_space<vmem>>, vector<16xi32>,
          %get3A_682 = arith.index_cast %add3A_573 : i32 to index
          %get3A_683 = arith.constant 96 : index
          %get3A_684 = tpu.vector_load %arg7[%get3A_682, %get3A_683] {strides = array<i32>} : memref<84x120xi32, #tpu.memory_space<vmem>>, vector<1x16xi32>,
          %get3A_685 = vector.shape_cast %get3A_684 : vector<1x16xi32> to vector<16xi32>
          %and3A_686 = arith.constant 65535 : i32
          %and3A_687 = vector.broadcast %and3A_686 : i32 to vector<16xi32>
          %and3A_688 = arith.andi %get3A_685, %and3A_687 : vector<16xi32>
          %swap3A_689 = arith.constant 96 : index
          %swap3A_690 = tpu.vector_load %arg9[%swap3A_689] {strides = array<i32>} : memref<120xi32, #tpu.memory_space<vmem>>, vector<16xi32>,
          %swap3A_691 = vector.shape_cast %swap3A_690 : vector<16xi32> to vector<16xi32>
          %swap3A_692 = vector.shape_cast %and3A_688 : vector<16xi32> to vector<16xi32>
          tpu.vector_store %arg9[%swap3A_689], %swap3A_692 {strides = array<i32>} : memref<120xi32, #tpu.memory_space<vmem>>, vector<16xi32>,
          %shift_right_arithmetic3A_693 = arith.constant 16 : i32
          %shift_right_arithmetic3A_694 = vector.broadcast %shift_right_arithmetic3A_693 : i32 to vector<16xi32>
          %shift_right_arithmetic3A_695 = arith.shrsi %get3A_685, %shift_right_arithmetic3A_694 : vector<16xi32>
          %swap3A_696 = arith.constant 96 : index
          %swap3A_697 = tpu.vector_load %arg11[%swap3A_696] {strides = array<i32>} : memref<120xi32, #tpu.memory_space<vmem>>, vector<16xi32>,
          %swap3A_698 = vector.shape_cast %swap3A_697 : vector<16xi32> to vector<16xi32>
          %swap3A_699 = vector.shape_cast %shift_right_arithmetic3A_695 : vector<16xi32> to vector<16xi32>
          tpu.vector_store %arg11[%swap3A_696], %swap3A_699 {strides = array<i32>} : memref<120xi32, #tpu.memory_space<vmem>>, vector<16xi32>,
          %get3A_700 = arith.index_cast %add3A_573 : i32 to index
          %get3A_701 = arith.constant 104 : index
          %get3A_702 = tpu.vector_load %arg7[%get3A_700, %get3A_701] {strides = array<i32>} : memref<84x120xi32, #tpu.memory_space<vmem>>, vector<1x16xi32>,
          %get3A_703 = vector.shape_cast %get3A_702 : vector<1x16xi32> to vector<16xi32>
          %and3A_704 = arith.constant 65535 : i32
          %and3A_705 = vector.broadcast %and3A_704 : i32 to vector<16xi32>
          %and3A_706 = arith.andi %get3A_703, %and3A_705 : vector<16xi32>
          %swap3A_707 = arith.constant 104 : index
          %swap3A_708 = tpu.vector_load %arg9[%swap3A_707] {strides = array<i32>} : memref<120xi32, #tpu.memory_space<vmem>>, vector<16xi32>,
          %swap3A_709 = vector.shape_cast %swap3A_708 : vector<16xi32> to vector<16xi32>
          %swap3A_710 = vector.shape_cast %and3A_706 : vector<16xi32> to vector<16xi32>
          tpu.vector_store %arg9[%swap3A_707], %swap3A_710 {strides = array<i32>} : memref<120xi32, #tpu.memory_space<vmem>>, vector<16xi32>,
          %shift_right_arithmetic3A_711 = arith.constant 16 : i32
          %shift_right_arithmetic3A_712 = vector.broadcast %shift_right_arithmetic3A_711 : i32 to vector<16xi32>
          %shift_right_arithmetic3A_713 = arith.shrsi %get3A_703, %shift_right_arithmetic3A_712 : vector<16xi32>
          %swap3A_714 = arith.constant 104 : index
          %swap3A_715 = tpu.vector_load %arg11[%swap3A_714] {strides = array<i32>} : memref<120xi32, #tpu.memory_space<vmem>>, vector<16xi32>,
          %swap3A_716 = vector.shape_cast %swap3A_715 : vector<16xi32> to vector<16xi32>
          %swap3A_717 = vector.shape_cast %shift_right_arithmetic3A_713 : vector<16xi32> to vector<16xi32>
          tpu.vector_store %arg11[%swap3A_714], %swap3A_717 {strides = array<i32>} : memref<120xi32, #tpu.memory_space<vmem>>, vector<16xi32>,
          %dma_start3A_718 = arith.constant 0 : i32
          %dma_start3A_719 = arith.constant 0 : i32
          %dma_start3A_720 = tpu.memref_slice %arg2[%dma_start3A_718, %dma_start3A_719] : memref<10000x128xf32, #tpu.memory_space<hbm>> -> memref<10000x128xf32, #tpu.memory_space<hbm>>
          tpu.enqueue_indirect_dma source(%dma_start3A_720 : memref<10000x128xf32, #tpu.memory_space<hbm>>) target(%arg13 : memref<120x128xf32, #tpu.memory_space<vmem>>) offsets(%arg9 : memref<120xi32, #tpu.memory_space<vmem>>) semaphore(%arg15 : memref<!tpu.dma_semaphore, #tpu.memory_space<semaphore_mem>>)
        } else {
        }
      }
      %scan3A_546 = arith.constant 42 : i32
    } else {
    }
    %eq3A_418 = arith.constant 1 : i32
    %eq3A_419 = arith.cmpi eq, %arg0, %eq3A_418 : i32
    %convert_element_type3A_420 = arith.extui %eq3A_419 : i1 to i32
    %cond3A_421 = arith.constant 0 : i32
    %cond3A_422 = arith.cmpi ne, %convert_element_type3A_420, %cond3A_421 : i32
    scf.if %cond3A_422 {
      %dma_start3A = arith.constant 0 : i32
      %dma_start3A_535 = arith.constant 0 : i32
      %dma_start3A_536 = tpu.memref_slice %arg3[%dma_start3A, %dma_start3A_535] : memref<10000x128xf32, #tpu.memory_space<hbm>> -> memref<10000x128xf32, #tpu.memory_space<hbm>>
      tpu.enqueue_indirect_dma source(%dma_start3A_536 : memref<10000x128xf32, #tpu.memory_space<hbm>>) target(%arg12 : memref<120x128xf32, #tpu.memory_space<vmem>>) offsets(%arg8 : memref<120xi32, #tpu.memory_space<vmem>>) semaphore(%arg14 : memref<!tpu.dma_semaphore, #tpu.memory_space<semaphore_mem>>)
      %dma_start3A_537 = arith.constant 0 : i32
      %dma_start3A_538 = arith.constant 0 : i32
      %dma_start3A_539 = tpu.memref_slice %arg3[%dma_start3A_537, %dma_start3A_538] : memref<10000x128xf32, #tpu.memory_space<hbm>> -> memref<10000x128xf32, #tpu.memory_space<hbm>>
      tpu.enqueue_indirect_dma source(%dma_start3A_539 : memref<10000x128xf32, #tpu.memory_space<hbm>>) target(%arg13 : memref<120x128xf32, #tpu.memory_space<vmem>>) offsets(%arg9 : memref<120xi32, #tpu.memory_space<vmem>>) semaphore(%arg15 : memref<!tpu.dma_semaphore, #tpu.memory_space<semaphore_mem>>)
      %barrier3A_540 = arith.constant 0 : index
      tpu.barrier barrier_id(%barrier3A_540)
      %scan3A_541 = arith.constant 0 : i32
      %scan3A_542 = arith.constant 0 : i32
      %scan3A_543 = arith.constant 42 : i32
      %scan3A_544 = arith.addi %scan3A_542, %scan3A_543 : i32
      %scan3A_545 = arith.constant 1 : i32
      scf.for %scan3A_547 = %scan3A_542 to %scan3A_544 step %scan3A_545  : i32 {
        %mul3A = arith.constant 2 : i32
        %mul3A_548 = arith.muli %mul3A, %scan3A_547 : i32
        %dma_wait3A = arith.constant 0 : i32
        %dma_wait3A_549 = arith.constant 0 : i32
        %dma_wait3A_550 = tpu.memref_slice %arg3[%dma_wait3A, %dma_wait3A_549] : memref<10000x128xf32, #tpu.memory_space<hbm>> -> memref<10000x128xf32, #tpu.memory_space<hbm>>
        tpu.wait_indirect_dma semaphore(%arg14 : memref<!tpu.dma_semaphore, #tpu.memory_space<semaphore_mem>>) src(%dma_wait3A_550 : memref<10000x128xf32, #tpu.memory_space<hbm>>) dst(%arg12 : memref<120x128xf32, #tpu.memory_space<vmem>>)
        "tpu.region"() ({
          %run_scoped3A = tpu.sem_alloc : memref<!tpu.dma_semaphore, #tpu.memory_space<semaphore_mem>>
          %dma_start3A_572 = arith.constant 0 : i32
          %dma_start3A_573 = arith.constant 0 : i32
          %dma_start3A_574 = tpu.memref_slice %arg6[%dma_start3A_572, %dma_start3A_573] : memref<10016x128xf32, #tpu.memory_space<vmem_shared>> -> memref<10016x128xf32, #tpu.memory_space<vmem_shared>>
          tpu.enqueue_indirect_dma source(%arg12 : memref<120x128xf32, #tpu.memory_space<vmem>>) target(%dma_start3A_574 : memref<10016x128xf32, #tpu.memory_space<vmem_shared>>) offsets(%arg10 : memref<120xi32, #tpu.memory_space<vmem>>) semaphore(%run_scoped3A : memref<!tpu.dma_semaphore, #tpu.memory_space<semaphore_mem>>) {add = true}
          %dma_wait3A_575 = arith.constant 0 : i32
          %dma_wait3A_576 = arith.constant 0 : i32
          %dma_wait3A_577 = tpu.memref_slice %arg6[%dma_wait3A_575, %dma_wait3A_576] : memref<10016x128xf32, #tpu.memory_space<vmem_shared>> -> memref<10016x128xf32, #tpu.memory_space<vmem_shared>>
          tpu.wait_indirect_dma semaphore(%run_scoped3A : memref<!tpu.dma_semaphore, #tpu.memory_space<semaphore_mem>>) src(%arg12 : memref<120x128xf32, #tpu.memory_space<vmem>>) dst(%dma_wait3A_577 : memref<10016x128xf32, #tpu.memory_space<vmem_shared>>)
          tpu.yield
        }) : () -> ()
        %add3A_551 = arith.constant 2 : i32
        %add3A_552 = arith.addi %mul3A_548, %add3A_551 : i32
        %lt3A_553 = arith.constant 84 : i32
        %lt3A_554 = arith.cmpi slt, %add3A_552, %lt3A_553 : i32
        %convert_element_type3A_555 = arith.extui %lt3A_554 : i1 to i32
        %cond3A_556 = arith.constant 0 : i32
        %cond3A_557 = arith.cmpi ne, %convert_element_type3A_555, %cond3A_556 : i32
        scf.if %cond3A_557 {
          %add3A_572 = arith.constant 2 : i32
          %add3A_573 = arith.addi %mul3A_548, %add3A_572 : i32
          %get3A_574 = arith.index_cast %add3A_573 : i32 to index
          %get3A_575 = arith.constant 0 : index
          %get3A_576 = tpu.vector_load %arg7[%get3A_574, %get3A_575] {strides = array<i32>} : memref<84x120xi32, #tpu.memory_space<vmem>>, vector<1x16xi32>,
          %get3A_577 = vector.shape_cast %get3A_576 : vector<1x16xi32> to vector<16xi32>
          %and3A_578 = arith.constant 65535 : i32
          %and3A_579 = vector.broadcast %and3A_578 : i32 to vector<16xi32>
          %and3A_580 = arith.andi %get3A_577, %and3A_579 : vector<16xi32>
          %swap3A_581 = arith.constant 0 : index
          %swap3A_582 = tpu.vector_load %arg8[%swap3A_581] {strides = array<i32>} : memref<120xi32, #tpu.memory_space<vmem>>, vector<16xi32>,
          %swap3A_583 = vector.shape_cast %swap3A_582 : vector<16xi32> to vector<16xi32>
          %swap3A_584 = vector.shape_cast %and3A_580 : vector<16xi32> to vector<16xi32>
          tpu.vector_store %arg8[%swap3A_581], %swap3A_584 {strides = array<i32>} : memref<120xi32, #tpu.memory_space<vmem>>, vector<16xi32>,
          %shift_right_arithmetic3A_585 = arith.constant 16 : i32
          %shift_right_arithmetic3A_586 = vector.broadcast %shift_right_arithmetic3A_585 : i32 to vector<16xi32>
          %shift_right_arithmetic3A_587 = arith.shrsi %get3A_577, %shift_right_arithmetic3A_586 : vector<16xi32>
          %swap3A_588 = arith.constant 0 : index
          %swap3A_589 = tpu.vector_load %arg10[%swap3A_588] {strides = array<i32>} : memref<120xi32, #tpu.memory_space<vmem>>, vector<16xi32>,
          %swap3A_590 = vector.shape_cast %swap3A_589 : vector<16xi32> to vector<16xi32>
          %swap3A_591 = vector.shape_cast %shift_right_arithmetic3A_587 : vector<16xi32> to vector<16xi32>
          tpu.vector_store %arg10[%swap3A_588], %swap3A_591 {strides = array<i32>} : memref<120xi32, #tpu.memory_space<vmem>>, vector<16xi32>,
          %get3A_592 = arith.index_cast %add3A_573 : i32 to index
          %get3A_593 = arith.constant 16 : index
          %get3A_594 = tpu.vector_load %arg7[%get3A_592, %get3A_593] {strides = array<i32>} : memref<84x120xi32, #tpu.memory_space<vmem>>, vector<1x16xi32>,
          %get3A_595 = vector.shape_cast %get3A_594 : vector<1x16xi32> to vector<16xi32>
          %and3A_596 = arith.constant 65535 : i32
          %and3A_597 = vector.broadcast %and3A_596 : i32 to vector<16xi32>
          %and3A_598 = arith.andi %get3A_595, %and3A_597 : vector<16xi32>
          %swap3A_599 = arith.constant 16 : index
          %swap3A_600 = tpu.vector_load %arg8[%swap3A_599] {strides = array<i32>} : memref<120xi32, #tpu.memory_space<vmem>>, vector<16xi32>,
          %swap3A_601 = vector.shape_cast %swap3A_600 : vector<16xi32> to vector<16xi32>
          %swap3A_602 = vector.shape_cast %and3A_598 : vector<16xi32> to vector<16xi32>
          tpu.vector_store %arg8[%swap3A_599], %swap3A_602 {strides = array<i32>} : memref<120xi32, #tpu.memory_space<vmem>>, vector<16xi32>,
          %shift_right_arithmetic3A_603 = arith.constant 16 : i32
          %shift_right_arithmetic3A_604 = vector.broadcast %shift_right_arithmetic3A_603 : i32 to vector<16xi32>
          %shift_right_arithmetic3A_605 = arith.shrsi %get3A_595, %shift_right_arithmetic3A_604 : vector<16xi32>
          %swap3A_606 = arith.constant 16 : index
          %swap3A_607 = tpu.vector_load %arg10[%swap3A_606] {strides = array<i32>} : memref<120xi32, #tpu.memory_space<vmem>>, vector<16xi32>,
          %swap3A_608 = vector.shape_cast %swap3A_607 : vector<16xi32> to vector<16xi32>
          %swap3A_609 = vector.shape_cast %shift_right_arithmetic3A_605 : vector<16xi32> to vector<16xi32>
          tpu.vector_store %arg10[%swap3A_606], %swap3A_609 {strides = array<i32>} : memref<120xi32, #tpu.memory_space<vmem>>, vector<16xi32>,
          %get3A_610 = arith.index_cast %add3A_573 : i32 to index
          %get3A_611 = arith.constant 32 : index
          %get3A_612 = tpu.vector_load %arg7[%get3A_610, %get3A_611] {strides = array<i32>} : memref<84x120xi32, #tpu.memory_space<vmem>>, vector<1x16xi32>,
          %get3A_613 = vector.shape_cast %get3A_612 : vector<1x16xi32> to vector<16xi32>
          %and3A_614 = arith.constant 65535 : i32
          %and3A_615 = vector.broadcast %and3A_614 : i32 to vector<16xi32>
          %and3A_616 = arith.andi %get3A_613, %and3A_615 : vector<16xi32>
          %swap3A_617 = arith.constant 32 : index
          %swap3A_618 = tpu.vector_load %arg8[%swap3A_617] {strides = array<i32>} : memref<120xi32, #tpu.memory_space<vmem>>, vector<16xi32>,
          %swap3A_619 = vector.shape_cast %swap3A_618 : vector<16xi32> to vector<16xi32>
          %swap3A_620 = vector.shape_cast %and3A_616 : vector<16xi32> to vector<16xi32>
          tpu.vector_store %arg8[%swap3A_617], %swap3A_620 {strides = array<i32>} : memref<120xi32, #tpu.memory_space<vmem>>, vector<16xi32>,
          %shift_right_arithmetic3A_621 = arith.constant 16 : i32
          %shift_right_arithmetic3A_622 = vector.broadcast %shift_right_arithmetic3A_621 : i32 to vector<16xi32>
          %shift_right_arithmetic3A_623 = arith.shrsi %get3A_613, %shift_right_arithmetic3A_622 : vector<16xi32>
          %swap3A_624 = arith.constant 32 : index
          %swap3A_625 = tpu.vector_load %arg10[%swap3A_624] {strides = array<i32>} : memref<120xi32, #tpu.memory_space<vmem>>, vector<16xi32>,
          %swap3A_626 = vector.shape_cast %swap3A_625 : vector<16xi32> to vector<16xi32>
          %swap3A_627 = vector.shape_cast %shift_right_arithmetic3A_623 : vector<16xi32> to vector<16xi32>
          tpu.vector_store %arg10[%swap3A_624], %swap3A_627 {strides = array<i32>} : memref<120xi32, #tpu.memory_space<vmem>>, vector<16xi32>,
          %get3A_628 = arith.index_cast %add3A_573 : i32 to index
          %get3A_629 = arith.constant 48 : index
          %get3A_630 = tpu.vector_load %arg7[%get3A_628, %get3A_629] {strides = array<i32>} : memref<84x120xi32, #tpu.memory_space<vmem>>, vector<1x16xi32>,
          %get3A_631 = vector.shape_cast %get3A_630 : vector<1x16xi32> to vector<16xi32>
          %and3A_632 = arith.constant 65535 : i32
          %and3A_633 = vector.broadcast %and3A_632 : i32 to vector<16xi32>
          %and3A_634 = arith.andi %get3A_631, %and3A_633 : vector<16xi32>
          %swap3A_635 = arith.constant 48 : index
          %swap3A_636 = tpu.vector_load %arg8[%swap3A_635] {strides = array<i32>} : memref<120xi32, #tpu.memory_space<vmem>>, vector<16xi32>,
          %swap3A_637 = vector.shape_cast %swap3A_636 : vector<16xi32> to vector<16xi32>
          %swap3A_638 = vector.shape_cast %and3A_634 : vector<16xi32> to vector<16xi32>
          tpu.vector_store %arg8[%swap3A_635], %swap3A_638 {strides = array<i32>} : memref<120xi32, #tpu.memory_space<vmem>>, vector<16xi32>,
          %shift_right_arithmetic3A_639 = arith.constant 16 : i32
          %shift_right_arithmetic3A_640 = vector.broadcast %shift_right_arithmetic3A_639 : i32 to vector<16xi32>
          %shift_right_arithmetic3A_641 = arith.shrsi %get3A_631, %shift_right_arithmetic3A_640 : vector<16xi32>
          %swap3A_642 = arith.constant 48 : index
          %swap3A_643 = tpu.vector_load %arg10[%swap3A_642] {strides = array<i32>} : memref<120xi32, #tpu.memory_space<vmem>>, vector<16xi32>,
          %swap3A_644 = vector.shape_cast %swap3A_643 : vector<16xi32> to vector<16xi32>
          %swap3A_645 = vector.shape_cast %shift_right_arithmetic3A_641 : vector<16xi32> to vector<16xi32>
          tpu.vector_store %arg10[%swap3A_642], %swap3A_645 {strides = array<i32>} : memref<120xi32, #tpu.memory_space<vmem>>, vector<16xi32>,
          %get3A_646 = arith.index_cast %add3A_573 : i32 to index
          %get3A_647 = arith.constant 64 : index
          %get3A_648 = tpu.vector_load %arg7[%get3A_646, %get3A_647] {strides = array<i32>} : memref<84x120xi32, #tpu.memory_space<vmem>>, vector<1x16xi32>,
          %get3A_649 = vector.shape_cast %get3A_648 : vector<1x16xi32> to vector<16xi32>
          %and3A_650 = arith.constant 65535 : i32
          %and3A_651 = vector.broadcast %and3A_650 : i32 to vector<16xi32>
          %and3A_652 = arith.andi %get3A_649, %and3A_651 : vector<16xi32>
          %swap3A_653 = arith.constant 64 : index
          %swap3A_654 = tpu.vector_load %arg8[%swap3A_653] {strides = array<i32>} : memref<120xi32, #tpu.memory_space<vmem>>, vector<16xi32>,
          %swap3A_655 = vector.shape_cast %swap3A_654 : vector<16xi32> to vector<16xi32>
          %swap3A_656 = vector.shape_cast %and3A_652 : vector<16xi32> to vector<16xi32>
          tpu.vector_store %arg8[%swap3A_653], %swap3A_656 {strides = array<i32>} : memref<120xi32, #tpu.memory_space<vmem>>, vector<16xi32>,
          %shift_right_arithmetic3A_657 = arith.constant 16 : i32
          %shift_right_arithmetic3A_658 = vector.broadcast %shift_right_arithmetic3A_657 : i32 to vector<16xi32>
          %shift_right_arithmetic3A_659 = arith.shrsi %get3A_649, %shift_right_arithmetic3A_658 : vector<16xi32>
          %swap3A_660 = arith.constant 64 : index
          %swap3A_661 = tpu.vector_load %arg10[%swap3A_660] {strides = array<i32>} : memref<120xi32, #tpu.memory_space<vmem>>, vector<16xi32>,
          %swap3A_662 = vector.shape_cast %swap3A_661 : vector<16xi32> to vector<16xi32>
          %swap3A_663 = vector.shape_cast %shift_right_arithmetic3A_659 : vector<16xi32> to vector<16xi32>
          tpu.vector_store %arg10[%swap3A_660], %swap3A_663 {strides = array<i32>} : memref<120xi32, #tpu.memory_space<vmem>>, vector<16xi32>,
          %get3A_664 = arith.index_cast %add3A_573 : i32 to index
          %get3A_665 = arith.constant 80 : index
          %get3A_666 = tpu.vector_load %arg7[%get3A_664, %get3A_665] {strides = array<i32>} : memref<84x120xi32, #tpu.memory_space<vmem>>, vector<1x16xi32>,
          %get3A_667 = vector.shape_cast %get3A_666 : vector<1x16xi32> to vector<16xi32>
          %and3A_668 = arith.constant 65535 : i32
          %and3A_669 = vector.broadcast %and3A_668 : i32 to vector<16xi32>
          %and3A_670 = arith.andi %get3A_667, %and3A_669 : vector<16xi32>
          %swap3A_671 = arith.constant 80 : index
          %swap3A_672 = tpu.vector_load %arg8[%swap3A_671] {strides = array<i32>} : memref<120xi32, #tpu.memory_space<vmem>>, vector<16xi32>,
          %swap3A_673 = vector.shape_cast %swap3A_672 : vector<16xi32> to vector<16xi32>
          %swap3A_674 = vector.shape_cast %and3A_670 : vector<16xi32> to vector<16xi32>
          tpu.vector_store %arg8[%swap3A_671], %swap3A_674 {strides = array<i32>} : memref<120xi32, #tpu.memory_space<vmem>>, vector<16xi32>,
          %shift_right_arithmetic3A_675 = arith.constant 16 : i32
          %shift_right_arithmetic3A_676 = vector.broadcast %shift_right_arithmetic3A_675 : i32 to vector<16xi32>
          %shift_right_arithmetic3A_677 = arith.shrsi %get3A_667, %shift_right_arithmetic3A_676 : vector<16xi32>
          %swap3A_678 = arith.constant 80 : index
          %swap3A_679 = tpu.vector_load %arg10[%swap3A_678] {strides = array<i32>} : memref<120xi32, #tpu.memory_space<vmem>>, vector<16xi32>,
          %swap3A_680 = vector.shape_cast %swap3A_679 : vector<16xi32> to vector<16xi32>
          %swap3A_681 = vector.shape_cast %shift_right_arithmetic3A_677 : vector<16xi32> to vector<16xi32>
          tpu.vector_store %arg10[%swap3A_678], %swap3A_681 {strides = array<i32>} : memref<120xi32, #tpu.memory_space<vmem>>, vector<16xi32>,
          %get3A_682 = arith.index_cast %add3A_573 : i32 to index
          %get3A_683 = arith.constant 96 : index
          %get3A_684 = tpu.vector_load %arg7[%get3A_682, %get3A_683] {strides = array<i32>} : memref<84x120xi32, #tpu.memory_space<vmem>>, vector<1x16xi32>,
          %get3A_685 = vector.shape_cast %get3A_684 : vector<1x16xi32> to vector<16xi32>
          %and3A_686 = arith.constant 65535 : i32
          %and3A_687 = vector.broadcast %and3A_686 : i32 to vector<16xi32>
          %and3A_688 = arith.andi %get3A_685, %and3A_687 : vector<16xi32>
          %swap3A_689 = arith.constant 96 : index
          %swap3A_690 = tpu.vector_load %arg8[%swap3A_689] {strides = array<i32>} : memref<120xi32, #tpu.memory_space<vmem>>, vector<16xi32>,
          %swap3A_691 = vector.shape_cast %swap3A_690 : vector<16xi32> to vector<16xi32>
          %swap3A_692 = vector.shape_cast %and3A_688 : vector<16xi32> to vector<16xi32>
          tpu.vector_store %arg8[%swap3A_689], %swap3A_692 {strides = array<i32>} : memref<120xi32, #tpu.memory_space<vmem>>, vector<16xi32>,
          %shift_right_arithmetic3A_693 = arith.constant 16 : i32
          %shift_right_arithmetic3A_694 = vector.broadcast %shift_right_arithmetic3A_693 : i32 to vector<16xi32>
          %shift_right_arithmetic3A_695 = arith.shrsi %get3A_685, %shift_right_arithmetic3A_694 : vector<16xi32>
          %swap3A_696 = arith.constant 96 : index
          %swap3A_697 = tpu.vector_load %arg10[%swap3A_696] {strides = array<i32>} : memref<120xi32, #tpu.memory_space<vmem>>, vector<16xi32>,
          %swap3A_698 = vector.shape_cast %swap3A_697 : vector<16xi32> to vector<16xi32>
          %swap3A_699 = vector.shape_cast %shift_right_arithmetic3A_695 : vector<16xi32> to vector<16xi32>
          tpu.vector_store %arg10[%swap3A_696], %swap3A_699 {strides = array<i32>} : memref<120xi32, #tpu.memory_space<vmem>>, vector<16xi32>,
          %get3A_700 = arith.index_cast %add3A_573 : i32 to index
          %get3A_701 = arith.constant 104 : index
          %get3A_702 = tpu.vector_load %arg7[%get3A_700, %get3A_701] {strides = array<i32>} : memref<84x120xi32, #tpu.memory_space<vmem>>, vector<1x16xi32>,
          %get3A_703 = vector.shape_cast %get3A_702 : vector<1x16xi32> to vector<16xi32>
          %and3A_704 = arith.constant 65535 : i32
          %and3A_705 = vector.broadcast %and3A_704 : i32 to vector<16xi32>
          %and3A_706 = arith.andi %get3A_703, %and3A_705 : vector<16xi32>
          %swap3A_707 = arith.constant 104 : index
          %swap3A_708 = tpu.vector_load %arg8[%swap3A_707] {strides = array<i32>} : memref<120xi32, #tpu.memory_space<vmem>>, vector<16xi32>,
          %swap3A_709 = vector.shape_cast %swap3A_708 : vector<16xi32> to vector<16xi32>
          %swap3A_710 = vector.shape_cast %and3A_706 : vector<16xi32> to vector<16xi32>
          tpu.vector_store %arg8[%swap3A_707], %swap3A_710 {strides = array<i32>} : memref<120xi32, #tpu.memory_space<vmem>>, vector<16xi32>,
          %shift_right_arithmetic3A_711 = arith.constant 16 : i32
          %shift_right_arithmetic3A_712 = vector.broadcast %shift_right_arithmetic3A_711 : i32 to vector<16xi32>
          %shift_right_arithmetic3A_713 = arith.shrsi %get3A_703, %shift_right_arithmetic3A_712 : vector<16xi32>
          %swap3A_714 = arith.constant 104 : index
          %swap3A_715 = tpu.vector_load %arg10[%swap3A_714] {strides = array<i32>} : memref<120xi32, #tpu.memory_space<vmem>>, vector<16xi32>,
          %swap3A_716 = vector.shape_cast %swap3A_715 : vector<16xi32> to vector<16xi32>
          %swap3A_717 = vector.shape_cast %shift_right_arithmetic3A_713 : vector<16xi32> to vector<16xi32>
          tpu.vector_store %arg10[%swap3A_714], %swap3A_717 {strides = array<i32>} : memref<120xi32, #tpu.memory_space<vmem>>, vector<16xi32>,
          %dma_start3A_718 = arith.constant 0 : i32
          %dma_start3A_719 = arith.constant 0 : i32
          %dma_start3A_720 = tpu.memref_slice %arg3[%dma_start3A_718, %dma_start3A_719] : memref<10000x128xf32, #tpu.memory_space<hbm>> -> memref<10000x128xf32, #tpu.memory_space<hbm>>
          tpu.enqueue_indirect_dma source(%dma_start3A_720 : memref<10000x128xf32, #tpu.memory_space<hbm>>) target(%arg12 : memref<120x128xf32, #tpu.memory_space<vmem>>) offsets(%arg8 : memref<120xi32, #tpu.memory_space<vmem>>) semaphore(%arg14 : memref<!tpu.dma_semaphore, #tpu.memory_space<semaphore_mem>>)
        } else {
        }
        %mul3A_558 = arith.constant 2 : i32
        %mul3A_559 = arith.muli %mul3A_558, %scan3A_547 : i32
        %add3A_560 = arith.constant 1 : i32
        %add3A_561 = arith.addi %mul3A_559, %add3A_560 : i32
        %dma_wait3A_562 = arith.constant 0 : i32
        %dma_wait3A_563 = arith.constant 0 : i32
        %dma_wait3A_564 = tpu.memref_slice %arg3[%dma_wait3A_562, %dma_wait3A_563] : memref<10000x128xf32, #tpu.memory_space<hbm>> -> memref<10000x128xf32, #tpu.memory_space<hbm>>
        tpu.wait_indirect_dma semaphore(%arg15 : memref<!tpu.dma_semaphore, #tpu.memory_space<semaphore_mem>>) src(%dma_wait3A_564 : memref<10000x128xf32, #tpu.memory_space<hbm>>) dst(%arg13 : memref<120x128xf32, #tpu.memory_space<vmem>>)
        "tpu.region"() ({
          %run_scoped3A = tpu.sem_alloc : memref<!tpu.dma_semaphore, #tpu.memory_space<semaphore_mem>>
          %dma_start3A_572 = arith.constant 0 : i32
          %dma_start3A_573 = arith.constant 0 : i32
          %dma_start3A_574 = tpu.memref_slice %arg6[%dma_start3A_572, %dma_start3A_573] : memref<10016x128xf32, #tpu.memory_space<vmem_shared>> -> memref<10016x128xf32, #tpu.memory_space<vmem_shared>>
          tpu.enqueue_indirect_dma source(%arg13 : memref<120x128xf32, #tpu.memory_space<vmem>>) target(%dma_start3A_574 : memref<10016x128xf32, #tpu.memory_space<vmem_shared>>) offsets(%arg11 : memref<120xi32, #tpu.memory_space<vmem>>) semaphore(%run_scoped3A : memref<!tpu.dma_semaphore, #tpu.memory_space<semaphore_mem>>) {add = true}
          %dma_wait3A_575 = arith.constant 0 : i32
          %dma_wait3A_576 = arith.constant 0 : i32
          %dma_wait3A_577 = tpu.memref_slice %arg6[%dma_wait3A_575, %dma_wait3A_576] : memref<10016x128xf32, #tpu.memory_space<vmem_shared>> -> memref<10016x128xf32, #tpu.memory_space<vmem_shared>>
          tpu.wait_indirect_dma semaphore(%run_scoped3A : memref<!tpu.dma_semaphore, #tpu.memory_space<semaphore_mem>>) src(%arg13 : memref<120x128xf32, #tpu.memory_space<vmem>>) dst(%dma_wait3A_577 : memref<10016x128xf32, #tpu.memory_space<vmem_shared>>)
          tpu.yield
        }) : () -> ()
        %add3A_565 = arith.constant 2 : i32
        %add3A_566 = arith.addi %add3A_561, %add3A_565 : i32
        %lt3A_567 = arith.constant 84 : i32
        %lt3A_568 = arith.cmpi slt, %add3A_566, %lt3A_567 : i32
        %convert_element_type3A_569 = arith.extui %lt3A_568 : i1 to i32
        %cond3A_570 = arith.constant 0 : i32
        %cond3A_571 = arith.cmpi ne, %convert_element_type3A_569, %cond3A_570 : i32
        scf.if %cond3A_571 {
          %add3A_572 = arith.constant 2 : i32
          %add3A_573 = arith.addi %add3A_561, %add3A_572 : i32
          %get3A_574 = arith.index_cast %add3A_573 : i32 to index
          %get3A_575 = arith.constant 0 : index
          %get3A_576 = tpu.vector_load %arg7[%get3A_574, %get3A_575] {strides = array<i32>} : memref<84x120xi32, #tpu.memory_space<vmem>>, vector<1x16xi32>,
          %get3A_577 = vector.shape_cast %get3A_576 : vector<1x16xi32> to vector<16xi32>
          %and3A_578 = arith.constant 65535 : i32
          %and3A_579 = vector.broadcast %and3A_578 : i32 to vector<16xi32>
          %and3A_580 = arith.andi %get3A_577, %and3A_579 : vector<16xi32>
          %swap3A_581 = arith.constant 0 : index
          %swap3A_582 = tpu.vector_load %arg9[%swap3A_581] {strides = array<i32>} : memref<120xi32, #tpu.memory_space<vmem>>, vector<16xi32>,
          %swap3A_583 = vector.shape_cast %swap3A_582 : vector<16xi32> to vector<16xi32>
          %swap3A_584 = vector.shape_cast %and3A_580 : vector<16xi32> to vector<16xi32>
          tpu.vector_store %arg9[%swap3A_581], %swap3A_584 {strides = array<i32>} : memref<120xi32, #tpu.memory_space<vmem>>, vector<16xi32>,
          %shift_right_arithmetic3A_585 = arith.constant 16 : i32
          %shift_right_arithmetic3A_586 = vector.broadcast %shift_right_arithmetic3A_585 : i32 to vector<16xi32>
          %shift_right_arithmetic3A_587 = arith.shrsi %get3A_577, %shift_right_arithmetic3A_586 : vector<16xi32>
          %swap3A_588 = arith.constant 0 : index
          %swap3A_589 = tpu.vector_load %arg11[%swap3A_588] {strides = array<i32>} : memref<120xi32, #tpu.memory_space<vmem>>, vector<16xi32>,
          %swap3A_590 = vector.shape_cast %swap3A_589 : vector<16xi32> to vector<16xi32>
          %swap3A_591 = vector.shape_cast %shift_right_arithmetic3A_587 : vector<16xi32> to vector<16xi32>
          tpu.vector_store %arg11[%swap3A_588], %swap3A_591 {strides = array<i32>} : memref<120xi32, #tpu.memory_space<vmem>>, vector<16xi32>,
          %get3A_592 = arith.index_cast %add3A_573 : i32 to index
          %get3A_593 = arith.constant 16 : index
          %get3A_594 = tpu.vector_load %arg7[%get3A_592, %get3A_593] {strides = array<i32>} : memref<84x120xi32, #tpu.memory_space<vmem>>, vector<1x16xi32>,
          %get3A_595 = vector.shape_cast %get3A_594 : vector<1x16xi32> to vector<16xi32>
          %and3A_596 = arith.constant 65535 : i32
          %and3A_597 = vector.broadcast %and3A_596 : i32 to vector<16xi32>
          %and3A_598 = arith.andi %get3A_595, %and3A_597 : vector<16xi32>
          %swap3A_599 = arith.constant 16 : index
          %swap3A_600 = tpu.vector_load %arg9[%swap3A_599] {strides = array<i32>} : memref<120xi32, #tpu.memory_space<vmem>>, vector<16xi32>,
          %swap3A_601 = vector.shape_cast %swap3A_600 : vector<16xi32> to vector<16xi32>
          %swap3A_602 = vector.shape_cast %and3A_598 : vector<16xi32> to vector<16xi32>
          tpu.vector_store %arg9[%swap3A_599], %swap3A_602 {strides = array<i32>} : memref<120xi32, #tpu.memory_space<vmem>>, vector<16xi32>,
          %shift_right_arithmetic3A_603 = arith.constant 16 : i32
          %shift_right_arithmetic3A_604 = vector.broadcast %shift_right_arithmetic3A_603 : i32 to vector<16xi32>
          %shift_right_arithmetic3A_605 = arith.shrsi %get3A_595, %shift_right_arithmetic3A_604 : vector<16xi32>
          %swap3A_606 = arith.constant 16 : index
          %swap3A_607 = tpu.vector_load %arg11[%swap3A_606] {strides = array<i32>} : memref<120xi32, #tpu.memory_space<vmem>>, vector<16xi32>,
          %swap3A_608 = vector.shape_cast %swap3A_607 : vector<16xi32> to vector<16xi32>
          %swap3A_609 = vector.shape_cast %shift_right_arithmetic3A_605 : vector<16xi32> to vector<16xi32>
          tpu.vector_store %arg11[%swap3A_606], %swap3A_609 {strides = array<i32>} : memref<120xi32, #tpu.memory_space<vmem>>, vector<16xi32>,
          %get3A_610 = arith.index_cast %add3A_573 : i32 to index
          %get3A_611 = arith.constant 32 : index
          %get3A_612 = tpu.vector_load %arg7[%get3A_610, %get3A_611] {strides = array<i32>} : memref<84x120xi32, #tpu.memory_space<vmem>>, vector<1x16xi32>,
          %get3A_613 = vector.shape_cast %get3A_612 : vector<1x16xi32> to vector<16xi32>
          %and3A_614 = arith.constant 65535 : i32
          %and3A_615 = vector.broadcast %and3A_614 : i32 to vector<16xi32>
          %and3A_616 = arith.andi %get3A_613, %and3A_615 : vector<16xi32>
          %swap3A_617 = arith.constant 32 : index
          %swap3A_618 = tpu.vector_load %arg9[%swap3A_617] {strides = array<i32>} : memref<120xi32, #tpu.memory_space<vmem>>, vector<16xi32>,
          %swap3A_619 = vector.shape_cast %swap3A_618 : vector<16xi32> to vector<16xi32>
          %swap3A_620 = vector.shape_cast %and3A_616 : vector<16xi32> to vector<16xi32>
          tpu.vector_store %arg9[%swap3A_617], %swap3A_620 {strides = array<i32>} : memref<120xi32, #tpu.memory_space<vmem>>, vector<16xi32>,
          %shift_right_arithmetic3A_621 = arith.constant 16 : i32
          %shift_right_arithmetic3A_622 = vector.broadcast %shift_right_arithmetic3A_621 : i32 to vector<16xi32>
          %shift_right_arithmetic3A_623 = arith.shrsi %get3A_613, %shift_right_arithmetic3A_622 : vector<16xi32>
          %swap3A_624 = arith.constant 32 : index
          %swap3A_625 = tpu.vector_load %arg11[%swap3A_624] {strides = array<i32>} : memref<120xi32, #tpu.memory_space<vmem>>, vector<16xi32>,
          %swap3A_626 = vector.shape_cast %swap3A_625 : vector<16xi32> to vector<16xi32>
          %swap3A_627 = vector.shape_cast %shift_right_arithmetic3A_623 : vector<16xi32> to vector<16xi32>
          tpu.vector_store %arg11[%swap3A_624], %swap3A_627 {strides = array<i32>} : memref<120xi32, #tpu.memory_space<vmem>>, vector<16xi32>,
          %get3A_628 = arith.index_cast %add3A_573 : i32 to index
          %get3A_629 = arith.constant 48 : index
          %get3A_630 = tpu.vector_load %arg7[%get3A_628, %get3A_629] {strides = array<i32>} : memref<84x120xi32, #tpu.memory_space<vmem>>, vector<1x16xi32>,
          %get3A_631 = vector.shape_cast %get3A_630 : vector<1x16xi32> to vector<16xi32>
          %and3A_632 = arith.constant 65535 : i32
          %and3A_633 = vector.broadcast %and3A_632 : i32 to vector<16xi32>
          %and3A_634 = arith.andi %get3A_631, %and3A_633 : vector<16xi32>
          %swap3A_635 = arith.constant 48 : index
          %swap3A_636 = tpu.vector_load %arg9[%swap3A_635] {strides = array<i32>} : memref<120xi32, #tpu.memory_space<vmem>>, vector<16xi32>,
          %swap3A_637 = vector.shape_cast %swap3A_636 : vector<16xi32> to vector<16xi32>
          %swap3A_638 = vector.shape_cast %and3A_634 : vector<16xi32> to vector<16xi32>
          tpu.vector_store %arg9[%swap3A_635], %swap3A_638 {strides = array<i32>} : memref<120xi32, #tpu.memory_space<vmem>>, vector<16xi32>,
          %shift_right_arithmetic3A_639 = arith.constant 16 : i32
          %shift_right_arithmetic3A_640 = vector.broadcast %shift_right_arithmetic3A_639 : i32 to vector<16xi32>
          %shift_right_arithmetic3A_641 = arith.shrsi %get3A_631, %shift_right_arithmetic3A_640 : vector<16xi32>
          %swap3A_642 = arith.constant 48 : index
          %swap3A_643 = tpu.vector_load %arg11[%swap3A_642] {strides = array<i32>} : memref<120xi32, #tpu.memory_space<vmem>>, vector<16xi32>,
          %swap3A_644 = vector.shape_cast %swap3A_643 : vector<16xi32> to vector<16xi32>
          %swap3A_645 = vector.shape_cast %shift_right_arithmetic3A_641 : vector<16xi32> to vector<16xi32>
          tpu.vector_store %arg11[%swap3A_642], %swap3A_645 {strides = array<i32>} : memref<120xi32, #tpu.memory_space<vmem>>, vector<16xi32>,
          %get3A_646 = arith.index_cast %add3A_573 : i32 to index
          %get3A_647 = arith.constant 64 : index
          %get3A_648 = tpu.vector_load %arg7[%get3A_646, %get3A_647] {strides = array<i32>} : memref<84x120xi32, #tpu.memory_space<vmem>>, vector<1x16xi32>,
          %get3A_649 = vector.shape_cast %get3A_648 : vector<1x16xi32> to vector<16xi32>
          %and3A_650 = arith.constant 65535 : i32
          %and3A_651 = vector.broadcast %and3A_650 : i32 to vector<16xi32>
          %and3A_652 = arith.andi %get3A_649, %and3A_651 : vector<16xi32>
          %swap3A_653 = arith.constant 64 : index
          %swap3A_654 = tpu.vector_load %arg9[%swap3A_653] {strides = array<i32>} : memref<120xi32, #tpu.memory_space<vmem>>, vector<16xi32>,
          %swap3A_655 = vector.shape_cast %swap3A_654 : vector<16xi32> to vector<16xi32>
          %swap3A_656 = vector.shape_cast %and3A_652 : vector<16xi32> to vector<16xi32>
          tpu.vector_store %arg9[%swap3A_653], %swap3A_656 {strides = array<i32>} : memref<120xi32, #tpu.memory_space<vmem>>, vector<16xi32>,
          %shift_right_arithmetic3A_657 = arith.constant 16 : i32
          %shift_right_arithmetic3A_658 = vector.broadcast %shift_right_arithmetic3A_657 : i32 to vector<16xi32>
          %shift_right_arithmetic3A_659 = arith.shrsi %get3A_649, %shift_right_arithmetic3A_658 : vector<16xi32>
          %swap3A_660 = arith.constant 64 : index
          %swap3A_661 = tpu.vector_load %arg11[%swap3A_660] {strides = array<i32>} : memref<120xi32, #tpu.memory_space<vmem>>, vector<16xi32>,
          %swap3A_662 = vector.shape_cast %swap3A_661 : vector<16xi32> to vector<16xi32>
          %swap3A_663 = vector.shape_cast %shift_right_arithmetic3A_659 : vector<16xi32> to vector<16xi32>
          tpu.vector_store %arg11[%swap3A_660], %swap3A_663 {strides = array<i32>} : memref<120xi32, #tpu.memory_space<vmem>>, vector<16xi32>,
          %get3A_664 = arith.index_cast %add3A_573 : i32 to index
          %get3A_665 = arith.constant 80 : index
          %get3A_666 = tpu.vector_load %arg7[%get3A_664, %get3A_665] {strides = array<i32>} : memref<84x120xi32, #tpu.memory_space<vmem>>, vector<1x16xi32>,
          %get3A_667 = vector.shape_cast %get3A_666 : vector<1x16xi32> to vector<16xi32>
          %and3A_668 = arith.constant 65535 : i32
          %and3A_669 = vector.broadcast %and3A_668 : i32 to vector<16xi32>
          %and3A_670 = arith.andi %get3A_667, %and3A_669 : vector<16xi32>
          %swap3A_671 = arith.constant 80 : index
          %swap3A_672 = tpu.vector_load %arg9[%swap3A_671] {strides = array<i32>} : memref<120xi32, #tpu.memory_space<vmem>>, vector<16xi32>,
          %swap3A_673 = vector.shape_cast %swap3A_672 : vector<16xi32> to vector<16xi32>
          %swap3A_674 = vector.shape_cast %and3A_670 : vector<16xi32> to vector<16xi32>
          tpu.vector_store %arg9[%swap3A_671], %swap3A_674 {strides = array<i32>} : memref<120xi32, #tpu.memory_space<vmem>>, vector<16xi32>,
          %shift_right_arithmetic3A_675 = arith.constant 16 : i32
          %shift_right_arithmetic3A_676 = vector.broadcast %shift_right_arithmetic3A_675 : i32 to vector<16xi32>
          %shift_right_arithmetic3A_677 = arith.shrsi %get3A_667, %shift_right_arithmetic3A_676 : vector<16xi32>
          %swap3A_678 = arith.constant 80 : index
          %swap3A_679 = tpu.vector_load %arg11[%swap3A_678] {strides = array<i32>} : memref<120xi32, #tpu.memory_space<vmem>>, vector<16xi32>,
          %swap3A_680 = vector.shape_cast %swap3A_679 : vector<16xi32> to vector<16xi32>
          %swap3A_681 = vector.shape_cast %shift_right_arithmetic3A_677 : vector<16xi32> to vector<16xi32>
          tpu.vector_store %arg11[%swap3A_678], %swap3A_681 {strides = array<i32>} : memref<120xi32, #tpu.memory_space<vmem>>, vector<16xi32>,
          %get3A_682 = arith.index_cast %add3A_573 : i32 to index
          %get3A_683 = arith.constant 96 : index
          %get3A_684 = tpu.vector_load %arg7[%get3A_682, %get3A_683] {strides = array<i32>} : memref<84x120xi32, #tpu.memory_space<vmem>>, vector<1x16xi32>,
          %get3A_685 = vector.shape_cast %get3A_684 : vector<1x16xi32> to vector<16xi32>
          %and3A_686 = arith.constant 65535 : i32
          %and3A_687 = vector.broadcast %and3A_686 : i32 to vector<16xi32>
          %and3A_688 = arith.andi %get3A_685, %and3A_687 : vector<16xi32>
          %swap3A_689 = arith.constant 96 : index
          %swap3A_690 = tpu.vector_load %arg9[%swap3A_689] {strides = array<i32>} : memref<120xi32, #tpu.memory_space<vmem>>, vector<16xi32>,
          %swap3A_691 = vector.shape_cast %swap3A_690 : vector<16xi32> to vector<16xi32>
          %swap3A_692 = vector.shape_cast %and3A_688 : vector<16xi32> to vector<16xi32>
          tpu.vector_store %arg9[%swap3A_689], %swap3A_692 {strides = array<i32>} : memref<120xi32, #tpu.memory_space<vmem>>, vector<16xi32>,
          %shift_right_arithmetic3A_693 = arith.constant 16 : i32
          %shift_right_arithmetic3A_694 = vector.broadcast %shift_right_arithmetic3A_693 : i32 to vector<16xi32>
          %shift_right_arithmetic3A_695 = arith.shrsi %get3A_685, %shift_right_arithmetic3A_694 : vector<16xi32>
          %swap3A_696 = arith.constant 96 : index
          %swap3A_697 = tpu.vector_load %arg11[%swap3A_696] {strides = array<i32>} : memref<120xi32, #tpu.memory_space<vmem>>, vector<16xi32>,
          %swap3A_698 = vector.shape_cast %swap3A_697 : vector<16xi32> to vector<16xi32>
          %swap3A_699 = vector.shape_cast %shift_right_arithmetic3A_695 : vector<16xi32> to vector<16xi32>
          tpu.vector_store %arg11[%swap3A_696], %swap3A_699 {strides = array<i32>} : memref<120xi32, #tpu.memory_space<vmem>>, vector<16xi32>,
          %get3A_700 = arith.index_cast %add3A_573 : i32 to index
          %get3A_701 = arith.constant 104 : index
          %get3A_702 = tpu.vector_load %arg7[%get3A_700, %get3A_701] {strides = array<i32>} : memref<84x120xi32, #tpu.memory_space<vmem>>, vector<1x16xi32>,
          %get3A_703 = vector.shape_cast %get3A_702 : vector<1x16xi32> to vector<16xi32>
          %and3A_704 = arith.constant 65535 : i32
          %and3A_705 = vector.broadcast %and3A_704 : i32 to vector<16xi32>
          %and3A_706 = arith.andi %get3A_703, %and3A_705 : vector<16xi32>
          %swap3A_707 = arith.constant 104 : index
          %swap3A_708 = tpu.vector_load %arg9[%swap3A_707] {strides = array<i32>} : memref<120xi32, #tpu.memory_space<vmem>>, vector<16xi32>,
          %swap3A_709 = vector.shape_cast %swap3A_708 : vector<16xi32> to vector<16xi32>
          %swap3A_710 = vector.shape_cast %and3A_706 : vector<16xi32> to vector<16xi32>
          tpu.vector_store %arg9[%swap3A_707], %swap3A_710 {strides = array<i32>} : memref<120xi32, #tpu.memory_space<vmem>>, vector<16xi32>,
          %shift_right_arithmetic3A_711 = arith.constant 16 : i32
          %shift_right_arithmetic3A_712 = vector.broadcast %shift_right_arithmetic3A_711 : i32 to vector<16xi32>
          %shift_right_arithmetic3A_713 = arith.shrsi %get3A_703, %shift_right_arithmetic3A_712 : vector<16xi32>
          %swap3A_714 = arith.constant 104 : index
          %swap3A_715 = tpu.vector_load %arg11[%swap3A_714] {strides = array<i32>} : memref<120xi32, #tpu.memory_space<vmem>>, vector<16xi32>,
          %swap3A_716 = vector.shape_cast %swap3A_715 : vector<16xi32> to vector<16xi32>
          %swap3A_717 = vector.shape_cast %shift_right_arithmetic3A_713 : vector<16xi32> to vector<16xi32>
          tpu.vector_store %arg11[%swap3A_714], %swap3A_717 {strides = array<i32>} : memref<120xi32, #tpu.memory_space<vmem>>, vector<16xi32>,
          %dma_start3A_718 = arith.constant 0 : i32
          %dma_start3A_719 = arith.constant 0 : i32
          %dma_start3A_720 = tpu.memref_slice %arg3[%dma_start3A_718, %dma_start3A_719] : memref<10000x128xf32, #tpu.memory_space<hbm>> -> memref<10000x128xf32, #tpu.memory_space<hbm>>
          tpu.enqueue_indirect_dma source(%dma_start3A_720 : memref<10000x128xf32, #tpu.memory_space<hbm>>) target(%arg13 : memref<120x128xf32, #tpu.memory_space<vmem>>) offsets(%arg9 : memref<120xi32, #tpu.memory_space<vmem>>) semaphore(%arg15 : memref<!tpu.dma_semaphore, #tpu.memory_space<semaphore_mem>>)
        } else {
        }
      }
      %scan3A_546 = arith.constant 42 : i32
    } else {
    }
    %barrier3A = arith.constant 0 : index
    tpu.barrier barrier_id(%barrier3A)
    %add3A_423 = arith.constant 0 : i32
    %add3A_424 = arith.addi %arg1, %add3A_423 : i32
    %lt3A_425 = arith.constant 125 : i32
    %lt3A_426 = arith.cmpi slt, %add3A_424, %lt3A_425 : i32
    %convert_element_type3A_427 = arith.extui %lt3A_426 : i1 to i32
    %cond3A_428 = arith.constant 0 : i32
    %cond3A_429 = arith.cmpi ne, %convert_element_type3A_427, %cond3A_428 : i32
    scf.if %cond3A_429 {
      %mul3A = arith.constant 80 : i32
      %mul3A_535 = arith.muli %add3A_424, %mul3A : i32
      "tpu.region"() ({
        %run_scoped3A = tpu.sem_alloc : memref<!tpu.dma_semaphore, #tpu.memory_space<semaphore_mem>>
        %dma_start3A_548 = arith.constant 0 : i32
        %dma_start3A_549 = arith.constant 0 : i32
        %dma_start3A_550 = tpu.memref_slice %arg12[%dma_start3A_548, %dma_start3A_549] : memref<120x128xf32, #tpu.memory_space<vmem>> -> memref<80x128xf32, #tpu.memory_space<vmem>>
        %dma_start3A_551 = arith.constant 0 : i32
        %dma_start3A_552 = tpu.memref_slice %arg6[%mul3A_535, %dma_start3A_551] : memref<10016x128xf32, #tpu.memory_space<vmem_shared>> -> memref<80x128xf32, #tpu.memory_space<vmem_shared>>
        %dma_start3A_553 = arith.constant 0 : i32
        %dma_start3A_554 = arith.constant 0 : i32
        %dma_start3A_555 = tpu.memref_slice %arg12[%dma_start3A_553, %dma_start3A_554] : memref<120x128xf32, #tpu.memory_space<vmem>> -> memref<80x128xf32, #tpu.memory_space<vmem>>
        %dma_start3A_556 = arith.constant 0 : i32
        %dma_start3A_557 = tpu.memref_slice %arg6[%mul3A_535, %dma_start3A_556] : memref<10016x128xf32, #tpu.memory_space<vmem_shared>> -> memref<80x128xf32, #tpu.memory_space<vmem_shared>>
        tpu.enqueue_dma source(%dma_start3A_557 : memref<80x128xf32, #tpu.memory_space<vmem_shared>>) target(%dma_start3A_555 : memref<80x128xf32, #tpu.memory_space<vmem>>) target_semaphore(%run_scoped3A : memref<!tpu.dma_semaphore, #tpu.memory_space<semaphore_mem>>)
        %dma_wait3A = arith.constant 0 : i32
        %dma_wait3A_558 = arith.constant 0 : i32
        %dma_wait3A_559 = tpu.memref_slice %arg12[%dma_wait3A, %dma_wait3A_558] : memref<120x128xf32, #tpu.memory_space<vmem>> -> memref<80x128xf32, #tpu.memory_space<vmem>>
        %dma_wait3A_560 = arith.constant 0 : i32
        %dma_wait3A_561 = tpu.memref_slice %arg6[%mul3A_535, %dma_wait3A_560] : memref<10016x128xf32, #tpu.memory_space<vmem_shared>> -> memref<80x128xf32, #tpu.memory_space<vmem_shared>>
        %dma_wait3A_562 = arith.constant 0 : i32
        %dma_wait3A_563 = arith.constant 0 : i32
        %dma_wait3A_564 = tpu.memref_slice %arg12[%dma_wait3A_562, %dma_wait3A_563] : memref<120x128xf32, #tpu.memory_space<vmem>> -> memref<80x128xf32, #tpu.memory_space<vmem>>
        %dma_wait3A_565 = arith.constant 0 : i32
        %dma_wait3A_566 = tpu.memref_slice %arg6[%mul3A_535, %dma_wait3A_565] : memref<10016x128xf32, #tpu.memory_space<vmem_shared>> -> memref<80x128xf32, #tpu.memory_space<vmem_shared>>
        tpu.wait_dma2 semaphore(%run_scoped3A : memref<!tpu.dma_semaphore, #tpu.memory_space<semaphore_mem>>) src(%dma_wait3A_566 : memref<80x128xf32, #tpu.memory_space<vmem_shared>>) dst(%dma_wait3A_564 : memref<80x128xf32, #tpu.memory_space<vmem>>)
        tpu.yield
      }) : () -> ()
      %mul3A_536 = arith.constant 10000 : i32
      %mul3A_537 = arith.muli %arg0, %mul3A_536 : i32
      %add3A_538 = arith.addi %mul3A_537, %mul3A_535 : i32
      %dma_start3A = arith.constant 0 : i32
      %dma_start3A_539 = arith.constant 0 : i32
      %dma_start3A_540 = tpu.memref_slice %arg12[%dma_start3A, %dma_start3A_539] : memref<120x128xf32, #tpu.memory_space<vmem>> -> memref<80x128xf32, #tpu.memory_space<vmem>>
      %dma_start3A_541 = arith.constant 0 : i32
      %dma_start3A_542 = tpu.memref_slice %arg5[%add3A_538, %dma_start3A_541] : memref<20000x128xf32, #tpu.memory_space<hbm>> -> memref<80x128xf32, #tpu.memory_space<hbm>>
      %dma_start3A_543 = arith.constant 0 : i32
      %dma_start3A_544 = tpu.memref_slice %arg5[%add3A_538, %dma_start3A_543] : memref<20000x128xf32, #tpu.memory_space<hbm>> -> memref<80x128xf32, #tpu.memory_space<hbm>>
      %dma_start3A_545 = arith.constant 0 : i32
      %dma_start3A_546 = arith.constant 0 : i32
      %dma_start3A_547 = tpu.memref_slice %arg12[%dma_start3A_545, %dma_start3A_546] : memref<120x128xf32, #tpu.memory_space<vmem>> -> memref<80x128xf32, #tpu.memory_space<vmem>>
      tpu.enqueue_dma source(%dma_start3A_547 : memref<80x128xf32, #tpu.memory_space<vmem>>) target(%dma_start3A_544 : memref<80x128xf32, #tpu.memory_space<hbm>>) target_semaphore(%arg16 : memref<!tpu.dma_semaphore, #tpu.memory_space<semaphore_mem>>)
    } else {
    }
    %add3A_430 = arith.constant 16 : i32
    %add3A_431 = arith.addi %arg1, %add3A_430 : i32
    %lt3A_432 = arith.constant 125 : i32
    %lt3A_433 = arith.cmpi slt, %add3A_431, %lt3A_432 : i32
    %convert_element_type3A_434 = arith.extui %lt3A_433 : i1 to i32
    %cond3A_435 = arith.constant 0 : i32
    %cond3A_436 = arith.cmpi ne, %convert_element_type3A_434, %cond3A_435 : i32
    scf.if %cond3A_436 {
      %mul3A = arith.constant 80 : i32
      %mul3A_535 = arith.muli %add3A_431, %mul3A : i32
      "tpu.region"() ({
        %run_scoped3A = tpu.sem_alloc : memref<!tpu.dma_semaphore, #tpu.memory_space<semaphore_mem>>
        %dma_start3A_548 = arith.constant 0 : i32
        %dma_start3A_549 = arith.constant 0 : i32
        %dma_start3A_550 = tpu.memref_slice %arg13[%dma_start3A_548, %dma_start3A_549] : memref<120x128xf32, #tpu.memory_space<vmem>> -> memref<80x128xf32, #tpu.memory_space<vmem>>
        %dma_start3A_551 = arith.constant 0 : i32
        %dma_start3A_552 = tpu.memref_slice %arg6[%mul3A_535, %dma_start3A_551] : memref<10016x128xf32, #tpu.memory_space<vmem_shared>> -> memref<80x128xf32, #tpu.memory_space<vmem_shared>>
        %dma_start3A_553 = arith.constant 0 : i32
        %dma_start3A_554 = arith.constant 0 : i32
        %dma_start3A_555 = tpu.memref_slice %arg13[%dma_start3A_553, %dma_start3A_554] : memref<120x128xf32, #tpu.memory_space<vmem>> -> memref<80x128xf32, #tpu.memory_space<vmem>>
        %dma_start3A_556 = arith.constant 0 : i32
        %dma_start3A_557 = tpu.memref_slice %arg6[%mul3A_535, %dma_start3A_556] : memref<10016x128xf32, #tpu.memory_space<vmem_shared>> -> memref<80x128xf32, #tpu.memory_space<vmem_shared>>
        tpu.enqueue_dma source(%dma_start3A_557 : memref<80x128xf32, #tpu.memory_space<vmem_shared>>) target(%dma_start3A_555 : memref<80x128xf32, #tpu.memory_space<vmem>>) target_semaphore(%run_scoped3A : memref<!tpu.dma_semaphore, #tpu.memory_space<semaphore_mem>>)
        %dma_wait3A = arith.constant 0 : i32
        %dma_wait3A_558 = arith.constant 0 : i32
        %dma_wait3A_559 = tpu.memref_slice %arg13[%dma_wait3A, %dma_wait3A_558] : memref<120x128xf32, #tpu.memory_space<vmem>> -> memref<80x128xf32, #tpu.memory_space<vmem>>
        %dma_wait3A_560 = arith.constant 0 : i32
        %dma_wait3A_561 = tpu.memref_slice %arg6[%mul3A_535, %dma_wait3A_560] : memref<10016x128xf32, #tpu.memory_space<vmem_shared>> -> memref<80x128xf32, #tpu.memory_space<vmem_shared>>
        %dma_wait3A_562 = arith.constant 0 : i32
        %dma_wait3A_563 = arith.constant 0 : i32
        %dma_wait3A_564 = tpu.memref_slice %arg13[%dma_wait3A_562, %dma_wait3A_563] : memref<120x128xf32, #tpu.memory_space<vmem>> -> memref<80x128xf32, #tpu.memory_space<vmem>>
        %dma_wait3A_565 = arith.constant 0 : i32
        %dma_wait3A_566 = tpu.memref_slice %arg6[%mul3A_535, %dma_wait3A_565] : memref<10016x128xf32, #tpu.memory_space<vmem_shared>> -> memref<80x128xf32, #tpu.memory_space<vmem_shared>>
        tpu.wait_dma2 semaphore(%run_scoped3A : memref<!tpu.dma_semaphore, #tpu.memory_space<semaphore_mem>>) src(%dma_wait3A_566 : memref<80x128xf32, #tpu.memory_space<vmem_shared>>) dst(%dma_wait3A_564 : memref<80x128xf32, #tpu.memory_space<vmem>>)
        tpu.yield
      }) : () -> ()
      %mul3A_536 = arith.constant 10000 : i32
      %mul3A_537 = arith.muli %arg0, %mul3A_536 : i32
      %add3A_538 = arith.addi %mul3A_537, %mul3A_535 : i32
      %dma_start3A = arith.constant 0 : i32
      %dma_start3A_539 = arith.constant 0 : i32
      %dma_start3A_540 = tpu.memref_slice %arg13[%dma_start3A, %dma_start3A_539] : memref<120x128xf32, #tpu.memory_space<vmem>> -> memref<80x128xf32, #tpu.memory_space<vmem>>
      %dma_start3A_541 = arith.constant 0 : i32
      %dma_start3A_542 = tpu.memref_slice %arg5[%add3A_538, %dma_start3A_541] : memref<20000x128xf32, #tpu.memory_space<hbm>> -> memref<80x128xf32, #tpu.memory_space<hbm>>
      %dma_start3A_543 = arith.constant 0 : i32
      %dma_start3A_544 = tpu.memref_slice %arg5[%add3A_538, %dma_start3A_543] : memref<20000x128xf32, #tpu.memory_space<hbm>> -> memref<80x128xf32, #tpu.memory_space<hbm>>
      %dma_start3A_545 = arith.constant 0 : i32
      %dma_start3A_546 = arith.constant 0 : i32
      %dma_start3A_547 = tpu.memref_slice %arg13[%dma_start3A_545, %dma_start3A_546] : memref<120x128xf32, #tpu.memory_space<vmem>> -> memref<80x128xf32, #tpu.memory_space<vmem>>
      tpu.enqueue_dma source(%dma_start3A_547 : memref<80x128xf32, #tpu.memory_space<vmem>>) target(%dma_start3A_544 : memref<80x128xf32, #tpu.memory_space<hbm>>) target_semaphore(%arg17 : memref<!tpu.dma_semaphore, #tpu.memory_space<semaphore_mem>>)
    } else {
    }
    %add3A_437 = arith.constant 32 : i32
    %add3A_438 = arith.addi %arg1, %add3A_437 : i32
    %add3A_439 = arith.constant 0 : i32
    %add3A_440 = arith.addi %arg1, %add3A_439 : i32
    %lt3A_441 = arith.constant 125 : i32
    %lt3A_442 = arith.cmpi slt, %add3A_440, %lt3A_441 : i32
    %convert_element_type3A_443 = arith.extui %lt3A_442 : i1 to i32
    %cond3A_444 = arith.constant 0 : i32
    %cond3A_445 = arith.cmpi ne, %convert_element_type3A_443, %cond3A_444 : i32
    scf.if %cond3A_445 {
      %mul3A = arith.constant 80 : i32
      %mul3A_535 = arith.muli %add3A_440, %mul3A : i32
      %mul3A_536 = arith.constant 10000 : i32
      %mul3A_537 = arith.muli %arg0, %mul3A_536 : i32
      %add3A_538 = arith.addi %mul3A_537, %mul3A_535 : i32
      %dma_wait3A = arith.constant 0 : i32
      %dma_wait3A_539 = arith.constant 0 : i32
      %dma_wait3A_540 = tpu.memref_slice %arg12[%dma_wait3A, %dma_wait3A_539] : memref<120x128xf32, #tpu.memory_space<vmem>> -> memref<80x128xf32, #tpu.memory_space<vmem>>
      %dma_wait3A_541 = arith.constant 0 : i32
      %dma_wait3A_542 = tpu.memref_slice %arg5[%add3A_538, %dma_wait3A_541] : memref<20000x128xf32, #tpu.memory_space<hbm>> -> memref<80x128xf32, #tpu.memory_space<hbm>>
      %dma_wait3A_543 = arith.constant 0 : i32
      %dma_wait3A_544 = tpu.memref_slice %arg5[%add3A_538, %dma_wait3A_543] : memref<20000x128xf32, #tpu.memory_space<hbm>> -> memref<80x128xf32, #tpu.memory_space<hbm>>
      %dma_wait3A_545 = arith.constant 0 : i32
      %dma_wait3A_546 = arith.constant 0 : i32
      %dma_wait3A_547 = tpu.memref_slice %arg12[%dma_wait3A_545, %dma_wait3A_546] : memref<120x128xf32, #tpu.memory_space<vmem>> -> memref<80x128xf32, #tpu.memory_space<vmem>>
      tpu.wait_dma2 semaphore(%arg16 : memref<!tpu.dma_semaphore, #tpu.memory_space<semaphore_mem>>) src(%dma_wait3A_547 : memref<80x128xf32, #tpu.memory_space<vmem>>) dst(%dma_wait3A_544 : memref<80x128xf32, #tpu.memory_space<hbm>>)
    } else {
    }
    %lt3A_446 = arith.constant 125 : i32
    %lt3A_447 = arith.cmpi slt, %add3A_438, %lt3A_446 : i32
    %convert_element_type3A_448 = arith.extui %lt3A_447 : i1 to i32
    %cond3A_449 = arith.constant 0 : i32
    %cond3A_450 = arith.cmpi ne, %convert_element_type3A_448, %cond3A_449 : i32
    scf.if %cond3A_450 {
      %mul3A = arith.constant 80 : i32
      %mul3A_535 = arith.muli %add3A_438, %mul3A : i32
      "tpu.region"() ({
        %run_scoped3A = tpu.sem_alloc : memref<!tpu.dma_semaphore, #tpu.memory_space<semaphore_mem>>
        %dma_start3A_548 = arith.constant 0 : i32
        %dma_start3A_549 = arith.constant 0 : i32
        %dma_start3A_550 = tpu.memref_slice %arg12[%dma_start3A_548, %dma_start3A_549] : memref<120x128xf32, #tpu.memory_space<vmem>> -> memref<80x128xf32, #tpu.memory_space<vmem>>
        %dma_start3A_551 = arith.constant 0 : i32
        %dma_start3A_552 = tpu.memref_slice %arg6[%mul3A_535, %dma_start3A_551] : memref<10016x128xf32, #tpu.memory_space<vmem_shared>> -> memref<80x128xf32, #tpu.memory_space<vmem_shared>>
        %dma_start3A_553 = arith.constant 0 : i32
        %dma_start3A_554 = arith.constant 0 : i32
        %dma_start3A_555 = tpu.memref_slice %arg12[%dma_start3A_553, %dma_start3A_554] : memref<120x128xf32, #tpu.memory_space<vmem>> -> memref<80x128xf32, #tpu.memory_space<vmem>>
        %dma_start3A_556 = arith.constant 0 : i32
        %dma_start3A_557 = tpu.memref_slice %arg6[%mul3A_535, %dma_start3A_556] : memref<10016x128xf32, #tpu.memory_space<vmem_shared>> -> memref<80x128xf32, #tpu.memory_space<vmem_shared>>
        tpu.enqueue_dma source(%dma_start3A_557 : memref<80x128xf32, #tpu.memory_space<vmem_shared>>) target(%dma_start3A_555 : memref<80x128xf32, #tpu.memory_space<vmem>>) target_semaphore(%run_scoped3A : memref<!tpu.dma_semaphore, #tpu.memory_space<semaphore_mem>>)
        %dma_wait3A = arith.constant 0 : i32
        %dma_wait3A_558 = arith.constant 0 : i32
        %dma_wait3A_559 = tpu.memref_slice %arg12[%dma_wait3A, %dma_wait3A_558] : memref<120x128xf32, #tpu.memory_space<vmem>> -> memref<80x128xf32, #tpu.memory_space<vmem>>
        %dma_wait3A_560 = arith.constant 0 : i32
        %dma_wait3A_561 = tpu.memref_slice %arg6[%mul3A_535, %dma_wait3A_560] : memref<10016x128xf32, #tpu.memory_space<vmem_shared>> -> memref<80x128xf32, #tpu.memory_space<vmem_shared>>
        %dma_wait3A_562 = arith.constant 0 : i32
        %dma_wait3A_563 = arith.constant 0 : i32
        %dma_wait3A_564 = tpu.memref_slice %arg12[%dma_wait3A_562, %dma_wait3A_563] : memref<120x128xf32, #tpu.memory_space<vmem>> -> memref<80x128xf32, #tpu.memory_space<vmem>>
        %dma_wait3A_565 = arith.constant 0 : i32
        %dma_wait3A_566 = tpu.memref_slice %arg6[%mul3A_535, %dma_wait3A_565] : memref<10016x128xf32, #tpu.memory_space<vmem_shared>> -> memref<80x128xf32, #tpu.memory_space<vmem_shared>>
        tpu.wait_dma2 semaphore(%run_scoped3A : memref<!tpu.dma_semaphore, #tpu.memory_space<semaphore_mem>>) src(%dma_wait3A_566 : memref<80x128xf32, #tpu.memory_space<vmem_shared>>) dst(%dma_wait3A_564 : memref<80x128xf32, #tpu.memory_space<vmem>>)
        tpu.yield
      }) : () -> ()
      %mul3A_536 = arith.constant 10000 : i32
      %mul3A_537 = arith.muli %arg0, %mul3A_536 : i32
      %add3A_538 = arith.addi %mul3A_537, %mul3A_535 : i32
      %dma_start3A = arith.constant 0 : i32
      %dma_start3A_539 = arith.constant 0 : i32
      %dma_start3A_540 = tpu.memref_slice %arg12[%dma_start3A, %dma_start3A_539] : memref<120x128xf32, #tpu.memory_space<vmem>> -> memref<80x128xf32, #tpu.memory_space<vmem>>
      %dma_start3A_541 = arith.constant 0 : i32
      %dma_start3A_542 = tpu.memref_slice %arg5[%add3A_538, %dma_start3A_541] : memref<20000x128xf32, #tpu.memory_space<hbm>> -> memref<80x128xf32, #tpu.memory_space<hbm>>
      %dma_start3A_543 = arith.constant 0 : i32
      %dma_start3A_544 = tpu.memref_slice %arg5[%add3A_538, %dma_start3A_543] : memref<20000x128xf32, #tpu.memory_space<hbm>> -> memref<80x128xf32, #tpu.memory_space<hbm>>
      %dma_start3A_545 = arith.constant 0 : i32
      %dma_start3A_546 = arith.constant 0 : i32
      %dma_start3A_547 = tpu.memref_slice %arg12[%dma_start3A_545, %dma_start3A_546] : memref<120x128xf32, #tpu.memory_space<vmem>> -> memref<80x128xf32, #tpu.memory_space<vmem>>
      tpu.enqueue_dma source(%dma_start3A_547 : memref<80x128xf32, #tpu.memory_space<vmem>>) target(%dma_start3A_544 : memref<80x128xf32, #tpu.memory_space<hbm>>) target_semaphore(%arg16 : memref<!tpu.dma_semaphore, #tpu.memory_space<semaphore_mem>>)
    } else {
    }
    %add3A_451 = arith.constant 48 : i32
    %add3A_452 = arith.addi %arg1, %add3A_451 : i32
    %add3A_453 = arith.constant 16 : i32
    %add3A_454 = arith.addi %arg1, %add3A_453 : i32
    %lt3A_455 = arith.constant 125 : i32
    %lt3A_456 = arith.cmpi slt, %add3A_454, %lt3A_455 : i32
    %convert_element_type3A_457 = arith.extui %lt3A_456 : i1 to i32
    %cond3A_458 = arith.constant 0 : i32
    %cond3A_459 = arith.cmpi ne, %convert_element_type3A_457, %cond3A_458 : i32
    scf.if %cond3A_459 {
      %mul3A = arith.constant 80 : i32
      %mul3A_535 = arith.muli %add3A_454, %mul3A : i32
      %mul3A_536 = arith.constant 10000 : i32
      %mul3A_537 = arith.muli %arg0, %mul3A_536 : i32
      %add3A_538 = arith.addi %mul3A_537, %mul3A_535 : i32
      %dma_wait3A = arith.constant 0 : i32
      %dma_wait3A_539 = arith.constant 0 : i32
      %dma_wait3A_540 = tpu.memref_slice %arg13[%dma_wait3A, %dma_wait3A_539] : memref<120x128xf32, #tpu.memory_space<vmem>> -> memref<80x128xf32, #tpu.memory_space<vmem>>
      %dma_wait3A_541 = arith.constant 0 : i32
      %dma_wait3A_542 = tpu.memref_slice %arg5[%add3A_538, %dma_wait3A_541] : memref<20000x128xf32, #tpu.memory_space<hbm>> -> memref<80x128xf32, #tpu.memory_space<hbm>>
      %dma_wait3A_543 = arith.constant 0 : i32
      %dma_wait3A_544 = tpu.memref_slice %arg5[%add3A_538, %dma_wait3A_543] : memref<20000x128xf32, #tpu.memory_space<hbm>> -> memref<80x128xf32, #tpu.memory_space<hbm>>
      %dma_wait3A_545 = arith.constant 0 : i32
      %dma_wait3A_546 = arith.constant 0 : i32
      %dma_wait3A_547 = tpu.memref_slice %arg13[%dma_wait3A_545, %dma_wait3A_546] : memref<120x128xf32, #tpu.memory_space<vmem>> -> memref<80x128xf32, #tpu.memory_space<vmem>>
      tpu.wait_dma2 semaphore(%arg17 : memref<!tpu.dma_semaphore, #tpu.memory_space<semaphore_mem>>) src(%dma_wait3A_547 : memref<80x128xf32, #tpu.memory_space<vmem>>) dst(%dma_wait3A_544 : memref<80x128xf32, #tpu.memory_space<hbm>>)
    } else {
    }
    %lt3A_460 = arith.constant 125 : i32
    %lt3A_461 = arith.cmpi slt, %add3A_452, %lt3A_460 : i32
    %convert_element_type3A_462 = arith.extui %lt3A_461 : i1 to i32
    %cond3A_463 = arith.constant 0 : i32
    %cond3A_464 = arith.cmpi ne, %convert_element_type3A_462, %cond3A_463 : i32
    scf.if %cond3A_464 {
      %mul3A = arith.constant 80 : i32
      %mul3A_535 = arith.muli %add3A_452, %mul3A : i32
      "tpu.region"() ({
        %run_scoped3A = tpu.sem_alloc : memref<!tpu.dma_semaphore, #tpu.memory_space<semaphore_mem>>
        %dma_start3A_548 = arith.constant 0 : i32
        %dma_start3A_549 = arith.constant 0 : i32
        %dma_start3A_550 = tpu.memref_slice %arg13[%dma_start3A_548, %dma_start3A_549] : memref<120x128xf32, #tpu.memory_space<vmem>> -> memref<80x128xf32, #tpu.memory_space<vmem>>
        %dma_start3A_551 = arith.constant 0 : i32
        %dma_start3A_552 = tpu.memref_slice %arg6[%mul3A_535, %dma_start3A_551] : memref<10016x128xf32, #tpu.memory_space<vmem_shared>> -> memref<80x128xf32, #tpu.memory_space<vmem_shared>>
        %dma_start3A_553 = arith.constant 0 : i32
        %dma_start3A_554 = arith.constant 0 : i32
        %dma_start3A_555 = tpu.memref_slice %arg13[%dma_start3A_553, %dma_start3A_554] : memref<120x128xf32, #tpu.memory_space<vmem>> -> memref<80x128xf32, #tpu.memory_space<vmem>>
        %dma_start3A_556 = arith.constant 0 : i32
        %dma_start3A_557 = tpu.memref_slice %arg6[%mul3A_535, %dma_start3A_556] : memref<10016x128xf32, #tpu.memory_space<vmem_shared>> -> memref<80x128xf32, #tpu.memory_space<vmem_shared>>
        tpu.enqueue_dma source(%dma_start3A_557 : memref<80x128xf32, #tpu.memory_space<vmem_shared>>) target(%dma_start3A_555 : memref<80x128xf32, #tpu.memory_space<vmem>>) target_semaphore(%run_scoped3A : memref<!tpu.dma_semaphore, #tpu.memory_space<semaphore_mem>>)
        %dma_wait3A = arith.constant 0 : i32
        %dma_wait3A_558 = arith.constant 0 : i32
        %dma_wait3A_559 = tpu.memref_slice %arg13[%dma_wait3A, %dma_wait3A_558] : memref<120x128xf32, #tpu.memory_space<vmem>> -> memref<80x128xf32, #tpu.memory_space<vmem>>
        %dma_wait3A_560 = arith.constant 0 : i32
        %dma_wait3A_561 = tpu.memref_slice %arg6[%mul3A_535, %dma_wait3A_560] : memref<10016x128xf32, #tpu.memory_space<vmem_shared>> -> memref<80x128xf32, #tpu.memory_space<vmem_shared>>
        %dma_wait3A_562 = arith.constant 0 : i32
        %dma_wait3A_563 = arith.constant 0 : i32
        %dma_wait3A_564 = tpu.memref_slice %arg13[%dma_wait3A_562, %dma_wait3A_563] : memref<120x128xf32, #tpu.memory_space<vmem>> -> memref<80x128xf32, #tpu.memory_space<vmem>>
        %dma_wait3A_565 = arith.constant 0 : i32
        %dma_wait3A_566 = tpu.memref_slice %arg6[%mul3A_535, %dma_wait3A_565] : memref<10016x128xf32, #tpu.memory_space<vmem_shared>> -> memref<80x128xf32, #tpu.memory_space<vmem_shared>>
        tpu.wait_dma2 semaphore(%run_scoped3A : memref<!tpu.dma_semaphore, #tpu.memory_space<semaphore_mem>>) src(%dma_wait3A_566 : memref<80x128xf32, #tpu.memory_space<vmem_shared>>) dst(%dma_wait3A_564 : memref<80x128xf32, #tpu.memory_space<vmem>>)
        tpu.yield
      }) : () -> ()
      %mul3A_536 = arith.constant 10000 : i32
      %mul3A_537 = arith.muli %arg0, %mul3A_536 : i32
      %add3A_538 = arith.addi %mul3A_537, %mul3A_535 : i32
      %dma_start3A = arith.constant 0 : i32
      %dma_start3A_539 = arith.constant 0 : i32
      %dma_start3A_540 = tpu.memref_slice %arg13[%dma_start3A, %dma_start3A_539] : memref<120x128xf32, #tpu.memory_space<vmem>> -> memref<80x128xf32, #tpu.memory_space<vmem>>
      %dma_start3A_541 = arith.constant 0 : i32
      %dma_start3A_542 = tpu.memref_slice %arg5[%add3A_538, %dma_start3A_541] : memref<20000x128xf32, #tpu.memory_space<hbm>> -> memref<80x128xf32, #tpu.memory_space<hbm>>
      %dma_start3A_543 = arith.constant 0 : i32
      %dma_start3A_544 = tpu.memref_slice %arg5[%add3A_538, %dma_start3A_543] : memref<20000x128xf32, #tpu.memory_space<hbm>> -> memref<80x128xf32, #tpu.memory_space<hbm>>
      %dma_start3A_545 = arith.constant 0 : i32
      %dma_start3A_546 = arith.constant 0 : i32
      %dma_start3A_547 = tpu.memref_slice %arg13[%dma_start3A_545, %dma_start3A_546] : memref<120x128xf32, #tpu.memory_space<vmem>> -> memref<80x128xf32, #tpu.memory_space<vmem>>
      tpu.enqueue_dma source(%dma_start3A_547 : memref<80x128xf32, #tpu.memory_space<vmem>>) target(%dma_start3A_544 : memref<80x128xf32, #tpu.memory_space<hbm>>) target_semaphore(%arg17 : memref<!tpu.dma_semaphore, #tpu.memory_space<semaphore_mem>>)
    } else {
    }
    %add3A_465 = arith.constant 64 : i32
    %add3A_466 = arith.addi %arg1, %add3A_465 : i32
    %add3A_467 = arith.constant 32 : i32
    %add3A_468 = arith.addi %arg1, %add3A_467 : i32
    %lt3A_469 = arith.constant 125 : i32
    %lt3A_470 = arith.cmpi slt, %add3A_468, %lt3A_469 : i32
    %convert_element_type3A_471 = arith.extui %lt3A_470 : i1 to i32
    %cond3A_472 = arith.constant 0 : i32
    %cond3A_473 = arith.cmpi ne, %convert_element_type3A_471, %cond3A_472 : i32
    scf.if %cond3A_473 {
      %mul3A = arith.constant 80 : i32
      %mul3A_535 = arith.muli %add3A_468, %mul3A : i32
      %mul3A_536 = arith.constant 10000 : i32
      %mul3A_537 = arith.muli %arg0, %mul3A_536 : i32
      %add3A_538 = arith.addi %mul3A_537, %mul3A_535 : i32
      %dma_wait3A = arith.constant 0 : i32
      %dma_wait3A_539 = arith.constant 0 : i32
      %dma_wait3A_540 = tpu.memref_slice %arg12[%dma_wait3A, %dma_wait3A_539] : memref<120x128xf32, #tpu.memory_space<vmem>> -> memref<80x128xf32, #tpu.memory_space<vmem>>
      %dma_wait3A_541 = arith.constant 0 : i32
      %dma_wait3A_542 = tpu.memref_slice %arg5[%add3A_538, %dma_wait3A_541] : memref<20000x128xf32, #tpu.memory_space<hbm>> -> memref<80x128xf32, #tpu.memory_space<hbm>>
      %dma_wait3A_543 = arith.constant 0 : i32
      %dma_wait3A_544 = tpu.memref_slice %arg5[%add3A_538, %dma_wait3A_543] : memref<20000x128xf32, #tpu.memory_space<hbm>> -> memref<80x128xf32, #tpu.memory_space<hbm>>
      %dma_wait3A_545 = arith.constant 0 : i32
      %dma_wait3A_546 = arith.constant 0 : i32
      %dma_wait3A_547 = tpu.memref_slice %arg12[%dma_wait3A_545, %dma_wait3A_546] : memref<120x128xf32, #tpu.memory_space<vmem>> -> memref<80x128xf32, #tpu.memory_space<vmem>>
      tpu.wait_dma2 semaphore(%arg16 : memref<!tpu.dma_semaphore, #tpu.memory_space<semaphore_mem>>) src(%dma_wait3A_547 : memref<80x128xf32, #tpu.memory_space<vmem>>) dst(%dma_wait3A_544 : memref<80x128xf32, #tpu.memory_space<hbm>>)
    } else {
    }
    %lt3A_474 = arith.constant 125 : i32
    %lt3A_475 = arith.cmpi slt, %add3A_466, %lt3A_474 : i32
    %convert_element_type3A_476 = arith.extui %lt3A_475 : i1 to i32
    %cond3A_477 = arith.constant 0 : i32
    %cond3A_478 = arith.cmpi ne, %convert_element_type3A_476, %cond3A_477 : i32
    scf.if %cond3A_478 {
      %mul3A = arith.constant 80 : i32
      %mul3A_535 = arith.muli %add3A_466, %mul3A : i32
      "tpu.region"() ({
        %run_scoped3A = tpu.sem_alloc : memref<!tpu.dma_semaphore, #tpu.memory_space<semaphore_mem>>
        %dma_start3A_548 = arith.constant 0 : i32
        %dma_start3A_549 = arith.constant 0 : i32
        %dma_start3A_550 = tpu.memref_slice %arg12[%dma_start3A_548, %dma_start3A_549] : memref<120x128xf32, #tpu.memory_space<vmem>> -> memref<80x128xf32, #tpu.memory_space<vmem>>
        %dma_start3A_551 = arith.constant 0 : i32
        %dma_start3A_552 = tpu.memref_slice %arg6[%mul3A_535, %dma_start3A_551] : memref<10016x128xf32, #tpu.memory_space<vmem_shared>> -> memref<80x128xf32, #tpu.memory_space<vmem_shared>>
        %dma_start3A_553 = arith.constant 0 : i32
        %dma_start3A_554 = arith.constant 0 : i32
        %dma_start3A_555 = tpu.memref_slice %arg12[%dma_start3A_553, %dma_start3A_554] : memref<120x128xf32, #tpu.memory_space<vmem>> -> memref<80x128xf32, #tpu.memory_space<vmem>>
        %dma_start3A_556 = arith.constant 0 : i32
        %dma_start3A_557 = tpu.memref_slice %arg6[%mul3A_535, %dma_start3A_556] : memref<10016x128xf32, #tpu.memory_space<vmem_shared>> -> memref<80x128xf32, #tpu.memory_space<vmem_shared>>
        tpu.enqueue_dma source(%dma_start3A_557 : memref<80x128xf32, #tpu.memory_space<vmem_shared>>) target(%dma_start3A_555 : memref<80x128xf32, #tpu.memory_space<vmem>>) target_semaphore(%run_scoped3A : memref<!tpu.dma_semaphore, #tpu.memory_space<semaphore_mem>>)
        %dma_wait3A = arith.constant 0 : i32
        %dma_wait3A_558 = arith.constant 0 : i32
        %dma_wait3A_559 = tpu.memref_slice %arg12[%dma_wait3A, %dma_wait3A_558] : memref<120x128xf32, #tpu.memory_space<vmem>> -> memref<80x128xf32, #tpu.memory_space<vmem>>
        %dma_wait3A_560 = arith.constant 0 : i32
        %dma_wait3A_561 = tpu.memref_slice %arg6[%mul3A_535, %dma_wait3A_560] : memref<10016x128xf32, #tpu.memory_space<vmem_shared>> -> memref<80x128xf32, #tpu.memory_space<vmem_shared>>
        %dma_wait3A_562 = arith.constant 0 : i32
        %dma_wait3A_563 = arith.constant 0 : i32
        %dma_wait3A_564 = tpu.memref_slice %arg12[%dma_wait3A_562, %dma_wait3A_563] : memref<120x128xf32, #tpu.memory_space<vmem>> -> memref<80x128xf32, #tpu.memory_space<vmem>>
        %dma_wait3A_565 = arith.constant 0 : i32
        %dma_wait3A_566 = tpu.memref_slice %arg6[%mul3A_535, %dma_wait3A_565] : memref<10016x128xf32, #tpu.memory_space<vmem_shared>> -> memref<80x128xf32, #tpu.memory_space<vmem_shared>>
        tpu.wait_dma2 semaphore(%run_scoped3A : memref<!tpu.dma_semaphore, #tpu.memory_space<semaphore_mem>>) src(%dma_wait3A_566 : memref<80x128xf32, #tpu.memory_space<vmem_shared>>) dst(%dma_wait3A_564 : memref<80x128xf32, #tpu.memory_space<vmem>>)
        tpu.yield
      }) : () -> ()
      %mul3A_536 = arith.constant 10000 : i32
      %mul3A_537 = arith.muli %arg0, %mul3A_536 : i32
      %add3A_538 = arith.addi %mul3A_537, %mul3A_535 : i32
      %dma_start3A = arith.constant 0 : i32
      %dma_start3A_539 = arith.constant 0 : i32
      %dma_start3A_540 = tpu.memref_slice %arg12[%dma_start3A, %dma_start3A_539] : memref<120x128xf32, #tpu.memory_space<vmem>> -> memref<80x128xf32, #tpu.memory_space<vmem>>
      %dma_start3A_541 = arith.constant 0 : i32
      %dma_start3A_542 = tpu.memref_slice %arg5[%add3A_538, %dma_start3A_541] : memref<20000x128xf32, #tpu.memory_space<hbm>> -> memref<80x128xf32, #tpu.memory_space<hbm>>
      %dma_start3A_543 = arith.constant 0 : i32
      %dma_start3A_544 = tpu.memref_slice %arg5[%add3A_538, %dma_start3A_543] : memref<20000x128xf32, #tpu.memory_space<hbm>> -> memref<80x128xf32, #tpu.memory_space<hbm>>
      %dma_start3A_545 = arith.constant 0 : i32
      %dma_start3A_546 = arith.constant 0 : i32
      %dma_start3A_547 = tpu.memref_slice %arg12[%dma_start3A_545, %dma_start3A_546] : memref<120x128xf32, #tpu.memory_space<vmem>> -> memref<80x128xf32, #tpu.memory_space<vmem>>
      tpu.enqueue_dma source(%dma_start3A_547 : memref<80x128xf32, #tpu.memory_space<vmem>>) target(%dma_start3A_544 : memref<80x128xf32, #tpu.memory_space<hbm>>) target_semaphore(%arg16 : memref<!tpu.dma_semaphore, #tpu.memory_space<semaphore_mem>>)
    } else {
    }
    %add3A_479 = arith.constant 80 : i32
    %add3A_480 = arith.addi %arg1, %add3A_479 : i32
    %add3A_481 = arith.constant 48 : i32
    %add3A_482 = arith.addi %arg1, %add3A_481 : i32
    %lt3A_483 = arith.constant 125 : i32
    %lt3A_484 = arith.cmpi slt, %add3A_482, %lt3A_483 : i32
    %convert_element_type3A_485 = arith.extui %lt3A_484 : i1 to i32
    %cond3A_486 = arith.constant 0 : i32
    %cond3A_487 = arith.cmpi ne, %convert_element_type3A_485, %cond3A_486 : i32
    scf.if %cond3A_487 {
      %mul3A = arith.constant 80 : i32
      %mul3A_535 = arith.muli %add3A_482, %mul3A : i32
      %mul3A_536 = arith.constant 10000 : i32
      %mul3A_537 = arith.muli %arg0, %mul3A_536 : i32
      %add3A_538 = arith.addi %mul3A_537, %mul3A_535 : i32
      %dma_wait3A = arith.constant 0 : i32
      %dma_wait3A_539 = arith.constant 0 : i32
      %dma_wait3A_540 = tpu.memref_slice %arg13[%dma_wait3A, %dma_wait3A_539] : memref<120x128xf32, #tpu.memory_space<vmem>> -> memref<80x128xf32, #tpu.memory_space<vmem>>
      %dma_wait3A_541 = arith.constant 0 : i32
      %dma_wait3A_542 = tpu.memref_slice %arg5[%add3A_538, %dma_wait3A_541] : memref<20000x128xf32, #tpu.memory_space<hbm>> -> memref<80x128xf32, #tpu.memory_space<hbm>>
      %dma_wait3A_543 = arith.constant 0 : i32
      %dma_wait3A_544 = tpu.memref_slice %arg5[%add3A_538, %dma_wait3A_543] : memref<20000x128xf32, #tpu.memory_space<hbm>> -> memref<80x128xf32, #tpu.memory_space<hbm>>
      %dma_wait3A_545 = arith.constant 0 : i32
      %dma_wait3A_546 = arith.constant 0 : i32
      %dma_wait3A_547 = tpu.memref_slice %arg13[%dma_wait3A_545, %dma_wait3A_546] : memref<120x128xf32, #tpu.memory_space<vmem>> -> memref<80x128xf32, #tpu.memory_space<vmem>>
      tpu.wait_dma2 semaphore(%arg17 : memref<!tpu.dma_semaphore, #tpu.memory_space<semaphore_mem>>) src(%dma_wait3A_547 : memref<80x128xf32, #tpu.memory_space<vmem>>) dst(%dma_wait3A_544 : memref<80x128xf32, #tpu.memory_space<hbm>>)
    } else {
    }
    %lt3A_488 = arith.constant 125 : i32
    %lt3A_489 = arith.cmpi slt, %add3A_480, %lt3A_488 : i32
    %convert_element_type3A_490 = arith.extui %lt3A_489 : i1 to i32
    %cond3A_491 = arith.constant 0 : i32
    %cond3A_492 = arith.cmpi ne, %convert_element_type3A_490, %cond3A_491 : i32
    scf.if %cond3A_492 {
      %mul3A = arith.constant 80 : i32
      %mul3A_535 = arith.muli %add3A_480, %mul3A : i32
      "tpu.region"() ({
        %run_scoped3A = tpu.sem_alloc : memref<!tpu.dma_semaphore, #tpu.memory_space<semaphore_mem>>
        %dma_start3A_548 = arith.constant 0 : i32
        %dma_start3A_549 = arith.constant 0 : i32
        %dma_start3A_550 = tpu.memref_slice %arg13[%dma_start3A_548, %dma_start3A_549] : memref<120x128xf32, #tpu.memory_space<vmem>> -> memref<80x128xf32, #tpu.memory_space<vmem>>
        %dma_start3A_551 = arith.constant 0 : i32
        %dma_start3A_552 = tpu.memref_slice %arg6[%mul3A_535, %dma_start3A_551] : memref<10016x128xf32, #tpu.memory_space<vmem_shared>> -> memref<80x128xf32, #tpu.memory_space<vmem_shared>>
        %dma_start3A_553 = arith.constant 0 : i32
        %dma_start3A_554 = arith.constant 0 : i32
        %dma_start3A_555 = tpu.memref_slice %arg13[%dma_start3A_553, %dma_start3A_554] : memref<120x128xf32, #tpu.memory_space<vmem>> -> memref<80x128xf32, #tpu.memory_space<vmem>>
        %dma_start3A_556 = arith.constant 0 : i32
        %dma_start3A_557 = tpu.memref_slice %arg6[%mul3A_535, %dma_start3A_556] : memref<10016x128xf32, #tpu.memory_space<vmem_shared>> -> memref<80x128xf32, #tpu.memory_space<vmem_shared>>
        tpu.enqueue_dma source(%dma_start3A_557 : memref<80x128xf32, #tpu.memory_space<vmem_shared>>) target(%dma_start3A_555 : memref<80x128xf32, #tpu.memory_space<vmem>>) target_semaphore(%run_scoped3A : memref<!tpu.dma_semaphore, #tpu.memory_space<semaphore_mem>>)
        %dma_wait3A = arith.constant 0 : i32
        %dma_wait3A_558 = arith.constant 0 : i32
        %dma_wait3A_559 = tpu.memref_slice %arg13[%dma_wait3A, %dma_wait3A_558] : memref<120x128xf32, #tpu.memory_space<vmem>> -> memref<80x128xf32, #tpu.memory_space<vmem>>
        %dma_wait3A_560 = arith.constant 0 : i32
        %dma_wait3A_561 = tpu.memref_slice %arg6[%mul3A_535, %dma_wait3A_560] : memref<10016x128xf32, #tpu.memory_space<vmem_shared>> -> memref<80x128xf32, #tpu.memory_space<vmem_shared>>
        %dma_wait3A_562 = arith.constant 0 : i32
        %dma_wait3A_563 = arith.constant 0 : i32
        %dma_wait3A_564 = tpu.memref_slice %arg13[%dma_wait3A_562, %dma_wait3A_563] : memref<120x128xf32, #tpu.memory_space<vmem>> -> memref<80x128xf32, #tpu.memory_space<vmem>>
        %dma_wait3A_565 = arith.constant 0 : i32
        %dma_wait3A_566 = tpu.memref_slice %arg6[%mul3A_535, %dma_wait3A_565] : memref<10016x128xf32, #tpu.memory_space<vmem_shared>> -> memref<80x128xf32, #tpu.memory_space<vmem_shared>>
        tpu.wait_dma2 semaphore(%run_scoped3A : memref<!tpu.dma_semaphore, #tpu.memory_space<semaphore_mem>>) src(%dma_wait3A_566 : memref<80x128xf32, #tpu.memory_space<vmem_shared>>) dst(%dma_wait3A_564 : memref<80x128xf32, #tpu.memory_space<vmem>>)
        tpu.yield
      }) : () -> ()
      %mul3A_536 = arith.constant 10000 : i32
      %mul3A_537 = arith.muli %arg0, %mul3A_536 : i32
      %add3A_538 = arith.addi %mul3A_537, %mul3A_535 : i32
      %dma_start3A = arith.constant 0 : i32
      %dma_start3A_539 = arith.constant 0 : i32
      %dma_start3A_540 = tpu.memref_slice %arg13[%dma_start3A, %dma_start3A_539] : memref<120x128xf32, #tpu.memory_space<vmem>> -> memref<80x128xf32, #tpu.memory_space<vmem>>
      %dma_start3A_541 = arith.constant 0 : i32
      %dma_start3A_542 = tpu.memref_slice %arg5[%add3A_538, %dma_start3A_541] : memref<20000x128xf32, #tpu.memory_space<hbm>> -> memref<80x128xf32, #tpu.memory_space<hbm>>
      %dma_start3A_543 = arith.constant 0 : i32
      %dma_start3A_544 = tpu.memref_slice %arg5[%add3A_538, %dma_start3A_543] : memref<20000x128xf32, #tpu.memory_space<hbm>> -> memref<80x128xf32, #tpu.memory_space<hbm>>
      %dma_start3A_545 = arith.constant 0 : i32
      %dma_start3A_546 = arith.constant 0 : i32
      %dma_start3A_547 = tpu.memref_slice %arg13[%dma_start3A_545, %dma_start3A_546] : memref<120x128xf32, #tpu.memory_space<vmem>> -> memref<80x128xf32, #tpu.memory_space<vmem>>
      tpu.enqueue_dma source(%dma_start3A_547 : memref<80x128xf32, #tpu.memory_space<vmem>>) target(%dma_start3A_544 : memref<80x128xf32, #tpu.memory_space<hbm>>) target_semaphore(%arg17 : memref<!tpu.dma_semaphore, #tpu.memory_space<semaphore_mem>>)
    } else {
    }
    %add3A_493 = arith.constant 96 : i32
    %add3A_494 = arith.addi %arg1, %add3A_493 : i32
    %add3A_495 = arith.constant 64 : i32
    %add3A_496 = arith.addi %arg1, %add3A_495 : i32
    %lt3A_497 = arith.constant 125 : i32
    %lt3A_498 = arith.cmpi slt, %add3A_496, %lt3A_497 : i32
    %convert_element_type3A_499 = arith.extui %lt3A_498 : i1 to i32
    %cond3A_500 = arith.constant 0 : i32
    %cond3A_501 = arith.cmpi ne, %convert_element_type3A_499, %cond3A_500 : i32
    scf.if %cond3A_501 {
      %mul3A = arith.constant 80 : i32
      %mul3A_535 = arith.muli %add3A_496, %mul3A : i32
      %mul3A_536 = arith.constant 10000 : i32
      %mul3A_537 = arith.muli %arg0, %mul3A_536 : i32
      %add3A_538 = arith.addi %mul3A_537, %mul3A_535 : i32
      %dma_wait3A = arith.constant 0 : i32
      %dma_wait3A_539 = arith.constant 0 : i32
      %dma_wait3A_540 = tpu.memref_slice %arg12[%dma_wait3A, %dma_wait3A_539] : memref<120x128xf32, #tpu.memory_space<vmem>> -> memref<80x128xf32, #tpu.memory_space<vmem>>
      %dma_wait3A_541 = arith.constant 0 : i32
      %dma_wait3A_542 = tpu.memref_slice %arg5[%add3A_538, %dma_wait3A_541] : memref<20000x128xf32, #tpu.memory_space<hbm>> -> memref<80x128xf32, #tpu.memory_space<hbm>>
      %dma_wait3A_543 = arith.constant 0 : i32
      %dma_wait3A_544 = tpu.memref_slice %arg5[%add3A_538, %dma_wait3A_543] : memref<20000x128xf32, #tpu.memory_space<hbm>> -> memref<80x128xf32, #tpu.memory_space<hbm>>
      %dma_wait3A_545 = arith.constant 0 : i32
      %dma_wait3A_546 = arith.constant 0 : i32
      %dma_wait3A_547 = tpu.memref_slice %arg12[%dma_wait3A_545, %dma_wait3A_546] : memref<120x128xf32, #tpu.memory_space<vmem>> -> memref<80x128xf32, #tpu.memory_space<vmem>>
      tpu.wait_dma2 semaphore(%arg16 : memref<!tpu.dma_semaphore, #tpu.memory_space<semaphore_mem>>) src(%dma_wait3A_547 : memref<80x128xf32, #tpu.memory_space<vmem>>) dst(%dma_wait3A_544 : memref<80x128xf32, #tpu.memory_space<hbm>>)
    } else {
    }
    %lt3A_502 = arith.constant 125 : i32
    %lt3A_503 = arith.cmpi slt, %add3A_494, %lt3A_502 : i32
    %convert_element_type3A_504 = arith.extui %lt3A_503 : i1 to i32
    %cond3A_505 = arith.constant 0 : i32
    %cond3A_506 = arith.cmpi ne, %convert_element_type3A_504, %cond3A_505 : i32
    scf.if %cond3A_506 {
      %mul3A = arith.constant 80 : i32
      %mul3A_535 = arith.muli %add3A_494, %mul3A : i32
      "tpu.region"() ({
        %run_scoped3A = tpu.sem_alloc : memref<!tpu.dma_semaphore, #tpu.memory_space<semaphore_mem>>
        %dma_start3A_548 = arith.constant 0 : i32
        %dma_start3A_549 = arith.constant 0 : i32
        %dma_start3A_550 = tpu.memref_slice %arg12[%dma_start3A_548, %dma_start3A_549] : memref<120x128xf32, #tpu.memory_space<vmem>> -> memref<80x128xf32, #tpu.memory_space<vmem>>
        %dma_start3A_551 = arith.constant 0 : i32
        %dma_start3A_552 = tpu.memref_slice %arg6[%mul3A_535, %dma_start3A_551] : memref<10016x128xf32, #tpu.memory_space<vmem_shared>> -> memref<80x128xf32, #tpu.memory_space<vmem_shared>>
        %dma_start3A_553 = arith.constant 0 : i32
        %dma_start3A_554 = arith.constant 0 : i32
        %dma_start3A_555 = tpu.memref_slice %arg12[%dma_start3A_553, %dma_start3A_554] : memref<120x128xf32, #tpu.memory_space<vmem>> -> memref<80x128xf32, #tpu.memory_space<vmem>>
        %dma_start3A_556 = arith.constant 0 : i32
        %dma_start3A_557 = tpu.memref_slice %arg6[%mul3A_535, %dma_start3A_556] : memref<10016x128xf32, #tpu.memory_space<vmem_shared>> -> memref<80x128xf32, #tpu.memory_space<vmem_shared>>
        tpu.enqueue_dma source(%dma_start3A_557 : memref<80x128xf32, #tpu.memory_space<vmem_shared>>) target(%dma_start3A_555 : memref<80x128xf32, #tpu.memory_space<vmem>>) target_semaphore(%run_scoped3A : memref<!tpu.dma_semaphore, #tpu.memory_space<semaphore_mem>>)
        %dma_wait3A = arith.constant 0 : i32
        %dma_wait3A_558 = arith.constant 0 : i32
        %dma_wait3A_559 = tpu.memref_slice %arg12[%dma_wait3A, %dma_wait3A_558] : memref<120x128xf32, #tpu.memory_space<vmem>> -> memref<80x128xf32, #tpu.memory_space<vmem>>
        %dma_wait3A_560 = arith.constant 0 : i32
        %dma_wait3A_561 = tpu.memref_slice %arg6[%mul3A_535, %dma_wait3A_560] : memref<10016x128xf32, #tpu.memory_space<vmem_shared>> -> memref<80x128xf32, #tpu.memory_space<vmem_shared>>
        %dma_wait3A_562 = arith.constant 0 : i32
        %dma_wait3A_563 = arith.constant 0 : i32
        %dma_wait3A_564 = tpu.memref_slice %arg12[%dma_wait3A_562, %dma_wait3A_563] : memref<120x128xf32, #tpu.memory_space<vmem>> -> memref<80x128xf32, #tpu.memory_space<vmem>>
        %dma_wait3A_565 = arith.constant 0 : i32
        %dma_wait3A_566 = tpu.memref_slice %arg6[%mul3A_535, %dma_wait3A_565] : memref<10016x128xf32, #tpu.memory_space<vmem_shared>> -> memref<80x128xf32, #tpu.memory_space<vmem_shared>>
        tpu.wait_dma2 semaphore(%run_scoped3A : memref<!tpu.dma_semaphore, #tpu.memory_space<semaphore_mem>>) src(%dma_wait3A_566 : memref<80x128xf32, #tpu.memory_space<vmem_shared>>) dst(%dma_wait3A_564 : memref<80x128xf32, #tpu.memory_space<vmem>>)
        tpu.yield
      }) : () -> ()
      %mul3A_536 = arith.constant 10000 : i32
      %mul3A_537 = arith.muli %arg0, %mul3A_536 : i32
      %add3A_538 = arith.addi %mul3A_537, %mul3A_535 : i32
      %dma_start3A = arith.constant 0 : i32
      %dma_start3A_539 = arith.constant 0 : i32
      %dma_start3A_540 = tpu.memref_slice %arg12[%dma_start3A, %dma_start3A_539] : memref<120x128xf32, #tpu.memory_space<vmem>> -> memref<80x128xf32, #tpu.memory_space<vmem>>
      %dma_start3A_541 = arith.constant 0 : i32
      %dma_start3A_542 = tpu.memref_slice %arg5[%add3A_538, %dma_start3A_541] : memref<20000x128xf32, #tpu.memory_space<hbm>> -> memref<80x128xf32, #tpu.memory_space<hbm>>
      %dma_start3A_543 = arith.constant 0 : i32
      %dma_start3A_544 = tpu.memref_slice %arg5[%add3A_538, %dma_start3A_543] : memref<20000x128xf32, #tpu.memory_space<hbm>> -> memref<80x128xf32, #tpu.memory_space<hbm>>
      %dma_start3A_545 = arith.constant 0 : i32
      %dma_start3A_546 = arith.constant 0 : i32
      %dma_start3A_547 = tpu.memref_slice %arg12[%dma_start3A_545, %dma_start3A_546] : memref<120x128xf32, #tpu.memory_space<vmem>> -> memref<80x128xf32, #tpu.memory_space<vmem>>
      tpu.enqueue_dma source(%dma_start3A_547 : memref<80x128xf32, #tpu.memory_space<vmem>>) target(%dma_start3A_544 : memref<80x128xf32, #tpu.memory_space<hbm>>) target_semaphore(%arg16 : memref<!tpu.dma_semaphore, #tpu.memory_space<semaphore_mem>>)
    } else {
    }
    %add3A_507 = arith.constant 112 : i32
    %add3A_508 = arith.addi %arg1, %add3A_507 : i32
    %add3A_509 = arith.constant 80 : i32
    %add3A_510 = arith.addi %arg1, %add3A_509 : i32
    %lt3A_511 = arith.constant 125 : i32
    %lt3A_512 = arith.cmpi slt, %add3A_510, %lt3A_511 : i32
    %convert_element_type3A_513 = arith.extui %lt3A_512 : i1 to i32
    %cond3A_514 = arith.constant 0 : i32
    %cond3A_515 = arith.cmpi ne, %convert_element_type3A_513, %cond3A_514 : i32
    scf.if %cond3A_515 {
      %mul3A = arith.constant 80 : i32
      %mul3A_535 = arith.muli %add3A_510, %mul3A : i32
      %mul3A_536 = arith.constant 10000 : i32
      %mul3A_537 = arith.muli %arg0, %mul3A_536 : i32
      %add3A_538 = arith.addi %mul3A_537, %mul3A_535 : i32
      %dma_wait3A = arith.constant 0 : i32
      %dma_wait3A_539 = arith.constant 0 : i32
      %dma_wait3A_540 = tpu.memref_slice %arg13[%dma_wait3A, %dma_wait3A_539] : memref<120x128xf32, #tpu.memory_space<vmem>> -> memref<80x128xf32, #tpu.memory_space<vmem>>
      %dma_wait3A_541 = arith.constant 0 : i32
      %dma_wait3A_542 = tpu.memref_slice %arg5[%add3A_538, %dma_wait3A_541] : memref<20000x128xf32, #tpu.memory_space<hbm>> -> memref<80x128xf32, #tpu.memory_space<hbm>>
      %dma_wait3A_543 = arith.constant 0 : i32
      %dma_wait3A_544 = tpu.memref_slice %arg5[%add3A_538, %dma_wait3A_543] : memref<20000x128xf32, #tpu.memory_space<hbm>> -> memref<80x128xf32, #tpu.memory_space<hbm>>
      %dma_wait3A_545 = arith.constant 0 : i32
      %dma_wait3A_546 = arith.constant 0 : i32
      %dma_wait3A_547 = tpu.memref_slice %arg13[%dma_wait3A_545, %dma_wait3A_546] : memref<120x128xf32, #tpu.memory_space<vmem>> -> memref<80x128xf32, #tpu.memory_space<vmem>>
      tpu.wait_dma2 semaphore(%arg17 : memref<!tpu.dma_semaphore, #tpu.memory_space<semaphore_mem>>) src(%dma_wait3A_547 : memref<80x128xf32, #tpu.memory_space<vmem>>) dst(%dma_wait3A_544 : memref<80x128xf32, #tpu.memory_space<hbm>>)
    } else {
    }
    %lt3A_516 = arith.constant 125 : i32
    %lt3A_517 = arith.cmpi slt, %add3A_508, %lt3A_516 : i32
    %convert_element_type3A_518 = arith.extui %lt3A_517 : i1 to i32
    %cond3A_519 = arith.constant 0 : i32
    %cond3A_520 = arith.cmpi ne, %convert_element_type3A_518, %cond3A_519 : i32
    scf.if %cond3A_520 {
      %mul3A = arith.constant 80 : i32
      %mul3A_535 = arith.muli %add3A_508, %mul3A : i32
      "tpu.region"() ({
        %run_scoped3A = tpu.sem_alloc : memref<!tpu.dma_semaphore, #tpu.memory_space<semaphore_mem>>
        %dma_start3A_548 = arith.constant 0 : i32
        %dma_start3A_549 = arith.constant 0 : i32
        %dma_start3A_550 = tpu.memref_slice %arg13[%dma_start3A_548, %dma_start3A_549] : memref<120x128xf32, #tpu.memory_space<vmem>> -> memref<80x128xf32, #tpu.memory_space<vmem>>
        %dma_start3A_551 = arith.constant 0 : i32
        %dma_start3A_552 = tpu.memref_slice %arg6[%mul3A_535, %dma_start3A_551] : memref<10016x128xf32, #tpu.memory_space<vmem_shared>> -> memref<80x128xf32, #tpu.memory_space<vmem_shared>>
        %dma_start3A_553 = arith.constant 0 : i32
        %dma_start3A_554 = arith.constant 0 : i32
        %dma_start3A_555 = tpu.memref_slice %arg13[%dma_start3A_553, %dma_start3A_554] : memref<120x128xf32, #tpu.memory_space<vmem>> -> memref<80x128xf32, #tpu.memory_space<vmem>>
        %dma_start3A_556 = arith.constant 0 : i32
        %dma_start3A_557 = tpu.memref_slice %arg6[%mul3A_535, %dma_start3A_556] : memref<10016x128xf32, #tpu.memory_space<vmem_shared>> -> memref<80x128xf32, #tpu.memory_space<vmem_shared>>
        tpu.enqueue_dma source(%dma_start3A_557 : memref<80x128xf32, #tpu.memory_space<vmem_shared>>) target(%dma_start3A_555 : memref<80x128xf32, #tpu.memory_space<vmem>>) target_semaphore(%run_scoped3A : memref<!tpu.dma_semaphore, #tpu.memory_space<semaphore_mem>>)
        %dma_wait3A = arith.constant 0 : i32
        %dma_wait3A_558 = arith.constant 0 : i32
        %dma_wait3A_559 = tpu.memref_slice %arg13[%dma_wait3A, %dma_wait3A_558] : memref<120x128xf32, #tpu.memory_space<vmem>> -> memref<80x128xf32, #tpu.memory_space<vmem>>
        %dma_wait3A_560 = arith.constant 0 : i32
        %dma_wait3A_561 = tpu.memref_slice %arg6[%mul3A_535, %dma_wait3A_560] : memref<10016x128xf32, #tpu.memory_space<vmem_shared>> -> memref<80x128xf32, #tpu.memory_space<vmem_shared>>
        %dma_wait3A_562 = arith.constant 0 : i32
        %dma_wait3A_563 = arith.constant 0 : i32
        %dma_wait3A_564 = tpu.memref_slice %arg13[%dma_wait3A_562, %dma_wait3A_563] : memref<120x128xf32, #tpu.memory_space<vmem>> -> memref<80x128xf32, #tpu.memory_space<vmem>>
        %dma_wait3A_565 = arith.constant 0 : i32
        %dma_wait3A_566 = tpu.memref_slice %arg6[%mul3A_535, %dma_wait3A_565] : memref<10016x128xf32, #tpu.memory_space<vmem_shared>> -> memref<80x128xf32, #tpu.memory_space<vmem_shared>>
        tpu.wait_dma2 semaphore(%run_scoped3A : memref<!tpu.dma_semaphore, #tpu.memory_space<semaphore_mem>>) src(%dma_wait3A_566 : memref<80x128xf32, #tpu.memory_space<vmem_shared>>) dst(%dma_wait3A_564 : memref<80x128xf32, #tpu.memory_space<vmem>>)
        tpu.yield
      }) : () -> ()
      %mul3A_536 = arith.constant 10000 : i32
      %mul3A_537 = arith.muli %arg0, %mul3A_536 : i32
      %add3A_538 = arith.addi %mul3A_537, %mul3A_535 : i32
      %dma_start3A = arith.constant 0 : i32
      %dma_start3A_539 = arith.constant 0 : i32
      %dma_start3A_540 = tpu.memref_slice %arg13[%dma_start3A, %dma_start3A_539] : memref<120x128xf32, #tpu.memory_space<vmem>> -> memref<80x128xf32, #tpu.memory_space<vmem>>
      %dma_start3A_541 = arith.constant 0 : i32
      %dma_start3A_542 = tpu.memref_slice %arg5[%add3A_538, %dma_start3A_541] : memref<20000x128xf32, #tpu.memory_space<hbm>> -> memref<80x128xf32, #tpu.memory_space<hbm>>
      %dma_start3A_543 = arith.constant 0 : i32
      %dma_start3A_544 = tpu.memref_slice %arg5[%add3A_538, %dma_start3A_543] : memref<20000x128xf32, #tpu.memory_space<hbm>> -> memref<80x128xf32, #tpu.memory_space<hbm>>
      %dma_start3A_545 = arith.constant 0 : i32
      %dma_start3A_546 = arith.constant 0 : i32
      %dma_start3A_547 = tpu.memref_slice %arg13[%dma_start3A_545, %dma_start3A_546] : memref<120x128xf32, #tpu.memory_space<vmem>> -> memref<80x128xf32, #tpu.memory_space<vmem>>
      tpu.enqueue_dma source(%dma_start3A_547 : memref<80x128xf32, #tpu.memory_space<vmem>>) target(%dma_start3A_544 : memref<80x128xf32, #tpu.memory_space<hbm>>) target_semaphore(%arg17 : memref<!tpu.dma_semaphore, #tpu.memory_space<semaphore_mem>>)
    } else {
    }
    %add3A_521 = arith.constant 96 : i32
    %add3A_522 = arith.addi %arg1, %add3A_521 : i32
    %lt3A_523 = arith.constant 125 : i32
    %lt3A_524 = arith.cmpi slt, %add3A_522, %lt3A_523 : i32
    %convert_element_type3A_525 = arith.extui %lt3A_524 : i1 to i32
    %cond3A_526 = arith.constant 0 : i32
    %cond3A_527 = arith.cmpi ne, %convert_element_type3A_525, %cond3A_526 : i32
    scf.if %cond3A_527 {
      %mul3A = arith.constant 80 : i32
      %mul3A_535 = arith.muli %add3A_522, %mul3A : i32
      %mul3A_536 = arith.constant 10000 : i32
      %mul3A_537 = arith.muli %arg0, %mul3A_536 : i32
      %add3A_538 = arith.addi %mul3A_537, %mul3A_535 : i32
      %dma_wait3A = arith.constant 0 : i32
      %dma_wait3A_539 = arith.constant 0 : i32
      %dma_wait3A_540 = tpu.memref_slice %arg12[%dma_wait3A, %dma_wait3A_539] : memref<120x128xf32, #tpu.memory_space<vmem>> -> memref<80x128xf32, #tpu.memory_space<vmem>>
      %dma_wait3A_541 = arith.constant 0 : i32
      %dma_wait3A_542 = tpu.memref_slice %arg5[%add3A_538, %dma_wait3A_541] : memref<20000x128xf32, #tpu.memory_space<hbm>> -> memref<80x128xf32, #tpu.memory_space<hbm>>
      %dma_wait3A_543 = arith.constant 0 : i32
      %dma_wait3A_544 = tpu.memref_slice %arg5[%add3A_538, %dma_wait3A_543] : memref<20000x128xf32, #tpu.memory_space<hbm>> -> memref<80x128xf32, #tpu.memory_space<hbm>>
      %dma_wait3A_545 = arith.constant 0 : i32
      %dma_wait3A_546 = arith.constant 0 : i32
      %dma_wait3A_547 = tpu.memref_slice %arg12[%dma_wait3A_545, %dma_wait3A_546] : memref<120x128xf32, #tpu.memory_space<vmem>> -> memref<80x128xf32, #tpu.memory_space<vmem>>
      tpu.wait_dma2 semaphore(%arg16 : memref<!tpu.dma_semaphore, #tpu.memory_space<semaphore_mem>>) src(%dma_wait3A_547 : memref<80x128xf32, #tpu.memory_space<vmem>>) dst(%dma_wait3A_544 : memref<80x128xf32, #tpu.memory_space<hbm>>)
    } else {
    }
    %add3A_528 = arith.constant 112 : i32
    %add3A_529 = arith.addi %arg1, %add3A_528 : i32
    %lt3A_530 = arith.constant 125 : i32
    %lt3A_531 = arith.cmpi slt, %add3A_529, %lt3A_530 : i32
    %convert_element_type3A_532 = arith.extui %lt3A_531 : i1 to i32
    %cond3A_533 = arith.constant 0 : i32
    %cond3A_534 = arith.cmpi ne, %convert_element_type3A_532, %cond3A_533 : i32
    scf.if %cond3A_534 {
      %mul3A = arith.constant 80 : i32
      %mul3A_535 = arith.muli %add3A_529, %mul3A : i32
      %mul3A_536 = arith.constant 10000 : i32
      %mul3A_537 = arith.muli %arg0, %mul3A_536 : i32
      %add3A_538 = arith.addi %mul3A_537, %mul3A_535 : i32
      %dma_wait3A = arith.constant 0 : i32
      %dma_wait3A_539 = arith.constant 0 : i32
      %dma_wait3A_540 = tpu.memref_slice %arg13[%dma_wait3A, %dma_wait3A_539] : memref<120x128xf32, #tpu.memory_space<vmem>> -> memref<80x128xf32, #tpu.memory_space<vmem>>
      %dma_wait3A_541 = arith.constant 0 : i32
      %dma_wait3A_542 = tpu.memref_slice %arg5[%add3A_538, %dma_wait3A_541] : memref<20000x128xf32, #tpu.memory_space<hbm>> -> memref<80x128xf32, #tpu.memory_space<hbm>>
      %dma_wait3A_543 = arith.constant 0 : i32
      %dma_wait3A_544 = tpu.memref_slice %arg5[%add3A_538, %dma_wait3A_543] : memref<20000x128xf32, #tpu.memory_space<hbm>> -> memref<80x128xf32, #tpu.memory_space<hbm>>
      %dma_wait3A_545 = arith.constant 0 : i32
      %dma_wait3A_546 = arith.constant 0 : i32
      %dma_wait3A_547 = tpu.memref_slice %arg13[%dma_wait3A_545, %dma_wait3A_546] : memref<120x128xf32, #tpu.memory_space<vmem>> -> memref<80x128xf32, #tpu.memory_space<vmem>>
      tpu.wait_dma2 semaphore(%arg17 : memref<!tpu.dma_semaphore, #tpu.memory_space<semaphore_mem>>) src(%dma_wait3A_547 : memref<80x128xf32, #tpu.memory_space<vmem>>) dst(%dma_wait3A_544 : memref<80x128xf32, #tpu.memory_space<hbm>>)
    } else {
    }
    return
  }
}

module attributes {stable_mosaic.version = 14 : i64} {
  func.func @_tc_body(%arg0: i32, %arg1: memref<2x2000x128xf32, #tpu.memory_space<vmem>>, %arg2: memref<256x256xf32, #tpu.memory_space<vmem>>, %arg3: memref<1x256xf32, #tpu.memory_space<vmem>>, %arg4: memref<2000x256xf32, #tpu.memory_space<vmem>>) attributes {dimension_semantics = [#tpu.dimension_semantics<arbitrary>], iteration_bounds = array<i64: 5>, scalar_prefetch = 0 : i64, scratch_operands = 0 : i64, tpu.core_type = #tpu.core_type<tc>, window_params = [{transform_indices = @transform_0, window_bounds = array<i64: 2, 2000, 128>}, {pipeline_mode = #tpu.pipeline_mode<synchronous>, transform_indices = @transform_1, window_bounds = array<i64: 256, 256>}, {pipeline_mode = #tpu.pipeline_mode<synchronous>, transform_indices = @transform_2, window_bounds = array<i64: 1, 256>}, {transform_indices = @transform_3, window_bounds = array<i64: 2000, 256>}]} {
    %get3A = arith.constant 0 : index
    %get3A_0 = arith.constant 0 : index
    %get3A_1 = arith.constant 0 : index
    %get3A_2 = vector.load %arg1[%get3A, %get3A_0, %get3A_1] : memref<2x2000x128xf32, #tpu.memory_space<vmem>>, vector<1x2000x128xf32>
    %get3A_3 = vector.shape_cast %get3A_2 : vector<1x2000x128xf32> to vector<2000x128xf32>
    %get3A_4 = arith.constant 0 : index
    %get3A_5 = arith.constant 0 : index
    %get3A_6 = vector.load %arg2[%get3A_4, %get3A_5] : memref<256x256xf32, #tpu.memory_space<vmem>>, vector<128x256xf32>
    %dot_general3A = arith.constant dense<0.000000e+00> : vector<2000x256xf32>
    %dot_general3A_7 = tpu.matmul %get3A_3, %get3A_6, %dot_general3A {dimension_numbers = #tpu.dot_dimension_numbers<[1], [0], [0], [1], [0, 0, 1, 1], [], []>, transpose_lhs_hint = false} : vector<2000x128xf32>, vector<128x256xf32>, vector<2000x256xf32> -> vector<2000x256xf32>
    %get3A_8 = arith.constant 1 : index
    %get3A_9 = arith.constant 0 : index
    %get3A_10 = arith.constant 0 : index
    %get3A_11 = vector.load %arg1[%get3A_8, %get3A_9, %get3A_10] : memref<2x2000x128xf32, #tpu.memory_space<vmem>>, vector<1x2000x128xf32>
    %get3A_12 = vector.shape_cast %get3A_11 : vector<1x2000x128xf32> to vector<2000x128xf32>
    %get3A_13 = arith.constant 128 : index
    %get3A_14 = arith.constant 0 : index
    %get3A_15 = vector.load %arg2[%get3A_13, %get3A_14] : memref<256x256xf32, #tpu.memory_space<vmem>>, vector<128x256xf32>
    %dot_general3A_16 = arith.constant dense<0.000000e+00> : vector<2000x256xf32>
    %dot_general3A_17 = tpu.matmul %get3A_12, %get3A_15, %dot_general3A_16 {dimension_numbers = #tpu.dot_dimension_numbers<[1], [0], [0], [1], [0, 0, 1, 1], [], []>, transpose_lhs_hint = false} : vector<2000x128xf32>, vector<128x256xf32>, vector<2000x256xf32> -> vector<2000x256xf32>
    %add3A = arith.addf %dot_general3A_7, %dot_general3A_17 : vector<2000x256xf32>
    %get3A_18 = arith.constant 0 : index
    %get3A_19 = arith.constant 0 : index
    %get3A_20 = vector.load %arg3[%get3A_18, %get3A_19] : memref<1x256xf32, #tpu.memory_space<vmem>>, vector<1x256xf32>
    %add3A_21 = vector.broadcast %get3A_20 : vector<1x256xf32> to vector<2000x256xf32>
    %add3A_22 = arith.addf %add3A, %add3A_21 : vector<2000x256xf32>
    %max3A = arith.constant 0.000000e+00 : f32
    %max3A_23 = vector.broadcast %max3A : f32 to vector<2000x256xf32>
    %max3A_24 = arith.maximumf %add3A_22, %max3A_23 : vector<2000x256xf32>
    %swap3A = arith.constant 0 : index
    %swap3A_25 = arith.constant 0 : index
    %swap3A_26 = vector.load %arg4[%swap3A, %swap3A_25] : memref<2000x256xf32, #tpu.memory_space<vmem>>, vector<2000x256xf32>
    tpu.vector_store %arg4[%swap3A, %swap3A_25], %max3A_24 {strides = array<i32>} : memref<2000x256xf32, #tpu.memory_space<vmem>>, vector<2000x256xf32>,
    return
  }
  func.func @transform_0(%arg0: i32) -> (i32, i32, i32) {
    %c0_i32 = arith.constant 0 : i32
    %c0_i32_0 = arith.constant 0 : i32
    %c0_i32_1 = arith.constant 0 : i32
    return %c0_i32, %arg0, %c0_i32_0 : i32, i32, i32
  }
  func.func @transform_1(%arg0: i32) -> (i32, i32) {
    %c0_i32 = arith.constant 0 : i32
    %c0_i32_0 = arith.constant 0 : i32
    %c0_i32_1 = arith.constant 0 : i32
    return %c0_i32, %c0_i32_0 : i32, i32
  }
  func.func @transform_2(%arg0: i32) -> (i32, i32) {
    %c0_i32 = arith.constant 0 : i32
    %c0_i32_0 = arith.constant 0 : i32
    %c0_i32_1 = arith.constant 0 : i32
    return %c0_i32, %c0_i32_0 : i32, i32
  }
  func.func @transform_3(%arg0: i32) -> (i32, i32) {
    %c0_i32 = arith.constant 0 : i32
    %c0_i32_0 = arith.constant 0 : i32
    return %arg0, %c0_i32 : i32, i32
  }
}

</mosaic_0001>

<sc_bundles>
// kernel: kernel.4.cloned.1.call-start
scs
__scs_entry_jumppad:
0x0: {  	(pc) =	sbr.rel $0x88, $3  }
0x1: {  	(tag) =	ssettag $0x0;
	lr =	simm.s32 $0x1  }
0x2: {  	[smem:$0x3F9D] =	sst lr;
	_ =	strace $0xD0000000  }
0x3: {  	_ = 	snop  }
0x4: {  	_ = 	snop  }
0x5: {  	_ = 	snop  }
0x6: {  	_ = 	snop  }
0x7: {  	_ = 	snop  }
__scs_overlays_trampoline_lowered:
0x8: {  	[smem:$0x3FAC] =	sst s0  }
0x9: {  	[smem:$0x3FAD] =	sst s1  }
0xa: {  	[smem:$0x3FAE] =	sst s2  }
0xb: {  	[smem:$0x3FAF] =	sst s3  }
0xc: {  	[smem:$0x3FB0] =	sst s4  }
0xd: {  	[smem:$0x3FB1] =	sst s5  }
0xe: {  	[smem:$0x3FB2] =	sst s6  }
0xf: {  	[smem:$0x3FB3] =	sst s7  }
0x10: {  	[smem:$0x3FB4] =	sst s8  }
0x11: {  	[smem:$0x3FB5] =	sst s9;
	s0 =	simm.s32 @!p0 $0x0  }
0x12: {  	s1 =	sld [smem:$0x3F9B];
	s0 =	simm.s32 @p0 $0x1  }
0x13: {  	[smem:$0x3FB6] =	sst s0;
	s0 =	simm.s32 @!p1 $0x0  }
0x14: {  	s2 =	sld [smem:$0x3F9A];
	s0 =	simm.s32 @p1 $0x1  }
0x15: {  	[smem:$0x3FB7] =	sst s0;
	s0 =	simm.s32 @!p2 $0x0  }
0x16: {  	s3 =	sld [smem:$0x3FDB];
	s0 =	simm.s32 @p2 $0x1  }
0x17: {  	s4 =	simm.s32 $0x1BF5;
	[smem:$0x3FB9] =	sst s0  }
0x18: {  	s0 =	sld [smem:$0x3F9C];
	_ =	swait.ge [sflag:s4], $0x0  }
0x19: {  	s7 =	sld [smem:$0x3F9D]  }
0x1a: {  	s8 =	sadd.s32 $0xFFFFE003, lr  }
0x1b: {  	s9 =	sadd.s32 $0xFFFFFEF7, lr;
	s5 =	simm.s32 $0xFFFFFFFF;
	p2 =	slt.u32 s8, $0xFFFFF086  }
0x1c: {  	p1 =	slt.u32 s9, $0xF7A;
	s5 =	simm.s32 @!p2 $0x0  }
0x1d: {  	s5 =	simm.s32 @p1 $0x1;
	p0 =	seq.s32 s7, s2  }
0x1e: {  	s7 =	smul.u32 @!p0 $0xF7A, s2;
	p2 =	seq.s32 @!p0 s5, $0x0  }
0x1f: {  	s9 =	smul.u32 $0xF7A, s1;
	s8 =	simm.s32 @!p0 $0x1BF5;
	p2 =	por !p2, p0  }
0x20: {  	[sflag:s8] =	ssyncset.s32 @!p0 $0xFFFFF086;
	s6 =	sadd.s32 @!p0 s3, s7;
	s7 =	simm.s32 @!p0 $0x108  }
0x21: {  	s3 =	sadd.s32 s3, s9;
	s6 =	sadd.s32 @!p0 $0x88, s6;
	s7 =	simm.s32 @p2 $0x1082  }
0x22: {  	[simem:s7], [sflag:s8] =	dma.local @!p0 [hbm:s6], $0xF7A  }
0x23: {  	s9 =	sor.u32 $0xD0000000, s2;
	s6 =	simm.s32 $0x108;
	_ =	swait.ge @!p0 [sflag:s8], $0x0  }
0x24: {  	s3 =	sadd.s32 $0x88, s3;
	s6 =	simm.s32 @!p1 $0x1082;
	[sflag:s4] =	ssyncset.s32 $0xFFFFF086  }
0x25: {  	[simem:s6], [sflag:s4] =	dma.local [hbm:s3], $0xF7A  }
0x26: {  	[smem:$0x3F9D] =	sst s1;
	(tag) =	ssettag s2;
	_ =	strace s9  }
0x27: {  	s1 =	sld [smem:$0x3FAD]  }
0x28: {  	s2 =	sld [smem:$0x3FAE]  }
0x29: {  	s4 =	sld [smem:$0x3FB0]  }
0x2a: {  	p0 =	seq.s32 s5, $0x0;
	s5 =	sld [smem:$0x3FB1]  }
0x2b: {  	s6 =	sld [smem:$0x3FB2]  }
0x2c: {  	s7 =	sld [smem:$0x3FB3]  }
0x2d: {  	s3 =	simm.s32 $0x108;
	s8 =	sld [smem:$0x3FB4]  }
0x2e: {  	s3 =	simm.s32 @!p0 $0x1082;
	s9 =	sld [smem:$0x3FB5]  }
0x2f: {  	lr =	sadd.s32 s0, s3;
	s0 =	sld [smem:$0x3FAC]  }
0x30: {  	s3 =	sld [smem:$0x3FAF]  }
0x31: {  	[smem:$0x3FB8] =	sst s10  }
0x32: {  	s10 =	sld [smem:$0x3FB6];
	_ =	sdelay $0x3  }
0x33: {  	p0 =	seq.s32 s10, $0x1;
	s10 =	sld [smem:$0x3FB8];
	_ =	sdelay $0x3  }
0x34: {  	[smem:$0x3FB8] =	sst s10  }
0x35: {  	s10 =	sld [smem:$0x3FB7];
	_ =	sdelay $0x3  }
0x36: {  	p1 =	seq.s32 s10, $0x1;
	s10 =	sld [smem:$0x3FB8];
	_ =	sdelay $0x3  }
0x37: {  	[smem:$0x3FB8] =	sst s10  }
0x38: {  	s10 =	sld [smem:$0x3FB9]  }
0x39: {  	_ = 	snop;
	(pc) =	sbr.ind lr, $3  }
0x3a: {  	_ = 	snop  }
0x3b: {  	_ = 	snop  }
0x3c: {  	p2 =	seq.s32 s10, $0x1;
	s10 =	sld [smem:$0x3FB8]  }
0x3d: {  	_ =	shalt  }
0x3e: {  	_ =	shalt  }
0x3f: {  	_ =	shalt  }
0x40: {  	_ =	shalt  }
0x41: {  	_ =	shalt  }
0x42: {  	_ =	shalt  }
0x43: {  	_ =	shalt  }
0x44: {  	_ =	shalt  }
0x45: {  	_ =	shalt  }
0x46: {  	_ =	shalt  }
0x47: {  	_ =	shalt  }
0x48: {  	_ =	shalt  }
0x49: {  	_ =	shalt  }
0x4a: {  	_ =	shalt  }
0x4b: {  	_ =	shalt  }
0x4c: {  	_ =	shalt  }
0x4d: {  	_ =	shalt  }
0x4e: {  	_ =	shalt  }
0x4f: {  	_ =	shalt  }
0x50: {  	_ =	shalt  }
0x51: {  	_ =	shalt  }
0x52: {  	_ =	shalt  }
0x53: {  	_ =	shalt  }
0x54: {  	_ =	shalt  }
0x55: {  	_ =	shalt  }
0x56: {  	_ =	shalt  }
0x57: {  	_ =	shalt  }
0x58: {  	_ =	shalt  }
0x59: {  	_ =	shalt  }
0x5a: {  	_ =	shalt  }
0x5b: {  	_ =	shalt  }
0x5c: {  	_ =	shalt  }
0x5d: {  	_ =	shalt  }
0x5e: {  	_ =	shalt  }
0x5f: {  	_ =	shalt  }
0x60: {  	_ =	shalt  }
0x61: {  	_ =	shalt  }
0x62: {  	_ =	shalt  }
0x63: {  	_ =	shalt  }
0x64: {  	_ =	shalt  }
0x65: {  	_ =	shalt  }
0x66: {  	_ =	shalt  }
0x67: {  	_ =	shalt  }
0x68: {  	_ =	shalt  }
0x69: {  	_ =	shalt  }
0x6a: {  	_ =	shalt  }
0x6b: {  	_ =	shalt  }
0x6c: {  	_ =	shalt  }
0x6d: {  	_ =	shalt  }
0x6e: {  	_ =	shalt  }
0x6f: {  	_ =	shalt  }
0x70: {  	_ =	shalt  }
0x71: {  	_ =	shalt  }
0x72: {  	_ =	shalt  }
0x73: {  	_ =	shalt  }
0x74: {  	_ =	shalt  }
0x75: {  	_ =	shalt  }
0x76: {  	_ =	shalt  }
0x77: {  	_ =	shalt  }
0x78: {  	_ =	shalt  }
0x79: {  	_ =	shalt  }
0x7a: {  	_ =	shalt  }
0x7b: {  	_ =	shalt  }
0x7c: {  	_ =	shalt  }
0x7d: {  	_ =	shalt  }
0x7e: {  	_ =	shalt  }
0x7f: {  	_ =	shalt  }
0x80: {  	_ =	shalt  }
0x81: {  	_ =	shalt  }
0x82: {  	_ =	shalt  }
0x83: {  	_ =	shalt  }
0x84: {  	_ =	shalt  }
0x85: {  	_ =	shalt  }
0x86: {  	_ =	shalt  }
0x87: {  	_ =	shalt  }
.Lfunc_end0:
.L_simem_size_0:
called_computation_lowered:
.L_overlay_start_0:
0x88: {  	s2 =	sld [smem:$0x3FD9]  }
0x89: {  	s3 =	sld [smem:$0x3FFE];
	_ =	sdelay $0x1  }
0x8a: {  	s1 =	srdreg.scid  }
0x8b: {  	s0 =	sand.u32 $0x1, s1  }
0x8c: {  	s17 =	sshll.u32 s0, $0xA;
	s2 =	sadd.s32 s3, s2  }
0x8d: {  	s2 =	sadd.s32 s2, s17  }
0x8e: {  	[smem:$0x3FC4] =	sst s2  }
0x8f: {  	_ = 	snop  }
0x90: {  	s2 =	sld [smem:$0x3FD0];
	(tm) =	ssettm $0x1  }
0x91: {  	s18 =	sld [smem:$0x3FFB];
	_ =	sdelay $0x3  }
0x92: {  	_ =	strace s18  }
0x93: {  	s3 =	sld [smem:$0x3FFC];
	_ =	sdelay $0x3  }
0x94: {  	_ =	strace s3  }
0x95: {  	s3 =	sld [smem:$0x3FFD];
	_ =	sdelay $0x3  }
0x96: {  	_ =	strace s3  }
0x97: {  	_ =	strace $0x8FFFFFFF  }
0x98: {  	s19 =	sld [smem:$0x3FDB];
	_ =	sdelay $0x1  }
0x99: {  	s4 =	simm.s32 $_scs_section_size  }
0x9a: {  	s5 =	simm.s32 $_size__tile_overlayer_lowered;
	s6 =	simm.s32 $_tile_overlayer_lowered  }
0x9b: {  	s22 =	simm.s32 $0x1BFF;
	s21 =	sshll.u32 s6, $0x1;
	s3 =	sadd.s32 s4, s19  }
0x9c: {  	s7 =	simm.s32 $0x0;
	s20 =	sshll.u32 s5, $0x1;
	s5 =	sadd.s32 s21, s3  }
0x9d: {  	[timem:s7], [sflag:s22] =	dma.local [hbm:s5], s20  }
0x9e: {  	_ =	swait.ge [sflag:s22], s20  }
0x9f: {  	s4 =	ssub.s32 $0x0, s20;
	[sflag:s22] =	ssyncset.done $0x0  }
0xa0: {  	[sflag:s22] =	ssyncadd.s32 s4;
	_ =	sdelay $0x1  }
0xa1: {  	s23 =	simm.s32 $0x1B8B  }
0xa2: {  	_ =	swait.ge [sflag:s23], $0x1  }
0xa3: {  	[sflag:s23] =	ssyncset.done $0x0  }
0xa4: {  	s25 =	simm.s32 $0x1B8E;
	s24 =	sld [smem:$0x3FFE];
	[sflag:s23] =	ssyncadd.s32 $0xFFFFFFFF  }
0xa5: {  	s26 =	simm.s32 $execute0_lowered;
	[smem:$0x3FD2] =	sst s25  }
0xa6: {  	s5 =	sshll.u32 s26, $0x1;
	_ =	strace $0x80000046;
	[dreg:$0x1] =	wrdreg $0xFFFFFFFF  }
0xa7: {  	s28 =	simm.s32 $_size_execute0_lowered;
	s3 =	sadd.s32 s3, s5;
	[dreg:$0x0] =	wrdreg $0x0  }
0xa8: {  	s5 =	sshll.u32 s28, $0x1;
	[dreg:$0x2] =	wrdreg s3  }
0xa9: {  	[dreg:$0x3] =	wrdreg s5  }
0xaa: {  	[dreg:$0x4] =	wrdreg $0xC0  }
0xab: {  	_ =	task [dreg:s7], $0x5FFFF  }
0xac: {  	[dreg:$0x1] =	wrdreg $0xFFFFFFFF  }
0xad: {  	[dreg:$0x0] =	wrdreg $0x60  }
0xae: {  	[dreg:$0x2] =	wrdreg s24  }
0xaf: {  	[dreg:$0x3] =	wrdreg s2  }
0xb0: {  	[dreg:$0x4] =	wrdreg $0x0  }
0xb1: {  	[dreg:$0x5] =	wrdreg $0x9  }
0xb2: {  	_ =	task.clear_ibuf [dreg:s7], $0x6FFFF;
	_ =	strace $0x90000046  }
0xb3: {  	s29 =	simm.s32 $0x9;
	_ =	strace $0x80000048  }
0xb4: {  	_ =	swait.ge [sflag:s29], $0x1  }
0xb5: {  	[sflag:s29] =	ssyncadd.s32 $0xFFFFFFFF  }
0xb6: {  	_ =	strace $0x90000048  }
0xb7: {  	_ =	sfence  }
0xb8: {  	s30 =	sld [smem:$0x0];
	_ =	sdelay $0x2  }
0xb9: {  	s31 =	sshll.u32 s1, $0xD;
	s1 =	sshrl.u32 s1, $0x2  }
0xba: {  	s3 =	sand.u32 $0x4000, s31;
	s1 =	sadd.s32 s1, s30  }
0xbb: {  	s0 =	sor.u32 s3, s0;
	s1 =	sshll.u32 s1, $0x11  }
0xbc: {  	s0 =	sor.u32 s1, s0  }
0xbd: {  	s0 =	sadd.s32 $0x8F2B, s0  }
0xbe: {  	[sflag:s0] =	ssyncadd.remote.s32 $0x1  }
0xbf: {  	_ =	sfence.sel $0xFFFF  }
0xc0: {  	[dreg:$0x0] =	wrdreg $0xFFFFFFFF;
	(pc) =	sbr.abs _section_cstart, $3  }
0xc1: {  	[dreg:$0x1] =	wrdreg $0xFFFFFFFF  }
0xc2: {  	_ =	task.clear_ibuf [dreg:s7], $0x2FFFF;
	_ =	strace $0x9FFFFFFF  }
0xc3: {  	(tm) =	ssettm $0x7FFFFFFF  }
tec
execute0_lowered:
.L_overlay_start_1:
0x0: {  	(tag) =	ssettag $0x1  }
0x1: {  	s2 =	rddreg [dreg:$0x0]  }
0x2: {  	s0 =	rddreg [dreg:$0x1]  }
0x3: {  	s1 =	rddreg [dreg:$0x2]  }
0x4: {  	s3 =	simm.s32 $0x0;
	s25 =	stileid.u32;
	s5 =	srdreg.scid  }
0x5: {  	s28 =	simm.s32 $0x3;
	s29 =	simm.s32 $0x78;
	s6 =	smul.u32 $0x580, s25  }
0x6: {  	s30 =	simm.s32 $0x16500;
	s8 =	smul.u32 $0xA000, s25;
	s13 =	sor.u32 $0x10, s25  }
0x7: {  	s31 =	simm.s32 $0x16580;
	s15 =	sor.u32 $0x20, s25;
	s10 =	smul.u32 $0xA000, s13  }
0x8: {  	[smem:$0x7FF] =	sst s3;
	s16 =	sor.u32 $0x30, s25;
	s22 =	smul.u32 $0xA000, s15  }
0x9: {  	s4 =	sadd.s32 $0x27C00, s2;
	s17 =	sor.u32 $0x40, s25;
	s23 =	smul.u32 $0xA000, s16  }
0xa: {  	s12 =	sand.u32 $0x1, s5;
	s18 =	sor.u32 $0x50, s25;
	s24 =	smul.u32 $0xA000, s17  }
0xb: {  	s5 =	sadd.s32 $0xA00, s2;
	s19 =	sor.u32 $0x60, s25;
	s11 =	smul.u32 $0xA000, s18  }
0xc: {  	p1 =	sgt.u32 s25, $0xC;
	_ =	strace $0x80000047;
	s15 =	smul.u32 $0x50, s15  }
0xd: {  	s7 =	ssub.s32 $0x2, s12;
	p0 =	seq.s32 s12, $0x1;
	s16 =	smul.u32 $0x50, s16  }
0xe: {  	s17 =	smul.u32 $0x50, s17;
	s9 =	sshrl.u32 s7, $0x1;
	s14 =	sadd.s32 s6, s2  }
0xf: {  	s20 =	sshrl.u32 s8, $0x2;
	s2 =	ssub.s32 s7, s9;
	s21 =	sshrl.u32 s10, $0x2  }
0x10: {  	s6 =	sadd.s32 s20, s1;
	s8 =	sshrl.u32 s22, $0x2;
	s9 =	sshrl.u32 s23, $0x2  }
0x11: {  	s10 =	sshrl.u32 s24, $0x2;
	s20 =	smul.u32 $0xA000, s19;
	s11 =	sshrl.u32 s11, $0x2  }
0x12: {  	s22 =	sor.u32 $0x70, s25;
	s23 =	smul.u32 $0x50, s25;
	s14 =	sadd.s32 $0x4EE00, s14  }
0x13: {  	s25 =	simm.s32 $0x16600;
	s7 =	sadd.s32 s21, s1;
	s8 =	sadd.s32 s8, s1  }
0x14: {  	s9 =	sadd.s32 s9, s1;
	s10 =	sadd.s32 s10, s1;
	s21 =	smul.u32 $0x2710, s12  }
0x15: {  	s11 =	sadd.s32 s11, s1;
	s24 =	smul.u32 $0xA000, s22;
	s20 =	sshrl.u32 s20, $0x2  }
0x16: {  	[dreg:$0x4] =	wrdreg s14;
	s12 =	sadd.s32 s20, s1;
	s20 =	sadd.s32 s23, s21  }
0x17: {  	s23 =	smul.u32 $0x50, s13;
	s26 =	sshrl.u32 s24, $0x2;
	s15 =	sadd.s32 s21, s15  }
0x18: {  	s16 =	sadd.s32 s21, s16;
	s13 =	sadd.s32 s26, s1;
	s26 =	smul.u32 $0x50, s18  }
0x19: {  	s17 =	sadd.s32 s21, s17;
	s20 =	sshll.u32 s20, $0x4;
	s18 =	smul.u32 $0x50, s19  }
0x1a: {  	s15 =	sshll.u32 s15, $0x4;
	s19 =	smul.u32 $0x50, s22;
	s20 =	sadd.s32 s0, s20  }
0x1b: {  	s23 =	sadd.s32 s21, s23;
	s24 =	sadd.s32 s0, s15;
	s15 =	sshll.u32 s16, $0x4  }
0x1c: {  	s16 =	sshll.u32 s17, $0x4;
	s17 =	simm.s32 $0x0;
	[dreg:$0x5] =	wrdreg s20  }
0x1d: {  	s14 =	sshll.u32 s23, $0x4;
	[dreg:$0x7] =	wrdreg s24;
	s15 =	sadd.s32 s0, s15  }
0x1e: {  	s20 =	sadd.s32 s0, s16;
	s22 =	sadd.s32 s21, s18;
	s23 =	sadd.s32 s21, s19  }
0x1f: {  	s16 =	simm.s32 $0x4;
	s14 =	sadd.s32 s0, s14;
	[dreg:$0x8] =	wrdreg s15  }
0x20: {  	[dreg:$0x9] =	wrdreg s20;
	s24 =	sshll.u32 s22, $0x4;
	s15 =	simm.s32 $0x16680  }
.Ltmp0:
0x21: {  	[dreg:$0x6] =	wrdreg s14;
	s14 =	sadd.s32 s21, s26;
	(pc) =	sbr.rel .LBB2_1-.Ltmp0, $4  }
0x22: {  	s26 =	sshll.u32 s23, $0x4;
	s21 =	sadd.s32 s0, s24;
	s23 =	smax.u32 s2, $0x1  }
0x23: {  	s24 =	simm.s32 $0x16700;
	s2 =	simm.s32 $0x1;
	s14 =	sshll.u32 s14, $0x4  }
0x24: {  	s22 =	sadd.s32 s0, s26;
	s26 =	simm.s32 $0x5;
	s14 =	sadd.s32 s0, s14  }
0x25: {  	v0 =	vimm.f32 $0.0e+00;
	s0 =	simm.s32 $0x1A300;
	[dreg:$0xa] =	wrdreg s14;
	s14 =	simm.s32 $0x2  }
.LBB2_6:
0x26: {  	[tilespmem:$0x166E0] =	vst v1  }
0x27: {  	v1 =	vld [tilespmem:s18+$0x13900];
	_ =	sdelay $0x4  }
0x28: {  	v2 =	vand.u32 $0xFFFF, v1  }
0x29: {  	v1 =	vshra.s32 v1, $0x10;
	[tilespmem:$0x165E8] =	vst v2  }
0x2a: {  	[tilespmem:$0x166E8] =	vst v1  }
0x2b: {  	[tilespmem:s0], [sflag:$0x2] =	stream.indirect.gather [hbm4b:s4+s29], $0x80, s31, s29, $0xb8;
	[tilespmem:$0x1DF00] =	vst v63  }
0x2c: {  	_ =	swait.ge [sflag:s2], $0x3C00  }
0x2d: {  	[sflag:s2] =	ssyncset.done $0x0  }
0x2e: {  	[sflag:s2] =	ssyncadd.s32 $0xFFFFC400  }
0x2f: {  	[spmem:s1] =	stream.indirect.scatter.add.f32 [tilespmem:s24], [sflag:$0x5], $0x80, s25, s29, $0xb8;
	[tilespmem:$0x1DF00] =	vst v63  }
0x30: {  	_ =	swait.ge [sflag:s26], $0x3C00  }
0x31: {  	[sflag:s26] =	ssyncset.done $0x0  }
0x32: {  	[sflag:s26] =	ssyncadd.s32 $0xFFFFC400  }
.LBB2_10:
0x33: {  	_ =	swait.ge [sflag:s14], $0x3C00  }
0x34: {  	[sflag:s14] =	ssyncset.done $0x0  }
0x35: {  	[sflag:s14] =	ssyncadd.s32 $0xFFFFC400  }
0x36: {  	[spmem:s1] =	stream.indirect.scatter.add.f32 [tilespmem:s0], [sflag:$0x5], $0x80, s15, s29, $0xb8;
	[tilespmem:$0x1DF00] =	vst v63  }
0x37: {  	_ =	swait.ge [sflag:s26], $0x3C00  }
0x38: {  	[sflag:s26] =	ssyncset.done $0x0  }
0x39: {  	[sflag:s26] =	ssyncadd.s32 $0xFFFFC400  }
0x3a: {  	[bflag:$0x0] =	sbarrier.arrive $0xFFFF  }
0x3b: {  	[tilespmem:s24], [sflag:$0x5] =	stream.linear.gather [spmem:s6], $0x2800, $0x38;
	[tilespmem:$0x1DF00] =	vst v63  }
0x3c: {  	_ =	swait.ge [sflag:s26], $0x2800  }
0x3d: {  	[sflag:s26] =	ssyncset.done $0x0  }
0x3e: {  	s18 =	rddreg [dreg:$0x5];
	[sflag:s26] =	ssyncadd.s32 $0xFFFFD800  }
0x3f: {  	[hbm4b:s18+s3] =	stream.linear.scatter [tilespmem:s24], [sflag:$0x3], $0x2800, $0x38;
	[tilespmem:$0x1DF00] =	vst v63  }
0x40: {  	_ = 	snop  }
0x41: {  	[tilespmem:s0], [sflag:$0x5] =	stream.linear.gather [spmem:s7], $0x2800, $0x38;
	[tilespmem:$0x1DF00] =	vst v63  }
0x42: {  	_ =	swait.ge [sflag:s26], $0x2800  }
0x43: {  	[sflag:s26] =	ssyncset.done $0x0  }
0x44: {  	s20 =	rddreg [dreg:$0x6];
	[sflag:s26] =	ssyncadd.s32 $0xFFFFD800  }
0x45: {  	[hbm4b:s20+s3] =	stream.linear.scatter [tilespmem:s0], [sflag:$0x4], $0x2800, $0x38;
	[tilespmem:$0x1DF00] =	vst v63  }
0x46: {  	_ =	swait.ge [sflag:s28], $0x2800  }
0x47: {  	[sflag:s28] =	ssyncset.done $0x0  }
0x48: {  	[sflag:s28] =	ssyncadd.s32 $0xFFFFD800  }
0x49: {  	[tilespmem:s24], [sflag:$0x5] =	stream.linear.gather [spmem:s8], $0x2800, $0x38;
	[tilespmem:$0x1DF00] =	vst v63  }
0x4a: {  	_ =	swait.ge [sflag:s26], $0x2800  }
0x4b: {  	[sflag:s26] =	ssyncset.done $0x0  }
0x4c: {  	s19 =	rddreg [dreg:$0x7];
	[sflag:s26] =	ssyncadd.s32 $0xFFFFD800  }
0x4d: {  	[hbm4b:s19+s3] =	stream.linear.scatter [tilespmem:s24], [sflag:$0x3], $0x2800, $0x38;
	[tilespmem:$0x1DF00] =	vst v63  }
0x4e: {  	_ =	swait.ge [sflag:s16], $0x2800  }
0x4f: {  	[sflag:s16] =	ssyncset.done $0x0  }
0x50: {  	[sflag:s16] =	ssyncadd.s32 $0xFFFFD800  }
0x51: {  	[tilespmem:s0], [sflag:$0x5] =	stream.linear.gather [spmem:s9], $0x2800, $0x38;
	[tilespmem:$0x1DF00] =	vst v63  }
0x52: {  	_ =	swait.ge [sflag:s26], $0x2800  }
0x53: {  	[sflag:s26] =	ssyncset.done $0x0  }
0x54: {  	s20 =	rddreg [dreg:$0x8];
	[sflag:s26] =	ssyncadd.s32 $0xFFFFD800  }
0x55: {  	[hbm4b:s20+s3] =	stream.linear.scatter [tilespmem:s0], [sflag:$0x4], $0x2800, $0x38;
	[tilespmem:$0x1DF00] =	vst v63  }
0x56: {  	_ =	swait.ge [sflag:s28], $0x2800  }
0x57: {  	[sflag:s28] =	ssyncset.done $0x0  }
0x58: {  	[sflag:s28] =	ssyncadd.s32 $0xFFFFD800  }
0x59: {  	[tilespmem:s24], [sflag:$0x5] =	stream.linear.gather [spmem:s10], $0x2800, $0x38;
	[tilespmem:$0x1DF00] =	vst v63  }
0x5a: {  	_ =	swait.ge [sflag:s26], $0x2800  }
0x5b: {  	[sflag:s26] =	ssyncset.done $0x0  }
0x5c: {  	s19 =	rddreg [dreg:$0x9];
	[sflag:s26] =	ssyncadd.s32 $0xFFFFD800  }
0x5d: {  	[hbm4b:s19+s3] =	stream.linear.scatter [tilespmem:s24], [sflag:$0x3], $0x2800, $0x38;
	[tilespmem:$0x1DF00] =	vst v63  }
0x5e: {  	_ =	swait.ge [sflag:s16], $0x2800  }
0x5f: {  	[sflag:s16] =	ssyncset.done $0x0  }
0x60: {  	[sflag:s16] =	ssyncadd.s32 $0xFFFFD800  }
0x61: {  	[tilespmem:s0], [sflag:$0x5] =	stream.linear.gather [spmem:s11], $0x2800, $0x38;
	[tilespmem:$0x1DF00] =	vst v63  }
0x62: {  	_ =	swait.ge [sflag:s26], $0x2800  }
0x63: {  	[sflag:s26] =	ssyncset.done $0x0  }
0x64: {  	s20 =	rddreg [dreg:$0xa];
	[sflag:s26] =	ssyncadd.s32 $0xFFFFD800  }
0x65: {  	[hbm4b:s20+s3] =	stream.linear.scatter [tilespmem:s0], [sflag:$0x4], $0x2800, $0x38;
	[tilespmem:$0x1DF00] =	vst v63  }
0x66: {  	_ =	swait.ge [sflag:s28], $0x2800  }
0x67: {  	[sflag:s28] =	ssyncset.done $0x0  }
0x68: {  	[sflag:s28] =	ssyncadd.s32 $0xFFFFD800  }
0x69: {  	[tilespmem:s24], [sflag:$0x5] =	stream.linear.gather [spmem:s12], $0x2800, $0x38;
	[tilespmem:$0x1DF00] =	vst v63  }
0x6a: {  	_ =	swait.ge [sflag:s26], $0x2800  }
0x6b: {  	[sflag:s26] =	ssyncset.done $0x0  }
0x6c: {  	[sflag:s26] =	ssyncadd.s32 $0xFFFFD800  }
0x6d: {  	[hbm4b:s21+s3] =	stream.linear.scatter [tilespmem:s24], [sflag:$0x3], $0x2800, $0x38;
	[tilespmem:$0x1DF00] =	vst v63  }
0x6e: {  	_ =	swait.ge [sflag:s16], $0x2800  }
0x6f: {  	[sflag:s16] =	ssyncset.done $0x0  }
0x70: {  	s18 =	simm.s32 @!p1 $0x1A300;
	s19 =	simm.s32 @!p1 $0x5;
	[sflag:s16] =	ssyncadd.s32 $0xFFFFD800  }
0x71: {  	[tilespmem:s18], [sflag:$0x5] =	stream.linear.gather @!p1 [spmem:s13], $0x2800, $0x38;
	[tilespmem:$0x1DF00] =	vst v63  }
0x72: {  	_ =	swait.ge @!p1 [sflag:s19], $0x2800  }
0x73: {  	[sflag:s19] =	ssyncset.done @!p1 $0x0  }
0x74: {  	[sflag:s19] =	ssyncadd.s32 @!p1 $0xFFFFD800;
	s19 =	simm.s32 @!p1 $0x0  }
0x75: {  	[hbm4b:s22+s19] =	stream.linear.scatter @!p1 [tilespmem:s18], [sflag:$0x4], $0x2800, $0x38;
	[tilespmem:$0x1DF00] =	vst v63  }
0x76: {  	s17 =	sadd.s32 $0x1, s17;
	s18 =	simm.s32 @!p1 $0x3  }
0x77: {  	p2 =	sne.s32 s17, s23;
	_ =	swait.ge @!p1 [sflag:s18], $0x2800  }
.Ltmp1:
0x78: {  	s19 =	simm.s32 @!p1 $0x4;
	[sflag:s18] =	ssyncset.done @!p1 $0x0;
	(pc) =	sbr.rel @!p2 .LBB2_11-.Ltmp1, $4  }
0x79: {  	s19 =	simm.s32 @p1 $0x3;
	[sflag:s18] =	ssyncadd.s32 @!p1 $0xFFFFD800  }
0x7a: {  	_ =	swait.ge [sflag:s19], $0x2800  }
0x7b: {  	[sflag:s19] =	ssyncset.done $0x0  }
0x7c: {  	[sflag:s19] =	ssyncadd.s32 $0xFFFFD800  }
.LBB2_1:
0x7d: {  	s18 =	simm.s32 $0x0;
	s19 =	simm.s32 $0x200  }
.LBB2_2:
0x7e: {  	p2 =	sne.s32 s19, $0x9E00;
	[tilespmem:s18+$0x16770] =	vst v0  }
0x7f: {  	[tilespmem:s18+$0x16700] =	vst v0  }
0x80: {  	[tilespmem:s18+$0x16710] =	vst v0  }
.Ltmp2:
0x81: {  	[tilespmem:s18+$0x16720] =	vst v0;
	(pc) =	sbr.rel @p2 .LBB2_2-.Ltmp2, $4  }
0x82: {  	[tilespmem:s18+$0x16730] =	vst v0  }
0x83: {  	[tilespmem:s18+$0x16740] =	vst v0  }
0x84: {  	[tilespmem:s18+$0x16750] =	vst v0  }
0x85: {  	[tilespmem:s18+$0x16760] =	vst v0;
	s18 =	sshra.s32 s19, $0x2;
	s19 =	sadd.s32 $0x200, s19  }
0x86: {  	[tilespmem:s18+$0x16770] =	vst v0  }
0x87: {  	[tilespmem:s18+$0x16700] =	vst v0  }
0x88: {  	[tilespmem:s18+$0x16710] =	vst v0  }
0x89: {  	[tilespmem:s18+$0x16720] =	vst v0  }
0x8a: {  	[tilespmem:s18+$0x16730] =	vst v0  }
0x8b: {  	[tilespmem:s18+$0x16740] =	vst v0  }
0x8c: {  	[tilespmem:s18+$0x16750] =	vst v0  }
0x8d: {  	[tilespmem:s18+$0x16760] =	vst v0  }
0x8e: {  	[spmem:s6] =	stream.linear.scatter [tilespmem:s24], [sflag:$0x3], $0x2800, $0x38;
	[tilespmem:$0x1DF00] =	vst v63  }
0x8f: {  	_ = 	snop  }
0x90: {  	[spmem:s7] =	stream.linear.scatter [tilespmem:s24], [sflag:$0x3], $0x2800, $0x38;
	[tilespmem:$0x1DF00] =	vst v63  }
0x91: {  	_ = 	snop  }
0x92: {  	[spmem:s8] =	stream.linear.scatter [tilespmem:s24], [sflag:$0x3], $0x2800, $0x38;
	[tilespmem:$0x1DF00] =	vst v63  }
0x93: {  	_ = 	snop  }
0x94: {  	[spmem:s9] =	stream.linear.scatter [tilespmem:s24], [sflag:$0x3], $0x2800, $0x38;
	[tilespmem:$0x1DF00] =	vst v63  }
0x95: {  	_ = 	snop  }
0x96: {  	[spmem:s10] =	stream.linear.scatter [tilespmem:s24], [sflag:$0x3], $0x2800, $0x38;
	[tilespmem:$0x1DF00] =	vst v63  }
0x97: {  	_ = 	snop  }
0x98: {  	[spmem:s11] =	stream.linear.scatter [tilespmem:s24], [sflag:$0x3], $0x2800, $0x38;
	[tilespmem:$0x1DF00] =	vst v63  }
0x99: {  	_ = 	snop  }
0x9a: {  	[spmem:s12] =	stream.linear.scatter [tilespmem:s24], [sflag:$0x3], $0x2800, $0x38;
	[tilespmem:$0x1DF00] =	vst v63  }
0x9b: {  	s18 =	simm.s32 @!p1 $0x16700  }
0x9c: {  	[spmem:s13] =	stream.linear.scatter @!p1 [tilespmem:s18], [sflag:$0x3], $0x2800, $0x38;
	[tilespmem:$0x1DF00] =	vst v63  }
0x9d: {  	s20 =	rddreg [dreg:$0x4];
	s19 =	simm.s32 $0x13900  }
0x9e: {  	[tilespmem:s19], [sflag:$0x5] =	stream.linear.gather [hbm4b:s20+s3], $0x2A00, $0x38;
	[tilespmem:$0x1DF00] =	vst v63  }
0x9f: {  	_ =	swait.ge [sflag:s26], $0x2A00  }
0xa0: {  	[sflag:s26] =	ssyncset.done $0x0  }
0xa1: {  	[sflag:s26] =	ssyncadd.s32 $0xFFFFD600  }
0xa2: {  	v1 =	vld [tilespmem:$0x13900];
	_ =	sdelay $0x1  }
0xa3: {  	v2 =	vld [tilespmem:$0x13910];
	_ =	sdelay $0x1  }
0xa4: {  	v3 =	vld [tilespmem:$0x13920]  }
0xa5: {  	v4 =	vand.u32 $0xFFFF, v1  }
0xa6: {  	v59 =	vld [tilespmem:$0x13930];
	v1 =	vshra.s32 v1, $0x10;
	[tilespmem:$0x16500] =	vst v4  }
0xa7: {  	[tilespmem:$0x16600] =	vst v1;
	v1 =	vand.u32 $0xFFFF, v2  }
0xa8: {  	[tilespmem:$0x16510] =	vst v1;
	v1 =	vshra.s32 v2, $0x10;
	v2 =	vld [tilespmem:$0x13940]  }
0xa9: {  	[tilespmem:$0x16610] =	vst v1;
	v1 =	vand.u32 $0xFFFF, v3  }
0xaa: {  	[tilespmem:$0x16520] =	vst v1;
	v1 =	vshra.s32 v3, $0x10;
	v3 =	vld [tilespmem:$0x13950]  }
0xab: {  	[tilespmem:$0x16620] =	vst v1;
	v1 =	vand.u32 $0xFFFF, v59  }
0xac: {  	v60 =	vld [tilespmem:$0x13960];
	[tilespmem:$0x16530] =	vst v1;
	v1 =	vshra.s32 v59, $0x10  }
0xad: {  	[tilespmem:$0x16630] =	vst v1;
	v1 =	vand.u32 $0xFFFF, v2  }
0xae: {  	[tilespmem:$0x16540] =	vst v1;
	v1 =	vshra.s32 v2, $0x10;
	v2 =	vld [tilespmem:$0x13968]  }
0xaf: {  	[tilespmem:$0x16640] =	vst v1;
	v1 =	vand.u32 $0xFFFF, v3  }
0xb0: {  	[tilespmem:$0x16550] =	vst v1;
	v1 =	vshra.s32 v3, $0x10;
	v3 =	vld [tilespmem:$0x13980]  }
0xb1: {  	[tilespmem:$0x16650] =	vst v1;
	v1 =	vand.u32 $0xFFFF, v60  }
0xb2: {  	v61 =	vld [tilespmem:$0x13990];
	[tilespmem:$0x16560] =	vst v1;
	v1 =	vshra.s32 v60, $0x10  }
0xb3: {  	[tilespmem:$0x16660] =	vst v1;
	v1 =	vand.u32 $0xFFFF, v2  }
0xb4: {  	[tilespmem:$0x16568] =	vst v1;
	v1 =	vshra.s32 v2, $0x10;
	v2 =	vld [tilespmem:$0x139A0]  }
0xb5: {  	[tilespmem:$0x16668] =	vst v1;
	v1 =	vand.u32 $0xFFFF, v3  }
0xb6: {  	[tilespmem:$0x16580] =	vst v1;
	v1 =	vshra.s32 v3, $0x10;
	v3 =	vld [tilespmem:$0x139B0]  }
0xb7: {  	[tilespmem:$0x16680] =	vst v1;
	v1 =	vand.u32 $0xFFFF, v61  }
0xb8: {  	v62 =	vld [tilespmem:$0x139C0];
	[tilespmem:$0x16590] =	vst v1;
	v1 =	vshra.s32 v61, $0x10  }
0xb9: {  	[tilespmem:$0x16690] =	vst v1;
	v1 =	vand.u32 $0xFFFF, v2  }
0xba: {  	[tilespmem:$0x165A0] =	vst v1;
	v1 =	vshra.s32 v2, $0x10;
	v2 =	vld [tilespmem:$0x139D0]  }
0xbb: {  	[tilespmem:$0x166A0] =	vst v1;
	v1 =	vand.u32 $0xFFFF, v3  }
0xbc: {  	[tilespmem:$0x165B0] =	vst v1;
	v1 =	vshra.s32 v3, $0x10;
	v3 =	vld [tilespmem:$0x139E0]  }
0xbd: {  	[tilespmem:$0x166B0] =	vst v1;
	v1 =	vand.u32 $0xFFFF, v62  }
0xbe: {  	v63 =	vld [tilespmem:$0x139E8];
	[tilespmem:$0x165C0] =	vst v1;
	v1 =	vshra.s32 v62, $0x10  }
0xbf: {  	[tilespmem:$0x166C0] =	vst v1;
	v1 =	vand.u32 $0xFFFF, v2  }
0xc0: {  	[tilespmem:$0x165D0] =	vst v1;
	v1 =	vshra.s32 v2, $0x10  }
0xc1: {  	[tilespmem:$0x166D0] =	vst v1;
	v1 =	vand.u32 $0xFFFF, v3  }
0xc2: {  	[tilespmem:$0x165E0] =	vst v1;
	v1 =	vshra.s32 v3, $0x10  }
0xc3: {  	[tilespmem:$0x166E0] =	vst v1;
	v1 =	vand.u32 $0xFFFF, v63  }
0xc4: {  	[tilespmem:$0x165E8] =	vst v1;
	v1 =	vshra.s32 v63, $0x10  }
0xc5: {  	[tilespmem:$0x166E8] =	vst v1  }
0xc6: {  	_ =	swait.ge [sflag:s28], $0x2800  }
0xc7: {  	[sflag:s28] =	ssyncset.done $0x0  }
0xc8: {  	[sflag:s28] =	ssyncadd.s32 $0xFFFFD800  }
0xc9: {  	_ =	swait.ge [sflag:s28], $0x2800  }
0xca: {  	[sflag:s28] =	ssyncset.done $0x0  }
0xcb: {  	[sflag:s28] =	ssyncadd.s32 $0xFFFFD800  }
0xcc: {  	_ =	swait.ge [sflag:s28], $0x2800  }
0xcd: {  	[sflag:s28] =	ssyncset.done $0x0  }
0xce: {  	[sflag:s28] =	ssyncadd.s32 $0xFFFFD800  }
0xcf: {  	_ =	swait.ge [sflag:s28], $0x2800  }
0xd0: {  	[sflag:s28] =	ssyncset.done $0x0  }
0xd1: {  	[sflag:s28] =	ssyncadd.s32 $0xFFFFD800  }
0xd2: {  	_ =	swait.ge [sflag:s28], $0x2800  }
0xd3: {  	[sflag:s28] =	ssyncset.done $0x0  }
0xd4: {  	[sflag:s28] =	ssyncadd.s32 $0xFFFFD800  }
0xd5: {  	_ =	swait.ge [sflag:s28], $0x2800  }
0xd6: {  	[sflag:s28] =	ssyncset.done $0x0  }
0xd7: {  	[sflag:s28] =	ssyncadd.s32 $0xFFFFD800  }
0xd8: {  	_ =	swait.ge [sflag:s28], $0x2800  }
.Ltmp3:
0xd9: {  	[sflag:s28] =	ssyncset.done $0x0;
	(pc) =	sbr.rel @!p0 .LBB2_4-.Ltmp3, $4  }
0xda: {  	s18 =	simm.s32 @!p1 $0x3;
	[sflag:s28] =	ssyncadd.s32 $0xFFFFD800  }
0xdb: {  	_ =	swait.ge @!p1 [sflag:s18], $0x2800  }
0xdc: {  	[sflag:s18] =	ssyncset.done @!p1 $0x0  }
0xdd: {  	[sflag:s18] =	ssyncadd.s32 @!p1 $0xFFFFD800  }
0xde: {  	[tilespmem:s24], [sflag:$0x1] =	stream.indirect.gather [hbm4b:s5+s29], $0x80, s30, s29, $0xb8;
	[tilespmem:$0x1DF00] =	vst v63  }
0xdf: {  	_ = 	snop  }
0xe0: {  	[tilespmem:s0], [sflag:$0x2] =	stream.indirect.gather [hbm4b:s5+s29], $0x80, s31, s29, $0xb8;
	[tilespmem:$0x1DF00] =	vst v63  }
0xe1: {  	[bflag:$0x0] =	sbarrier.arrive $0xFFFF  }
0xe2: {  	_ =	swait.ge [sflag:s2], $0x3C00  }
0xe3: {  	[sflag:s2] =	ssyncset.done $0x0  }
0xe4: {  	[sflag:s2] =	ssyncadd.s32 $0xFFFFC400  }
0xe5: {  	[spmem:s1] =	stream.indirect.scatter.add.f32 [tilespmem:s24], [sflag:$0x5], $0x80, s25, s29, $0xb8;
	[tilespmem:$0x1DF00] =	vst v63  }
0xe6: {  	_ =	swait.ge [sflag:s26], $0x3C00  }
0xe7: {  	[sflag:s26] =	ssyncset.done $0x0  }
0xe8: {  	s18 =	simm.s32 $0x1E8;
	[sflag:s26] =	ssyncadd.s32 $0xFFFFC400  }
0xe9: {  	v1 =	vld [tilespmem:s18+$0x13818];
	_ =	sdelay $0x4  }
0xea: {  	v2 =	vand.u32 $0xFFFF, v1  }
0xeb: {  	v1 =	vshra.s32 v1, $0x10;
	[tilespmem:$0x16500] =	vst v2  }
0xec: {  	[tilespmem:$0x16600] =	vst v1  }
0xed: {  	v1 =	vld [tilespmem:s18+$0x13828];
	_ =	sdelay $0x4  }
0xee: {  	v2 =	vand.u32 $0xFFFF, v1  }
0xef: {  	v1 =	vshra.s32 v1, $0x10;
	[tilespmem:$0x16510] =	vst v2  }
0xf0: {  	[tilespmem:$0x16610] =	vst v1  }
0xf1: {  	v1 =	vld [tilespmem:s18+$0x13838];
	_ =	sdelay $0x4  }
0xf2: {  	v2 =	vand.u32 $0xFFFF, v1  }
0xf3: {  	v1 =	vshra.s32 v1, $0x10;
	[tilespmem:$0x16520] =	vst v2  }
0xf4: {  	[tilespmem:$0x16620] =	vst v1  }
0xf5: {  	v1 =	vld [tilespmem:s18+$0x13848];
	_ =	sdelay $0x4  }
0xf6: {  	v2 =	vand.u32 $0xFFFF, v1  }
0xf7: {  	v1 =	vshra.s32 v1, $0x10;
	[tilespmem:$0x16530] =	vst v2  }
0xf8: {  	[tilespmem:$0x16630] =	vst v1  }
0xf9: {  	v1 =	vld [tilespmem:s18+$0x13858];
	_ =	sdelay $0x4  }
0xfa: {  	v2 =	vand.u32 $0xFFFF, v1  }
0xfb: {  	v1 =	vshra.s32 v1, $0x10;
	[tilespmem:$0x16540] =	vst v2  }
0xfc: {  	[tilespmem:$0x16640] =	vst v1  }
0xfd: {  	v1 =	vld [tilespmem:s18+$0x13868];
	_ =	sdelay $0x4  }
0xfe: {  	v2 =	vand.u32 $0xFFFF, v1  }
0xff: {  	v1 =	vshra.s32 v1, $0x10;
	[tilespmem:$0x16550] =	vst v2  }
0x100: {  	[tilespmem:$0x16650] =	vst v1  }
0x101: {  	v1 =	vld [tilespmem:s18+$0x13878];
	_ =	sdelay $0x4  }
0x102: {  	v2 =	vand.u32 $0xFFFF, v1  }
0x103: {  	v1 =	vshra.s32 v1, $0x10;
	[tilespmem:$0x16560] =	vst v2  }
0x104: {  	[tilespmem:$0x16660] =	vst v1  }
0x105: {  	v1 =	vld [tilespmem:s18+$0x13880];
	_ =	sdelay $0x4  }
0x106: {  	v2 =	vand.u32 $0xFFFF, v1  }
0x107: {  	v1 =	vshra.s32 v1, $0x10;
	[tilespmem:$0x16568] =	vst v2  }
0x108: {  	[tilespmem:$0x16668] =	vst v1  }
0x109: {  	[tilespmem:s24], [sflag:$0x1] =	stream.indirect.gather [hbm4b:s5+s29], $0x80, s30, s29, $0xb8;
	[tilespmem:$0x1DF00] =	vst v63  }
0x10a: {  	_ =	swait.ge [sflag:s14], $0x3C00  }
0x10b: {  	[sflag:s14] =	ssyncset.done $0x0  }
0x10c: {  	[sflag:s14] =	ssyncadd.s32 $0xFFFFC400  }
0x10d: {  	[spmem:s1] =	stream.indirect.scatter.add.f32 [tilespmem:s0], [sflag:$0x5], $0x80, s15, s29, $0xb8;
	[tilespmem:$0x1DF00] =	vst v63  }
0x10e: {  	_ =	swait.ge [sflag:s26], $0x3C00  }
0x10f: {  	[sflag:s26] =	ssyncset.done $0x0  }
0x110: {  	[sflag:s26] =	ssyncadd.s32 $0xFFFFC400  }
0x111: {  	v1 =	vld [tilespmem:s18+$0x13898];
	_ =	sdelay $0x4  }
0x112: {  	v2 =	vand.u32 $0xFFFF, v1  }
0x113: {  	v1 =	vshra.s32 v1, $0x10;
	[tilespmem:$0x16580] =	vst v2  }
0x114: {  	[tilespmem:$0x16680] =	vst v1  }
0x115: {  	v1 =	vld [tilespmem:s18+$0x138A8];
	_ =	sdelay $0x4  }
0x116: {  	v2 =	vand.u32 $0xFFFF, v1  }
0x117: {  	v1 =	vshra.s32 v1, $0x10;
	[tilespmem:$0x16590] =	vst v2  }
0x118: {  	[tilespmem:$0x16690] =	vst v1  }
0x119: {  	v1 =	vld [tilespmem:s18+$0x138B8];
	_ =	sdelay $0x4  }
0x11a: {  	v2 =	vand.u32 $0xFFFF, v1  }
0x11b: {  	v1 =	vshra.s32 v1, $0x10;
	[tilespmem:$0x165A0] =	vst v2  }
0x11c: {  	[tilespmem:$0x166A0] =	vst v1  }
0x11d: {  	v1 =	vld [tilespmem:s18+$0x138C8];
	_ =	sdelay $0x4  }
0x11e: {  	v2 =	vand.u32 $0xFFFF, v1  }
0x11f: {  	v1 =	vshra.s32 v1, $0x10;
	[tilespmem:$0x165B0] =	vst v2  }
0x120: {  	[tilespmem:$0x166B0] =	vst v1  }
0x121: {  	v1 =	vld [tilespmem:s18+$0x138D8];
	_ =	sdelay $0x4  }
0x122: {  	v2 =	vand.u32 $0xFFFF, v1  }
0x123: {  	v1 =	vshra.s32 v1, $0x10;
	[tilespmem:$0x165C0] =	vst v2  }
0x124: {  	[tilespmem:$0x166C0] =	vst v1  }
0x125: {  	v1 =	vld [tilespmem:s18+$0x138E8];
	_ =	sdelay $0x4  }
0x126: {  	v2 =	vand.u32 $0xFFFF, v1  }
0x127: {  	v1 =	vshra.s32 v1, $0x10;
	[tilespmem:$0x165D0] =	vst v2  }
0x128: {  	[tilespmem:$0x166D0] =	vst v1  }
0x129: {  	v1 =	vld [tilespmem:s18+$0x138F8];
	_ =	sdelay $0x4  }
0x12a: {  	v2 =	vand.u32 $0xFFFF, v1  }
0x12b: {  	s19 =	simm.s32 $0xBA0;
	v1 =	vshra.s32 v1, $0x10;
	[tilespmem:$0x165E0] =	vst v2  }
.LBB2_8:
0x12c: {  	p2 =	sne.s32 s19, $0xA7A0;
	[tilespmem:$0x166E0] =	vst v1;
	s20 =	smov.u32 s19;
	s19 =	sadd.s32 $0x400, s19  }
0x12d: {  	v1 =	vld [tilespmem:s18+$0x13900];
	_ =	sdelay $0x4  }
0x12e: {  	v2 =	vand.u32 $0xFFFF, v1;
	v1 =	vshra.s32 v1, $0x10  }
0x12f: {  	[tilespmem:$0x165E8] =	vst v2  }
0x130: {  	[tilespmem:$0x166E8] =	vst v1  }
0x131: {  	[tilespmem:s0], [sflag:$0x2] =	stream.indirect.gather [hbm4b:s5+s29], $0x80, s31, s29, $0xb8;
	[tilespmem:$0x1DF00] =	vst v63  }
0x132: {  	_ =	swait.ge [sflag:s2], $0x3C00  }
0x133: {  	[sflag:s2] =	ssyncset.done $0x0  }
0x134: {  	[sflag:s2] =	ssyncadd.s32 $0xFFFFC400  }
0x135: {  	[spmem:s1] =	stream.indirect.scatter.add.f32 [tilespmem:s24], [sflag:$0x5], $0x80, s25, s29, $0xb8;
	[tilespmem:$0x1DF00] =	vst v63  }
0x136: {  	_ =	swait.ge [sflag:s26], $0x3C00  }
0x137: {  	[sflag:s26] =	ssyncset.done $0x0  }
0x138: {  	s18 =	sshra.s32 s20, $0x2;
	[sflag:s26] =	ssyncadd.s32 $0xFFFFC400  }
0x139: {  	v1 =	vld [tilespmem:s18+$0x13818];
	_ =	sdelay $0x4  }
0x13a: {  	v2 =	vand.u32 $0xFFFF, v1;
	v1 =	vshra.s32 v1, $0x10  }
0x13b: {  	[tilespmem:$0x16500] =	vst v2  }
0x13c: {  	[tilespmem:$0x16600] =	vst v1  }
0x13d: {  	v1 =	vld [tilespmem:s18+$0x13828];
	_ =	sdelay $0x4  }
0x13e: {  	v2 =	vand.u32 $0xFFFF, v1;
	v1 =	vshra.s32 v1, $0x10  }
0x13f: {  	[tilespmem:$0x16510] =	vst v2  }
0x140: {  	[tilespmem:$0x16610] =	vst v1  }
0x141: {  	v1 =	vld [tilespmem:s18+$0x13838];
	_ =	sdelay $0x4  }
0x142: {  	v2 =	vand.u32 $0xFFFF, v1;
	v1 =	vshra.s32 v1, $0x10  }
0x143: {  	[tilespmem:$0x16520] =	vst v2  }
0x144: {  	[tilespmem:$0x16620] =	vst v1  }
0x145: {  	v1 =	vld [tilespmem:s18+$0x13848];
	_ =	sdelay $0x4  }
0x146: {  	v2 =	vand.u32 $0xFFFF, v1;
	v1 =	vshra.s32 v1, $0x10  }
0x147: {  	[tilespmem:$0x16530] =	vst v2  }
0x148: {  	[tilespmem:$0x16630] =	vst v1  }
0x149: {  	v1 =	vld [tilespmem:s18+$0x13858];
	_ =	sdelay $0x4  }
0x14a: {  	v2 =	vand.u32 $0xFFFF, v1;
	v1 =	vshra.s32 v1, $0x10  }
0x14b: {  	[tilespmem:$0x16540] =	vst v2  }
0x14c: {  	[tilespmem:$0x16640] =	vst v1  }
0x14d: {  	v1 =	vld [tilespmem:s18+$0x13868];
	_ =	sdelay $0x4  }
0x14e: {  	v2 =	vand.u32 $0xFFFF, v1;
	v1 =	vshra.s32 v1, $0x10  }
0x14f: {  	[tilespmem:$0x16550] =	vst v2  }
0x150: {  	[tilespmem:$0x16650] =	vst v1  }
0x151: {  	v1 =	vld [tilespmem:s18+$0x13878];
	_ =	sdelay $0x4  }
0x152: {  	v2 =	vand.u32 $0xFFFF, v1;
	v1 =	vshra.s32 v1, $0x10  }
0x153: {  	[tilespmem:$0x16560] =	vst v2  }
0x154: {  	[tilespmem:$0x16660] =	vst v1  }
0x155: {  	v1 =	vld [tilespmem:s18+$0x13880];
	_ =	sdelay $0x4  }
0x156: {  	v2 =	vand.u32 $0xFFFF, v1;
	v1 =	vshra.s32 v1, $0x10  }
0x157: {  	[tilespmem:$0x16568] =	vst v2  }
0x158: {  	[tilespmem:$0x16668] =	vst v1  }
0x159: {  	[tilespmem:s24], [sflag:$0x1] =	stream.indirect.gather [hbm4b:s5+s29], $0x80, s30, s29, $0xb8;
	[tilespmem:$0x1DF00] =	vst v63  }
0x15a: {  	_ =	swait.ge [sflag:s14], $0x3C00  }
0x15b: {  	[sflag:s14] =	ssyncset.done $0x0  }
0x15c: {  	[sflag:s14] =	ssyncadd.s32 $0xFFFFC400  }
0x15d: {  	[spmem:s1] =	stream.indirect.scatter.add.f32 [tilespmem:s0], [sflag:$0x5], $0x80, s15, s29, $0xb8;
	[tilespmem:$0x1DF00] =	vst v63  }
0x15e: {  	_ =	swait.ge [sflag:s26], $0x3C00  }
0x15f: {  	[sflag:s26] =	ssyncset.done $0x0  }
0x160: {  	[sflag:s26] =	ssyncadd.s32 $0xFFFFC400  }
0x161: {  	v1 =	vld [tilespmem:s18+$0x13898];
	_ =	sdelay $0x4  }
0x162: {  	v2 =	vand.u32 $0xFFFF, v1;
	v1 =	vshra.s32 v1, $0x10  }
0x163: {  	[tilespmem:$0x16580] =	vst v2  }
0x164: {  	[tilespmem:$0x16680] =	vst v1  }
0x165: {  	v1 =	vld [tilespmem:s18+$0x138A8];
	_ =	sdelay $0x4  }
0x166: {  	v2 =	vand.u32 $0xFFFF, v1;
	v1 =	vshra.s32 v1, $0x10  }
0x167: {  	[tilespmem:$0x16590] =	vst v2  }
0x168: {  	[tilespmem:$0x16690] =	vst v1  }
0x169: {  	v1 =	vld [tilespmem:s18+$0x138B8];
	_ =	sdelay $0x4  }
0x16a: {  	v2 =	vand.u32 $0xFFFF, v1;
	v1 =	vshra.s32 v1, $0x10  }
0x16b: {  	[tilespmem:$0x165A0] =	vst v2  }
0x16c: {  	[tilespmem:$0x166A0] =	vst v1  }
0x16d: {  	v1 =	vld [tilespmem:s18+$0x138C8];
	_ =	sdelay $0x4  }
0x16e: {  	v2 =	vand.u32 $0xFFFF, v1;
	v1 =	vshra.s32 v1, $0x10  }
0x16f: {  	[tilespmem:$0x165B0] =	vst v2  }
0x170: {  	[tilespmem:$0x166B0] =	vst v1  }
0x171: {  	v1 =	vld [tilespmem:s18+$0x138D8];
	_ =	sdelay $0x4  }
0x172: {  	v2 =	vand.u32 $0xFFFF, v1;
	v1 =	vshra.s32 v1, $0x10  }
0x173: {  	[tilespmem:$0x165C0] =	vst v2  }
0x174: {  	[tilespmem:$0x166C0] =	vst v1  }
0x175: {  	v1 =	vld [tilespmem:s18+$0x138E8];
	_ =	sdelay $0x4  }
0x176: {  	v2 =	vand.u32 $0xFFFF, v1;
	v1 =	vshra.s32 v1, $0x10  }
0x177: {  	[tilespmem:$0x165D0] =	vst v2  }
0x178: {  	[tilespmem:$0x166D0] =	vst v1  }
0x179: {  	v1 =	vld [tilespmem:s18+$0x138F8];
	_ =	sdelay $0x1  }
.Ltmp4:
0x17a: {  	(pc) =	sbr.rel @p2 .LBB2_8-.Ltmp4, $3  }
0x17b: {  	_ =	sdelay $0x1  }
0x17c: {  	v2 =	vand.u32 $0xFFFF, v1;
	v1 =	vshra.s32 v1, $0x10  }
0x17d: {  	[tilespmem:$0x165E0] =	vst v2  }
0x17e: {  	[tilespmem:$0x166E0] =	vst v1  }
0x17f: {  	v1 =	vld [tilespmem:s18+$0x13900];
	_ =	sdelay $0x4  }
0x180: {  	v2 =	vand.u32 $0xFFFF, v1  }
0x181: {  	v1 =	vshra.s32 v1, $0x10;
	[tilespmem:$0x165E8] =	vst v2  }
0x182: {  	[tilespmem:$0x166E8] =	vst v1  }
0x183: {  	[tilespmem:s0], [sflag:$0x2] =	stream.indirect.gather [hbm4b:s5+s29], $0x80, s31, s29, $0xb8;
	[tilespmem:$0x1DF00] =	vst v63  }
0x184: {  	_ =	swait.ge [sflag:s2], $0x3C00  }
0x185: {  	[sflag:s2] =	ssyncset.done $0x0  }
.Ltmp5:
0x186: {  	[sflag:s2] =	ssyncadd.s32 $0xFFFFC400;
	(pc) =	sbr.rel .LBB2_10-.Ltmp5, $4  }
0x187: {  	[spmem:s1] =	stream.indirect.scatter.add.f32 [tilespmem:s24], [sflag:$0x5], $0x80, s25, s29, $0xb8;
	[tilespmem:$0x1DF00] =	vst v63  }
0x188: {  	_ =	swait.ge [sflag:s26], $0x3C00  }
0x189: {  	[sflag:s26] =	ssyncset.done $0x0  }
0x18a: {  	[sflag:s26] =	ssyncadd.s32 $0xFFFFC400  }
.LBB2_4:
0x18b: {  	[tilespmem:s24], [sflag:$0x1] =	stream.indirect.gather [hbm4b:s4+s29], $0x80, s30, s29, $0xb8;
	[tilespmem:$0x1DF00] =	vst v63  }
0x18c: {  	_ = 	snop  }
0x18d: {  	[tilespmem:s0], [sflag:$0x2] =	stream.indirect.gather [hbm4b:s4+s29], $0x80, s31, s29, $0xb8;
	[tilespmem:$0x1DF00] =	vst v63  }
0x18e: {  	[bflag:$0x0] =	sbarrier.arrive $0xFFFF  }
0x18f: {  	_ =	swait.ge [sflag:s2], $0x3C00  }
0x190: {  	[sflag:s2] =	ssyncset.done $0x0  }
0x191: {  	[sflag:s2] =	ssyncadd.s32 $0xFFFFC400  }
0x192: {  	[spmem:s1] =	stream.indirect.scatter.add.f32 [tilespmem:s24], [sflag:$0x5], $0x80, s25, s29, $0xb8;
	[tilespmem:$0x1DF00] =	vst v63  }
0x193: {  	_ =	swait.ge [sflag:s26], $0x3C00  }
0x194: {  	[sflag:s26] =	ssyncset.done $0x0  }
0x195: {  	s18 =	simm.s32 $0x1E8;
	[sflag:s26] =	ssyncadd.s32 $0xFFFFC400  }
0x196: {  	v1 =	vld [tilespmem:s18+$0x13818];
	_ =	sdelay $0x4  }
0x197: {  	v2 =	vand.u32 $0xFFFF, v1  }
0x198: {  	v1 =	vshra.s32 v1, $0x10;
	[tilespmem:$0x16500] =	vst v2  }
0x199: {  	[tilespmem:$0x16600] =	vst v1  }
0x19a: {  	v1 =	vld [tilespmem:s18+$0x13828];
	_ =	sdelay $0x4  }
0x19b: {  	v2 =	vand.u32 $0xFFFF, v1  }
0x19c: {  	v1 =	vshra.s32 v1, $0x10;
	[tilespmem:$0x16510] =	vst v2  }
0x19d: {  	[tilespmem:$0x16610] =	vst v1  }
0x19e: {  	v1 =	vld [tilespmem:s18+$0x13838];
	_ =	sdelay $0x4  }
0x19f: {  	v2 =	vand.u32 $0xFFFF, v1  }
0x1a0: {  	v1 =	vshra.s32 v1, $0x10;
	[tilespmem:$0x16520] =	vst v2  }
0x1a1: {  	[tilespmem:$0x16620] =	vst v1  }
0x1a2: {  	v1 =	vld [tilespmem:s18+$0x13848];
	_ =	sdelay $0x4  }
0x1a3: {  	v2 =	vand.u32 $0xFFFF, v1  }
0x1a4: {  	v1 =	vshra.s32 v1, $0x10;
	[tilespmem:$0x16530] =	vst v2  }
0x1a5: {  	[tilespmem:$0x16630] =	vst v1  }
0x1a6: {  	v1 =	vld [tilespmem:s18+$0x13858];
	_ =	sdelay $0x4  }
0x1a7: {  	v2 =	vand.u32 $0xFFFF, v1  }
0x1a8: {  	v1 =	vshra.s32 v1, $0x10;
	[tilespmem:$0x16540] =	vst v2  }
0x1a9: {  	[tilespmem:$0x16640] =	vst v1  }
0x1aa: {  	v1 =	vld [tilespmem:s18+$0x13868];
	_ =	sdelay $0x4  }
0x1ab: {  	v2 =	vand.u32 $0xFFFF, v1  }
0x1ac: {  	v1 =	vshra.s32 v1, $0x10;
	[tilespmem:$0x16550] =	vst v2  }
0x1ad: {  	[tilespmem:$0x16650] =	vst v1  }
0x1ae: {  	v1 =	vld [tilespmem:s18+$0x13878];
	_ =	sdelay $0x4  }
0x1af: {  	v2 =	vand.u32 $0xFFFF, v1  }
0x1b0: {  	v1 =	vshra.s32 v1, $0x10;
	[tilespmem:$0x16560] =	vst v2  }
0x1b1: {  	[tilespmem:$0x16660] =	vst v1  }
0x1b2: {  	v1 =	vld [tilespmem:s18+$0x13880];
	_ =	sdelay $0x4  }
0x1b3: {  	v2 =	vand.u32 $0xFFFF, v1  }
0x1b4: {  	v1 =	vshra.s32 v1, $0x10;
	[tilespmem:$0x16568] =	vst v2  }
0x1b5: {  	[tilespmem:$0x16668] =	vst v1  }
0x1b6: {  	[tilespmem:s24], [sflag:$0x1] =	stream.indirect.gather [hbm4b:s4+s29], $0x80, s30, s29, $0xb8;
	[tilespmem:$0x1DF00] =	vst v63  }
0x1b7: {  	_ =	swait.ge [sflag:s14], $0x3C00  }
0x1b8: {  	[sflag:s14] =	ssyncset.done $0x0  }
0x1b9: {  	[sflag:s14] =	ssyncadd.s32 $0xFFFFC400  }
0x1ba: {  	[spmem:s1] =	stream.indirect.scatter.add.f32 [tilespmem:s0], [sflag:$0x5], $0x80, s15, s29, $0xb8;
	[tilespmem:$0x1DF00] =	vst v63  }
0x1bb: {  	_ =	swait.ge [sflag:s26], $0x3C00  }
0x1bc: {  	[sflag:s26] =	ssyncset.done $0x0  }
0x1bd: {  	[sflag:s26] =	ssyncadd.s32 $0xFFFFC400  }
0x1be: {  	v1 =	vld [tilespmem:s18+$0x13898];
	_ =	sdelay $0x4  }
0x1bf: {  	v2 =	vand.u32 $0xFFFF, v1  }
0x1c0: {  	v1 =	vshra.s32 v1, $0x10;
	[tilespmem:$0x16580] =	vst v2  }
0x1c1: {  	[tilespmem:$0x16680] =	vst v1  }
0x1c2: {  	v1 =	vld [tilespmem:s18+$0x138A8];
	_ =	sdelay $0x4  }
0x1c3: {  	v2 =	vand.u32 $0xFFFF, v1  }
0x1c4: {  	v1 =	vshra.s32 v1, $0x10;
	[tilespmem:$0x16590] =	vst v2  }
0x1c5: {  	[tilespmem:$0x16690] =	vst v1  }
0x1c6: {  	v1 =	vld [tilespmem:s18+$0x138B8];
	_ =	sdelay $0x4  }
0x1c7: {  	v2 =	vand.u32 $0xFFFF, v1  }
0x1c8: {  	v1 =	vshra.s32 v1, $0x10;
	[tilespmem:$0x165A0] =	vst v2  }
0x1c9: {  	[tilespmem:$0x166A0] =	vst v1  }
0x1ca: {  	v1 =	vld [tilespmem:s18+$0x138C8];
	_ =	sdelay $0x4  }
0x1cb: {  	v2 =	vand.u32 $0xFFFF, v1  }
0x1cc: {  	v1 =	vshra.s32 v1, $0x10;
	[tilespmem:$0x165B0] =	vst v2  }
0x1cd: {  	[tilespmem:$0x166B0] =	vst v1  }
0x1ce: {  	v1 =	vld [tilespmem:s18+$0x138D8];
	_ =	sdelay $0x4  }
0x1cf: {  	v2 =	vand.u32 $0xFFFF, v1  }
0x1d0: {  	v1 =	vshra.s32 v1, $0x10;
	[tilespmem:$0x165C0] =	vst v2  }
0x1d1: {  	[tilespmem:$0x166C0] =	vst v1  }
0x1d2: {  	v1 =	vld [tilespmem:s18+$0x138E8];
	_ =	sdelay $0x4  }
0x1d3: {  	v2 =	vand.u32 $0xFFFF, v1  }
0x1d4: {  	v1 =	vshra.s32 v1, $0x10;
	[tilespmem:$0x165D0] =	vst v2  }
0x1d5: {  	[tilespmem:$0x166D0] =	vst v1  }
0x1d6: {  	v1 =	vld [tilespmem:s18+$0x138F8];
	_ =	sdelay $0x4  }
0x1d7: {  	v2 =	vand.u32 $0xFFFF, v1  }
0x1d8: {  	s19 =	simm.s32 $0xBA0;
	v1 =	vshra.s32 v1, $0x10;
	[tilespmem:$0x165E0] =	vst v2  }
.LBB2_5:
0x1d9: {  	p2 =	seq.s32 s19, $0xA7A0;
	[tilespmem:$0x166E0] =	vst v1;
	s20 =	smov.u32 s19;
	s19 =	sadd.s32 $0x400, s19  }
0x1da: {  	v1 =	vld [tilespmem:s18+$0x13900];
	_ =	sdelay $0x4  }
0x1db: {  	v2 =	vand.u32 $0xFFFF, v1;
	v1 =	vshra.s32 v1, $0x10  }
0x1dc: {  	[tilespmem:$0x165E8] =	vst v2  }
0x1dd: {  	[tilespmem:$0x166E8] =	vst v1  }
0x1de: {  	[tilespmem:s0], [sflag:$0x2] =	stream.indirect.gather [hbm4b:s4+s29], $0x80, s31, s29, $0xb8;
	[tilespmem:$0x1DF00] =	vst v63  }
0x1df: {  	_ =	swait.ge [sflag:s2], $0x3C00  }
0x1e0: {  	[sflag:s2] =	ssyncset.done $0x0  }
0x1e1: {  	[sflag:s2] =	ssyncadd.s32 $0xFFFFC400  }
0x1e2: {  	[spmem:s1] =	stream.indirect.scatter.add.f32 [tilespmem:s24], [sflag:$0x5], $0x80, s25, s29, $0xb8;
	[tilespmem:$0x1DF00] =	vst v63  }
0x1e3: {  	_ =	swait.ge [sflag:s26], $0x3C00  }
0x1e4: {  	[sflag:s26] =	ssyncset.done $0x0  }
0x1e5: {  	s18 =	sshra.s32 s20, $0x2;
	[sflag:s26] =	ssyncadd.s32 $0xFFFFC400  }
0x1e6: {  	v1 =	vld [tilespmem:s18+$0x13818];
	_ =	sdelay $0x4  }
0x1e7: {  	v2 =	vand.u32 $0xFFFF, v1;
	v1 =	vshra.s32 v1, $0x10  }
0x1e8: {  	[tilespmem:$0x16500] =	vst v2  }
0x1e9: {  	[tilespmem:$0x16600] =	vst v1  }
0x1ea: {  	v1 =	vld [tilespmem:s18+$0x13828];
	_ =	sdelay $0x4  }
0x1eb: {  	v2 =	vand.u32 $0xFFFF, v1;
	v1 =	vshra.s32 v1, $0x10  }
0x1ec: {  	[tilespmem:$0x16510] =	vst v2  }
0x1ed: {  	[tilespmem:$0x16610] =	vst v1  }
0x1ee: {  	v1 =	vld [tilespmem:s18+$0x13838];
	_ =	sdelay $0x4  }
0x1ef: {  	v2 =	vand.u32 $0xFFFF, v1;
	v1 =	vshra.s32 v1, $0x10  }
0x1f0: {  	[tilespmem:$0x16520] =	vst v2  }
0x1f1: {  	[tilespmem:$0x16620] =	vst v1  }
0x1f2: {  	v1 =	vld [tilespmem:s18+$0x13848];
	_ =	sdelay $0x4  }
0x1f3: {  	v2 =	vand.u32 $0xFFFF, v1;
	v1 =	vshra.s32 v1, $0x10  }
0x1f4: {  	[tilespmem:$0x16530] =	vst v2  }
0x1f5: {  	[tilespmem:$0x16630] =	vst v1  }
0x1f6: {  	v1 =	vld [tilespmem:s18+$0x13858];
	_ =	sdelay $0x4  }
0x1f7: {  	v2 =	vand.u32 $0xFFFF, v1;
	v1 =	vshra.s32 v1, $0x10  }
0x1f8: {  	[tilespmem:$0x16540] =	vst v2  }
0x1f9: {  	[tilespmem:$0x16640] =	vst v1  }
0x1fa: {  	v1 =	vld [tilespmem:s18+$0x13868];
	_ =	sdelay $0x4  }
0x1fb: {  	v2 =	vand.u32 $0xFFFF, v1;
	v1 =	vshra.s32 v1, $0x10  }
0x1fc: {  	[tilespmem:$0x16550] =	vst v2  }
0x1fd: {  	[tilespmem:$0x16650] =	vst v1  }
0x1fe: {  	v1 =	vld [tilespmem:s18+$0x13878];
	_ =	sdelay $0x4  }
0x1ff: {  	v2 =	vand.u32 $0xFFFF, v1;
	v1 =	vshra.s32 v1, $0x10  }
0x200: {  	[tilespmem:$0x16560] =	vst v2  }
0x201: {  	[tilespmem:$0x16660] =	vst v1  }
0x202: {  	v1 =	vld [tilespmem:s18+$0x13880];
	_ =	sdelay $0x4  }
0x203: {  	v2 =	vand.u32 $0xFFFF, v1;
	v1 =	vshra.s32 v1, $0x10  }
0x204: {  	[tilespmem:$0x16568] =	vst v2  }
0x205: {  	[tilespmem:$0x16668] =	vst v1  }
0x206: {  	[tilespmem:s24], [sflag:$0x1] =	stream.indirect.gather [hbm4b:s4+s29], $0x80, s30, s29, $0xb8;
	[tilespmem:$0x1DF00] =	vst v63  }
0x207: {  	_ =	swait.ge [sflag:s14], $0x3C00  }
0x208: {  	[sflag:s14] =	ssyncset.done $0x0  }
0x209: {  	[sflag:s14] =	ssyncadd.s32 $0xFFFFC400  }
0x20a: {  	[spmem:s1] =	stream.indirect.scatter.add.f32 [tilespmem:s0], [sflag:$0x5], $0x80, s15, s29, $0xb8;
	[tilespmem:$0x1DF00] =	vst v63  }
0x20b: {  	_ =	swait.ge [sflag:s26], $0x3C00  }
0x20c: {  	[sflag:s26] =	ssyncset.done $0x0  }
0x20d: {  	[sflag:s26] =	ssyncadd.s32 $0xFFFFC400  }
0x20e: {  	v1 =	vld [tilespmem:s18+$0x13898];
	_ =	sdelay $0x4  }
0x20f: {  	v2 =	vand.u32 $0xFFFF, v1;
	v1 =	vshra.s32 v1, $0x10  }
0x210: {  	[tilespmem:$0x16580] =	vst v2  }
0x211: {  	[tilespmem:$0x16680] =	vst v1  }
0x212: {  	v1 =	vld [tilespmem:s18+$0x138A8];
	_ =	sdelay $0x4  }
0x213: {  	v2 =	vand.u32 $0xFFFF, v1;
	v1 =	vshra.s32 v1, $0x10  }
0x214: {  	[tilespmem:$0x16590] =	vst v2  }
0x215: {  	[tilespmem:$0x16690] =	vst v1  }
0x216: {  	v1 =	vld [tilespmem:s18+$0x138B8];
	_ =	sdelay $0x4  }
0x217: {  	v2 =	vand.u32 $0xFFFF, v1;
	v1 =	vshra.s32 v1, $0x10  }
0x218: {  	[tilespmem:$0x165A0] =	vst v2  }
0x219: {  	[tilespmem:$0x166A0] =	vst v1  }
0x21a: {  	v1 =	vld [tilespmem:s18+$0x138C8];
	_ =	sdelay $0x4  }
0x21b: {  	v2 =	vand.u32 $0xFFFF, v1;
	v1 =	vshra.s32 v1, $0x10  }
0x21c: {  	[tilespmem:$0x165B0] =	vst v2  }
0x21d: {  	[tilespmem:$0x166B0] =	vst v1  }
0x21e: {  	v1 =	vld [tilespmem:s18+$0x138D8];
	_ =	sdelay $0x4  }
0x21f: {  	v2 =	vand.u32 $0xFFFF, v1;
	v1 =	vshra.s32 v1, $0x10  }
0x220: {  	[tilespmem:$0x165C0] =	vst v2  }
0x221: {  	[tilespmem:$0x166C0] =	vst v1  }
0x222: {  	v1 =	vld [tilespmem:s18+$0x138E8];
	_ =	sdelay $0x4  }
0x223: {  	v2 =	vand.u32 $0xFFFF, v1;
	v1 =	vshra.s32 v1, $0x10  }
0x224: {  	[tilespmem:$0x165D0] =	vst v2  }
0x225: {  	[tilespmem:$0x166D0] =	vst v1  }
0x226: {  	v1 =	vld [tilespmem:s18+$0x138F8];
	_ =	sdelay $0x1  }
.Ltmp6:
0x227: {  	(pc) =	sbr.rel @!p2 .LBB2_5-.Ltmp6, $3  }
0x228: {  	_ =	sdelay $0x1  }
0x229: {  	v2 =	vand.u32 $0xFFFF, v1;
	v1 =	vshra.s32 v1, $0x10  }
0x22a: {  	[tilespmem:$0x165E0] =	vst v2  }
.Ltmp7:
0x22b: {  	_ = 	snop;
	(pc) =	sbr.rel .LBB2_6-.Ltmp7, $1  }
0x22c: {  	_ =	sdelay $0x3  }
.LBB2_11:
0x22d: {  	_ =	sfence.sel $0x180000  }
0x22e: {  	[bflag:$0x0] =	sbarrier.arrive $0xFFFF  }
0x22f: {  	_ =	strace $0x90000047  }
0x230: {  	s0 =	stileid.u32;
	[bflag:$0x2] =	sbarrier.arrive $0xFFFF  }
0x231: {  	p0 =	sne.s32 s0, $0x0;
	s0 =	rddreg [dreg:$0x3]  }
0x232: {  	s0 =	sadd.s32 @!p0 $0x100000, s0  }
0x233: {  	[sflag:s0] =	ssyncadd.tile.s32 @!p0 $0x1;
	_ =	shalt  }
.Lfunc_end2:
_tile_overlayer_lowered:
.L_overlay_start_2:
0x234: {  	(tag) =	ssettag $0x2  }
0x235: {  	s0 =	rddreg [dreg:$0x0];
	s2 =	stileid.u32  }
0x236: {  	s1 =	rddreg [dreg:$0x1];
	p0 =	sne.s32 s2, $0x0  }
0x237: {  	s3 =	rddreg [dreg:$0x2];
	[bflag:$0x3] =	sbarrier.arrive $0xFFFF;
	s2 =	simm.s32 @!p0 $0x1C05  }
0x238: {  	[timem:s3], [sflag:s2] =	dma.local @!p0 [hbm:s0], s1  }
0x239: {  	s0 =	simm.s32 @!p0 $0x5  }
0x23a: {  	_ =	swait.ge @!p0 [sflag:s0], s1  }
0x23b: {  	s1 =	ssub.s32 @!p0 $0x0, s1;
	[sflag:s0] =	ssyncset.done @!p0 $0x0  }
0x23c: {  	[sflag:s0] =	ssyncadd.s32 @!p0 s1  }
0x23d: {  	[bflag:$0x3] =	sbarrier.arrive $0xFFFF  }
0x23e: {  	_ =	shalt  }

</sc_bundles>
